<compile_context>
chip_gen: v7x
topology: tpu7x:2x2x1
jax: 0.10.2.dev20260603
libtpu: 0.0.44.dev20260713+nightly
codegen_flags: <defaults>
</compile_context>

<pallas_src>
import functools

import jax
import jax.numpy as jnp
from jax import lax
from jax.experimental import pallas as pl
from jax.experimental.pallas import tpu as pltpu
from jax.experimental.pallas import tpu_sc as plsc

D = 48
NW = 32
KE = 80



@functools.cache
def _make_gather(N, E):
    per_w = E // NW
    B = per_w // KE
    mesh = plsc.VectorSubcoreMesh(core_axis_name="c", subcore_axis_name="s")

    @functools.partial(
        pl.kernel,
        out_type=[jax.ShapeDtypeStruct((E, 128), jnp.float32),
                  jax.ShapeDtypeStruct((E, 128), jnp.float32)],
        mesh=mesh,
        compiler_params=pltpu.CompilerParams(use_tc_tiling_on_sc=False),
        scratch_types=[pltpu.VMEM((B, KE), jnp.int32),
                       pltpu.VMEM((B, KE), jnp.int32)]
        + [pltpu.VMEM((KE, D), jnp.float32)] * 4
        + [pltpu.SemaphoreType.DMA] * 8,
    )
    def gather(tab, dst3, src3, rd_out, rs_out,
               idx_d, idx_s, bd0, bs0, bd1, bs1,
               gd0, gs0, gd1, gs1, wd0, ws0, wd1, ws1):
        c = lax.axis_index("c")
        s = lax.axis_index("s")
        w = s * 2 + c
        pltpu.sync_copy(dst3.at[w], idx_d)
        pltpu.sync_copy(src3.at[w], idx_s)

        sets = ((bd0, bs0, gd0, gs0, wd0, ws0),
                (bd1, bs1, gd1, gs1, wd1, ws1))

        def g_start(i, p):
            bd, bs, gd, gs, _, _ = sets[p]
            pltpu.async_copy(tab.at[idx_d.at[i]], bd, gd)
            pltpu.async_copy(tab.at[idx_s.at[i]], bs, gs)

        def g_wait(p):
            bd, bs, gd, gs, _, _ = sets[p]
            pltpu.make_async_copy(tab.at[idx_d.at[0]], bd, gd).wait()
            pltpu.make_async_copy(tab.at[idx_s.at[0]], bs, gs).wait()

        def w_start(i, p):
            bd, bs, _, _, wd, ws = sets[p]
            off = pl.multiple_of((w * B + i) * KE, KE)
            pltpu.async_copy(bd, rd_out.at[pl.ds(off, KE), pl.ds(0, D)], wd)
            pltpu.async_copy(bs, rs_out.at[pl.ds(off, KE), pl.ds(0, D)], ws)

        def w_wait(p):
            bd, bs, _, _, wd, ws = sets[p]
            off = pl.multiple_of(w * B * KE, KE)
            pltpu.make_async_copy(bd, rd_out.at[pl.ds(off, KE), pl.ds(0, D)],
                                  wd).wait()
            pltpu.make_async_copy(bs, rs_out.at[pl.ds(off, KE), pl.ds(0, D)],
                                  ws).wait()

        g_start(0, 0)

        def pair(j, carry):
            a = 2 * j

            @pl.when(j > 0)
            def _():
                w_wait(1)

            g_wait(0)
            g_start(a + 1, 1)
            w_start(a, 0)
            g_wait(1)
            w_wait(0)
            w_start(a + 1, 1)
            g_start(a + 2, 0)
            return carry

        lax.fori_loop(0, (B - 1) // 2, pair, 0)
        w_wait(1)
        g_wait(0)
        w_start(B - 1, 0)
        w_wait(0)

    return gather


@functools.cache
def _make_scatter(N, E):
    per_w = E // NW
    B = per_w // KE
    stripe = (N // 16) & ~7
    tail = N - 16 * stripe
    mesh = plsc.VectorSubcoreMesh(core_axis_name="c", subcore_axis_name="s")

    @functools.partial(
        pl.kernel,
        out_type=jax.ShapeDtypeStruct((2, N, D), jnp.float32),
        mesh=mesh,
        compiler_params=pltpu.CompilerParams(use_tc_tiling_on_sc=False),
        scratch_types=[pltpu.VMEM_SHARED((N, D), jnp.float32),
                       pltpu.VMEM((B, KE), jnp.int32)]
        + [pltpu.VMEM((KE, D), jnp.float32)] * 2
        + [pltpu.SemaphoreType.DMA] * 4,
    )
    def scatter(msg, dst3, zeros, out, shared, idx_d, b0, b1,
                l0, l1, s0, s1):
        c = lax.axis_index("c")
        s = lax.axis_index("s")
        w = s * 2 + c
        soff = pl.multiple_of(s * stripe, 8)
        pltpu.sync_copy(zeros.at[pl.ds(soff, stripe)],
                        shared.at[pl.ds(soff, stripe)])
        if tail:
            @pl.when(s == 0)
            def _():
                pltpu.sync_copy(zeros.at[pl.ds(16 * stripe, tail)],
                                shared.at[pl.ds(16 * stripe, tail)])
        pltpu.sync_copy(dst3.at[w], idx_d)
        plsc.subcore_barrier()

        sets = ((b0, l0, s0), (b1, l1, s1))

        def l_start(i, p):
            b, l, _ = sets[p]
            off = pl.multiple_of((w * B + i) * KE, KE)
            pltpu.async_copy(msg.at[pl.ds(off, KE), pl.ds(0, D)], b, l)

        def l_wait(p):
            b, l, _ = sets[p]
            off = pl.multiple_of(w * B * KE, KE)
            pltpu.make_async_copy(msg.at[pl.ds(off, KE), pl.ds(0, D)], b,
                                  l).wait()

        def sc_start(i, p):
            b, _, sm = sets[p]
            pltpu.async_copy(b, shared.at[idx_d.at[i]], sm, add=True)

        def sc_wait(p):
            b, _, sm = sets[p]
            pltpu.make_async_copy(b, shared.at[idx_d.at[0]], sm).wait()

        l_start(0, 0)

        def pair(j, carry):
            a = 2 * j
            l_wait(0)
            sc_start(a, 0)

            @pl.when(j > 0)
            def _():
                sc_wait(1)

            l_start(a + 1, 1)
            l_wait(1)
            sc_start(a + 1, 1)
            sc_wait(0)
            l_start(a + 2, 0)
            return carry

        lax.fori_loop(0, (B - 1) // 2, pair, 0)
        l_wait(0)
        sc_wait(1)
        sc_start(B - 1, 0)
        sc_wait(0)
        plsc.subcore_barrier()
        pltpu.sync_copy(shared.at[pl.ds(soff, stripe)],
                        out.at[c, pl.ds(soff, stripe)])
        if tail:
            @pl.when(s == 0)
            def _():
                pltpu.sync_copy(shared.at[pl.ds(16 * stripe, tail)],
                                out.at[c, pl.ds(16 * stripe, tail)])

    return scatter



def _leaky(v):
    return jnp.where(v > 0, v, 0.01 * v)


def _rsqrt(v):
    r = jax.lax.rsqrt(v)
    return r * (1.5 - 0.5 * v * r * r)


def _sqrt0(v):
    return jnp.where(v > 0, v * _rsqrt(jnp.maximum(v, 1e-30)), 0.0)


def _embed_body(h_ref, w_ref, b_ref, g_ref, bb_ref, o_ref):
    y = jnp.dot(h_ref[...], w_ref[...], preferred_element_type=jnp.float32)
    y = y + b_ref[...]
    mu = jnp.mean(y, axis=0, keepdims=True)
    var = jnp.mean(y * y, axis=0, keepdims=True) - mu * mu
    o_ref[...] = _leaky((y - mu) * _rsqrt(var + 1e-5) * g_ref[...]
                        + bb_ref[...])


def _stats_body(rd_ref, rs_ref, srd_ref, qrd_ref, srs_ref, qrs_ref, dst_ref):
    i = pl.program_id(0)

    @pl.when(i == 0)
    def _():
        srd_ref[...] = jnp.zeros_like(srd_ref)
        qrd_ref[...] = jnp.zeros_like(qrd_ref)
        srs_ref[...] = jnp.zeros_like(srs_ref)
        qrs_ref[...] = jnp.zeros_like(qrs_ref)
        dst_ref[...] = jnp.zeros_like(dst_ref)

    rd = rd_ref[...]
    rs = rs_ref[...]
    diffp = rd[:, 32:48] - rs[:, 32:48]
    dd = jnp.sum(diffp * diffp, axis=1, keepdims=True)
    d = _sqrt0(dd)
    srd_ref[...] += jnp.sum(rd, axis=0, keepdims=True)
    qrd_ref[...] += jnp.sum(rd * rd, axis=0, keepdims=True)
    srs_ref[...] += jnp.sum(rs, axis=0, keepdims=True)
    qrs_ref[...] += jnp.sum(rs * rs, axis=0, keepdims=True)
    dst_ref[...] += jnp.concatenate(
        [jnp.full((1, 8), jnp.sum(d)), jnp.full((1, 8), jnp.sum(dd))], axis=0)


def _edge_body(rd_ref, rs_ref, si_ref, ti_ref, sj_ref, tj_ref, sd_ref,
               td_ref, w1a_ref, w1b_ref, w1d_ref, b1_ref,
               w2_ref, b2_ref, cw1_ref, cb1_ref, cw2_ref, o_ref):
    f32 = jnp.float32
    rd = rd_ref[...]
    rs = rs_ref[...]
    hi_bn = rd[:, :32] * si_ref[...] + ti_ref[...]
    hj_bn = rs[:, :32] * sj_ref[...] + tj_ref[...]
    diffp = rd[:, 32:48] - rs[:, 32:48]
    d = _sqrt0(jnp.sum(diffp * diffp, axis=1, keepdims=True))
    d_bn = d * sd_ref[...] + td_ref[...]
    dq = d_bn.astype(jnp.bfloat16).astype(f32)
    wq = w1d_ref[...].astype(jnp.bfloat16).astype(f32)
    m = jnp.dot(hi_bn, w1a_ref[...], preferred_element_type=f32)
    m = m + jnp.dot(hj_bn, w1b_ref[...], preferred_element_type=f32)
    m = _leaky(m + dq * wq + b1_ref[...])
    m = _leaky(jnp.dot(m, w2_ref[...], preferred_element_type=f32)
               + b2_ref[...])
    cc = _leaky(jnp.dot(m, cw1_ref[...], preferred_element_type=f32)
                + cb1_ref[...])
    c3 = jnp.dot(cc, cw2_ref[...], preferred_element_type=f32)
    o_ref[...] = jnp.concatenate(
        [m, diffp * c3, jnp.zeros((m.shape[0], 80), jnp.float32)], axis=1)


def _node_body(p_ref, h_ref, xp_ref, w1a_ref, w1b_ref, b1_ref, g_ref,
               bb_ref, w2_ref, b2_ref, ho_ref, xo_ref):
    agg = p_ref[0] + p_ref[1]
    m_agg = agg[:, :32]
    xo_ref[...] = xp_ref[...] + agg[:, 32:48]
    h = h_ref[...]
    z = jnp.dot(h, w1a_ref[...], preferred_element_type=jnp.float32)
    z = z + jnp.dot(m_agg, w1b_ref[...], preferred_element_type=jnp.float32)
    z = z + b1_ref[...]
    mu = jnp.mean(z, axis=0, keepdims=True)
    var = jnp.mean(z * z, axis=0, keepdims=True) - mu * mu
    z = _leaky((z - mu) * _rsqrt(var + 1e-5) * g_ref[...] + bb_ref[...])
    ho_ref[...] = jnp.dot(z, w2_ref[...], preferred_element_type=jnp.float32)
    ho_ref[...] += b2_ref[...]


def _out_body(h_ref, w_ref, b_ref, o_ref):
    o_ref[...] = jnp.dot(h_ref[...], w_ref[...],
                         preferred_element_type=jnp.float32) + b_ref[...]



def kernel(h, x, edge_index, params):
    N, IN = h.shape
    E = edge_index.shape[1]
    f32 = jnp.float32

    B = E // NW // KE
    src3 = edge_index[0].astype(jnp.int32).reshape(NW, B, KE)
    dst3 = edge_index[1].astype(jnp.int32).reshape(NW, B, KE)
    xp = jnp.pad(x, ((0, 0), (0, 16 - x.shape[1])))

    r2 = lambda v: v[None, :]

    tc_params = pltpu.CompilerParams(vmem_limit_bytes=100 * 1024 * 1024)
    hh = pl.pallas_call(
        _embed_body,
        compiler_params=tc_params,
        out_shape=jax.ShapeDtypeStruct((N, 32), f32),
    )(h, params['ri_W'].T, r2(params['ri_b']), r2(params['ri_g']),
      r2(params['ri_bb']))

    gather = _make_gather(N, E)
    scatter = _make_scatter(N, E)
    zeros48 = jnp.zeros((N, D), f32)

    KB = 4000
    grid_e = E // KB
    blk = lambda shape: pl.BlockSpec(shape, lambda i: (0, 0))
    eblk = pl.BlockSpec((KB, 128), lambda i: (i, 0))

    for l in range(2):
        p = lambda k: params['l%d_' % l + k]
        tab = jnp.concatenate([hh, xp], axis=1)
        rd, rs = gather(tab, dst3, src3)

        srd, qrd, srs, qrs, dsums = pl.pallas_call(
            _stats_body,
            grid=(grid_e,),
            in_specs=[eblk, eblk],
            out_specs=[blk((1, 128)), blk((1, 128)), blk((1, 128)),
                       blk((1, 128)), blk((2, 8))],
            out_shape=[jax.ShapeDtypeStruct((1, 128), f32)] * 4
            + [jax.ShapeDtypeStruct((2, 8), f32)],
        )(rd, rs)

        mu65 = jnp.concatenate([srd[0, :32], srs[0, :32], dsums[0, :1]]) / E
        ex2 = jnp.concatenate([qrd[0, :32], qrs[0, :32], dsums[1, :1]]) / E
        var65 = ex2 - mu65 * mu65
        s65 = p('ein_g') / jnp.sqrt(var65 + 1e-5)
        t65 = p('ein_b') - mu65 * s65
        W1 = p('e_W1')
        cw2p = jnp.pad(p('c_W2'), ((0, 13), (0, 0))).T

        msg = pl.pallas_call(
            _edge_body,
            grid=(grid_e,),
            in_specs=[eblk, eblk,
                      blk((1, 32)), blk((1, 32)), blk((1, 32)), blk((1, 32)),
                      blk((1, 1)), blk((1, 1)),
                      blk((32, 32)), blk((32, 32)), blk((1, 32)), blk((1, 32)),
                      blk((32, 32)), blk((1, 32)),
                      blk((32, 32)), blk((1, 32)), blk((32, 16))],
            out_specs=eblk,
            out_shape=jax.ShapeDtypeStruct((E, 128), f32),
        )(rd, rs, r2(s65[:32]), r2(t65[:32]), r2(s65[32:64]), r2(t65[32:64]),
          s65[64:].reshape(1, 1), t65[64:].reshape(1, 1),
          W1[:, :32].T, W1[:, 32:64].T, W1[:, 64:65].T, r2(p('e_b1')),
          p('e_W2').T, r2(p('e_b2')), p('c_W1').T, r2(p('c_b1')), cw2p)

        partials = scatter(msg, dst3, zeros48)

        hh, xp = pl.pallas_call(
            _node_body,
            compiler_params=tc_params,
            out_shape=[jax.ShapeDtypeStruct((N, 32), f32),
                       jax.ShapeDtypeStruct((N, 16), f32)],
        )(partials, hh, xp, p('n_W1')[:, :32].T, p('n_W1')[:, 32:].T,
          r2(p('n_b1')), r2(p('n_g')), r2(p('n_bb')), p('n_W2').T,
          r2(p('n_b2')))

    out = pl.pallas_call(
        _out_body,
        compiler_params=tc_params,
        out_shape=jax.ShapeDtypeStruct((N, IN), f32),
    )(hh, params['ro_W'].T, r2(params['ro_b']))

    return jnp.concatenate([out, xp[:, :3]], axis=1)

# --- scband reference (transcript-rebuilt; emitter-appended) ---
"""Pipeline reference for scband-egcn-31834297598021 (READ-ONLY COPY).

The authoritative reference and input builder live on the scoring server;
editing this copy changes nothing except your own understanding.
"""

import jax, jax.numpy as jnp
import numpy as np

NC = 32
CC = 3

def _leaky(v):
    return jnp.where(v > 0, v, 0.01 * v)

def _bn(v, g, b, eps=1e-5):
    mu = jnp.mean(v, axis=0)
    var = jnp.var(v, axis=0)
    return (v - mu) / jnp.sqrt(var + eps) * g + b

def _lin(v, W, b=None):
    y = v @ W.T
    if b is not None:
        y = y + b
    return y

def _layer(h, x, edge_index, p, pre):
    src = edge_index[0]
    dst = edge_index[1]
    h_i = h[dst]; h_j = h[src]
    x_i = x[dst]; x_j = x[src]
    diff = x_i - x_j
    d = jnp.sqrt(jnp.sum(diff * diff, axis=1, keepdims=True))
    m = jnp.concatenate([h_i, h_j, d], axis=1)
    m = _bn(m, p[pre + 'ein_g'], p[pre + 'ein_b'])
    m = _leaky(_lin(m, p[pre + 'e_W1'], p[pre + 'e_b1']))
    m = _leaky(_lin(m, p[pre + 'e_W2'], p[pre + 'e_b2']))
    c = _leaky(_lin(m, p[pre + 'c_W1'], p[pre + 'c_b1']))
    c = _lin(c, p[pre + 'c_W2'])
    x_ij = diff * c
    msg = jnp.concatenate([m, x_ij], axis=1)
    agg = jnp.zeros((h.shape[0], NC + CC), dtype=msg.dtype).at[dst].add(msg)
    m_agg = agg[:, :NC]
    x_new = x + agg[:, NC:]
    z = _lin(jnp.concatenate([h, m_agg], axis=1), p[pre + 'n_W1'], p[pre + 'n_b1'])
    z = _leaky(_bn(z, p[pre + 'n_g'], p[pre + 'n_bb']))
    h_new = _lin(z, p[pre + 'n_W2'], p[pre + 'n_b2'])
    return h_new, x_new

def _forward(h, x, edge_index, params):
    hh = _leaky(_bn(_lin(h, params['ri_W'], params['ri_b']), params['ri_g'], params['ri_bb']))
    xx = x
    for l in range(2):
        hh, xx = _layer(hh, xx, edge_index, params, 'l%d_' % l)
    out = _lin(hh, params['ro_W'], params['ro_b'])
    return jnp.concatenate([out, xx], axis=1)

def setup_inputs(seed: int = 0):
    key = jax.random.key(seed)
    ks = jax.random.split(key, 32)
    N, E = 10000, 320000
    IN, OUT = 128, 128
    h = jax.random.normal(ks[0], (N, IN), dtype=jnp.float32)
    x = jax.random.normal(ks[1], (N, CC), dtype=jnp.float32)
    src = jax.random.randint(ks[2], (E,), 0, N)
    offs = jax.random.randint(ks[3], (E,), 1, N)
    dst = (src + offs) % N
    edge_index = jnp.stack([src, dst], axis=0)
    idx = [4]
    def w(shape, scale=0.1):
        a = jax.random.normal(ks[idx[0]], shape, dtype=jnp.float32) * scale
        idx[0] += 1
        return a
    p = {}
    p['ri_W'] = w((NC, IN)); p['ri_b'] = jnp.zeros((NC,), jnp.float32)
    p['ri_g'] = jnp.ones((NC,), jnp.float32); p['ri_bb'] = jnp.zeros((NC,), jnp.float32)
    for l in range(2):
        pre = 'l%d_' % l
        p[pre + 'ein_g'] = jnp.ones((2 * NC + 1,), jnp.float32)
        p[pre + 'ein_b'] = jnp.zeros((2 * NC + 1,), jnp.float32)
        p[pre + 'e_W1'] = w((NC, 2 * NC + 1)); p[pre + 'e_b1'] = jnp.zeros((NC,), jnp.float32)
        p[pre + 'e_W2'] = w((NC, NC)); p[pre + 'e_b2'] = jnp.zeros((NC,), jnp.float32)
        p[pre + 'c_W1'] = w((NC, NC)); p[pre + 'c_b1'] = jnp.zeros((NC,), jnp.float32)
        p[pre + 'c_W2'] = w((CC, NC), scale=0.001)
        p[pre + 'n_W1'] = w((NC, 2 * NC)); p[pre + 'n_b1'] = jnp.zeros((NC,), jnp.float32)
        p[pre + 'n_g'] = jnp.ones((NC,), jnp.float32); p[pre + 'n_bb'] = jnp.zeros((NC,), jnp.float32)
        p[pre + 'n_W2'] = w((NC, NC)); p[pre + 'n_b2'] = jnp.zeros((NC,), jnp.float32)
    p['ro_W'] = w((OUT, NC)); p['ro_b'] = jnp.zeros((OUT,), jnp.float32)
    return {'h': h, 'x': x, 'edge_index': edge_index, 'params': p}

def reference(h, x, edge_index, params):
    return _forward(h, x, edge_index, params)

if __name__ == "__main__":
    import jax
    _d = setup_inputs()
    print(jax.jit(kernel)(*tuple(_d.values())))

</pallas_src>

<mosaic_0001>
#map = affine_map<(d0, d1) -> (0, 0)>
#map1 = affine_map<(d0, d1) -> (0, 0, 0)>
module attributes {stable_mosaic.version = 14 : i64} {
  func.func @scatter(%arg0: i32, %arg1: i32, %arg2: memref<320000x128xf32, #tpu.memory_space<hbm>>, %arg3: memref<32x125x80xi32, #tpu.memory_space<hbm>>, %arg4: memref<10000x48xf32, #tpu.memory_space<hbm>>, %arg5: memref<2x10000x48xf32, #tpu.memory_space<hbm>>, %arg6: memref<10000x48xf32, #tpu.memory_space<vmem_shared>>, %arg7: memref<125x80xi32, #tpu.memory_space<vmem>>, %arg8: memref<80x48xf32, #tpu.memory_space<vmem>>, %arg9: memref<80x48xf32, #tpu.memory_space<vmem>>, %arg10: memref<!tpu.dma_semaphore, #tpu.memory_space<semaphore_mem>>, %arg11: memref<!tpu.dma_semaphore, #tpu.memory_space<semaphore_mem>>, %arg12: memref<!tpu.dma_semaphore, #tpu.memory_space<semaphore_mem>>, %arg13: memref<!tpu.dma_semaphore, #tpu.memory_space<semaphore_mem>>) attributes {dimension_semantics = [#tpu.dimension_semantics<core_parallel>, #tpu.dimension_semantics<subcore_parallel>], iteration_bounds = array<i64: 2, 16>, scalar_prefetch = 0 : i64, scratch_operands = 8 : i64, tpu.core_type = #tpu.core_type<sc_vector_subcore>, window_params = [{transform_indices = #map}, {transform_indices = #map1}, {transform_indices = #map}, {transform_indices = #map1}]} {
    %mul3A = arith.constant 2 : i32
    %mul3A_0 = arith.muli %arg1, %mul3A : i32
    %add3A = arith.addi %mul3A_0, %arg0 : i32
    %mul3A_1 = arith.constant 624 : i32
    %mul3A_2 = arith.muli %arg1, %mul3A_1 : i32
    %multiple_of3A = tpu.assume_multiple %mul3A_2, 8 : i32
    "tpu.region"() ({
      %run_scoped3A = tpu.sem_alloc : memref<!tpu.dma_semaphore, #tpu.memory_space<semaphore_mem>>
      %dma_start3A_55 = arith.constant 0 : i32
      %dma_start3A_56 = tpu.memref_slice %arg6[%multiple_of3A, %dma_start3A_55] : memref<10000x48xf32, #tpu.memory_space<vmem_shared>> -> memref<624x48xf32, #tpu.memory_space<vmem_shared>>
      %dma_start3A_57 = arith.constant 0 : i32
      %dma_start3A_58 = tpu.memref_slice %arg4[%multiple_of3A, %dma_start3A_57] : memref<10000x48xf32, #tpu.memory_space<hbm>> -> memref<624x48xf32, #tpu.memory_space<hbm>>
      tpu.enqueue_dma source(%dma_start3A_58 : memref<624x48xf32, #tpu.memory_space<hbm>>) target(%dma_start3A_56 : memref<624x48xf32, #tpu.memory_space<vmem_shared>>) target_semaphore(%run_scoped3A : memref<!tpu.dma_semaphore, #tpu.memory_space<semaphore_mem>>)
      %dma_wait3A_59 = arith.constant 0 : i32
      %dma_wait3A_60 = tpu.memref_slice %arg6[%multiple_of3A, %dma_wait3A_59] : memref<10000x48xf32, #tpu.memory_space<vmem_shared>> -> memref<624x48xf32, #tpu.memory_space<vmem_shared>>
      %dma_wait3A_61 = arith.constant 0 : i32
      %dma_wait3A_62 = tpu.memref_slice %arg4[%multiple_of3A, %dma_wait3A_61] : memref<10000x48xf32, #tpu.memory_space<hbm>> -> memref<624x48xf32, #tpu.memory_space<hbm>>
      tpu.wait_dma2 semaphore(%run_scoped3A : memref<!tpu.dma_semaphore, #tpu.memory_space<semaphore_mem>>) src(%dma_wait3A_62 : memref<624x48xf32, #tpu.memory_space<hbm>>) dst(%dma_wait3A_60 : memref<624x48xf32, #tpu.memory_space<vmem_shared>>)
      tpu.yield
    }) : () -> ()
    %eq3A = arith.constant 0 : i32
    %eq3A_3 = arith.cmpi eq, %arg1, %eq3A : i32
    %convert_element_type3A = arith.extui %eq3A_3 : i1 to i32
    %cond3A = arith.constant 0 : i32
    %cond3A_4 = arith.cmpi ne, %convert_element_type3A, %cond3A : i32
    scf.if %cond3A_4 {
      "tpu.region"() ({
        %run_scoped3A = tpu.sem_alloc : memref<!tpu.dma_semaphore, #tpu.memory_space<semaphore_mem>>
        %dma_start3A_55 = arith.constant 9984 : i32
        %dma_start3A_56 = arith.constant 0 : i32
        %dma_start3A_57 = tpu.memref_slice %arg6[%dma_start3A_55, %dma_start3A_56] : memref<10000x48xf32, #tpu.memory_space<vmem_shared>> -> memref<16x48xf32, #tpu.memory_space<vmem_shared>>
        %dma_start3A_58 = arith.constant 9984 : i32
        %dma_start3A_59 = arith.constant 0 : i32
        %dma_start3A_60 = tpu.memref_slice %arg4[%dma_start3A_58, %dma_start3A_59] : memref<10000x48xf32, #tpu.memory_space<hbm>> -> memref<16x48xf32, #tpu.memory_space<hbm>>
        tpu.enqueue_dma source(%dma_start3A_60 : memref<16x48xf32, #tpu.memory_space<hbm>>) target(%dma_start3A_57 : memref<16x48xf32, #tpu.memory_space<vmem_shared>>) target_semaphore(%run_scoped3A : memref<!tpu.dma_semaphore, #tpu.memory_space<semaphore_mem>>)
        %dma_wait3A_61 = arith.constant 9984 : i32
        %dma_wait3A_62 = arith.constant 0 : i32
        %dma_wait3A_63 = tpu.memref_slice %arg6[%dma_wait3A_61, %dma_wait3A_62] : memref<10000x48xf32, #tpu.memory_space<vmem_shared>> -> memref<16x48xf32, #tpu.memory_space<vmem_shared>>
        %dma_wait3A_64 = arith.constant 9984 : i32
        %dma_wait3A_65 = arith.constant 0 : i32
        %dma_wait3A_66 = tpu.memref_slice %arg4[%dma_wait3A_64, %dma_wait3A_65] : memref<10000x48xf32, #tpu.memory_space<hbm>> -> memref<16x48xf32, #tpu.memory_space<hbm>>
        tpu.wait_dma2 semaphore(%run_scoped3A : memref<!tpu.dma_semaphore, #tpu.memory_space<semaphore_mem>>) src(%dma_wait3A_66 : memref<16x48xf32, #tpu.memory_space<hbm>>) dst(%dma_wait3A_63 : memref<16x48xf32, #tpu.memory_space<vmem_shared>>)
        tpu.yield
      }) : () -> ()
    } else {
    }
    "tpu.region"() ({
      %run_scoped3A = tpu.sem_alloc : memref<!tpu.dma_semaphore, #tpu.memory_space<semaphore_mem>>
      %dma_start3A_55 = arith.constant 0 : i32
      %dma_start3A_56 = arith.constant 0 : i32
      %dma_start3A_57 = tpu.memref_slice %arg3[%add3A, %dma_start3A_55, %dma_start3A_56] : memref<32x125x80xi32, #tpu.memory_space<hbm>> -> memref<1x125x80xi32, #tpu.memory_space<hbm>>
      %dma_start3A_58 = tpu.memref_squeeze %dma_start3A_57 : memref<1x125x80xi32, #tpu.memory_space<hbm>> -> memref<125x80xi32, #tpu.memory_space<hbm>>
      %dma_start3A_59 = arith.constant 0 : i32
      %dma_start3A_60 = arith.constant 0 : i32
      %dma_start3A_61 = tpu.memref_slice %arg3[%add3A, %dma_start3A_59, %dma_start3A_60] : memref<32x125x80xi32, #tpu.memory_space<hbm>> -> memref<1x125x80xi32, #tpu.memory_space<hbm>>
      %dma_start3A_62 = tpu.memref_squeeze %dma_start3A_61 : memref<1x125x80xi32, #tpu.memory_space<hbm>> -> memref<125x80xi32, #tpu.memory_space<hbm>>
      tpu.enqueue_dma source(%dma_start3A_62 : memref<125x80xi32, #tpu.memory_space<hbm>>) target(%arg7 : memref<125x80xi32, #tpu.memory_space<vmem>>) target_semaphore(%run_scoped3A : memref<!tpu.dma_semaphore, #tpu.memory_space<semaphore_mem>>)
      %dma_wait3A_63 = arith.constant 0 : i32
      %dma_wait3A_64 = arith.constant 0 : i32
      %dma_wait3A_65 = tpu.memref_slice %arg3[%add3A, %dma_wait3A_63, %dma_wait3A_64] : memref<32x125x80xi32, #tpu.memory_space<hbm>> -> memref<1x125x80xi32, #tpu.memory_space<hbm>>
      %dma_wait3A_66 = tpu.memref_squeeze %dma_wait3A_65 : memref<1x125x80xi32, #tpu.memory_space<hbm>> -> memref<125x80xi32, #tpu.memory_space<hbm>>
      %dma_wait3A_67 = arith.constant 0 : i32
      %dma_wait3A_68 = arith.constant 0 : i32
      %dma_wait3A_69 = tpu.memref_slice %arg3[%add3A, %dma_wait3A_67, %dma_wait3A_68] : memref<32x125x80xi32, #tpu.memory_space<hbm>> -> memref<1x125x80xi32, #tpu.memory_space<hbm>>
      %dma_wait3A_70 = tpu.memref_squeeze %dma_wait3A_69 : memref<1x125x80xi32, #tpu.memory_space<hbm>> -> memref<125x80xi32, #tpu.memory_space<hbm>>
      tpu.wait_dma2 semaphore(%run_scoped3A : memref<!tpu.dma_semaphore, #tpu.memory_space<semaphore_mem>>) src(%dma_wait3A_70 : memref<125x80xi32, #tpu.memory_space<hbm>>) dst(%arg7 : memref<125x80xi32, #tpu.memory_space<vmem>>)
      tpu.yield
    }) : () -> ()
    %barrier3A = arith.constant 0 : index
    tpu.barrier barrier_id(%barrier3A)
    %mul3A_5 = arith.constant 125 : i32
    %mul3A_6 = arith.muli %add3A, %mul3A_5 : i32
    %add3A_7 = arith.constant 0 : i32
    %add3A_8 = arith.addi %mul3A_6, %add3A_7 : i32
    %mul3A_9 = arith.constant 80 : i32
    %mul3A_10 = arith.muli %add3A_8, %mul3A_9 : i32
    %multiple_of3A_11 = tpu.assume_multiple %mul3A_10, 80 : i32
    %dma_start3A = arith.constant 0 : i32
    %dma_start3A_12 = tpu.memref_slice %arg2[%multiple_of3A_11, %dma_start3A] : memref<320000x128xf32, #tpu.memory_space<hbm>> -> memref<80x48xf32, #tpu.memory_space<hbm>>
    %dma_start3A_13 = arith.constant 0 : i32
    %dma_start3A_14 = tpu.memref_slice %arg2[%multiple_of3A_11, %dma_start3A_13] : memref<320000x128xf32, #tpu.memory_space<hbm>> -> memref<80x48xf32, #tpu.memory_space<hbm>>
    tpu.enqueue_dma source(%dma_start3A_14 : memref<80x48xf32, #tpu.memory_space<hbm>>) target(%arg8 : memref<80x48xf32, #tpu.memory_space<vmem>>) target_semaphore(%arg10 : memref<!tpu.dma_semaphore, #tpu.memory_space<semaphore_mem>>)
    %scan3A = arith.constant 0 : i32
    %scan3A_15 = arith.constant 0 : i32
    %scan3A_16 = arith.constant 62 : i32
    %scan3A_17 = arith.addi %scan3A_15, %scan3A_16 : i32
    %scan3A_18 = arith.constant 1 : i32
    scf.for %scan3A_55 = %scan3A_15 to %scan3A_17 step %scan3A_18  : i32 {
      %mul3A_56 = arith.constant 2 : i32
      %mul3A_57 = arith.muli %mul3A_56, %scan3A_55 : i32
      %mul3A_58 = arith.constant 125 : i32
      %mul3A_59 = arith.muli %add3A, %mul3A_58 : i32
      %mul3A_60 = arith.constant 80 : i32
      %mul3A_61 = arith.muli %mul3A_59, %mul3A_60 : i32
      %multiple_of3A_62 = tpu.assume_multiple %mul3A_61, 80 : i32
      %dma_wait3A_63 = arith.constant 0 : i32
      %dma_wait3A_64 = tpu.memref_slice %arg2[%multiple_of3A_62, %dma_wait3A_63] : memref<320000x128xf32, #tpu.memory_space<hbm>> -> memref<80x48xf32, #tpu.memory_space<hbm>>
      %dma_wait3A_65 = arith.constant 0 : i32
      %dma_wait3A_66 = tpu.memref_slice %arg2[%multiple_of3A_62, %dma_wait3A_65] : memref<320000x128xf32, #tpu.memory_space<hbm>> -> memref<80x48xf32, #tpu.memory_space<hbm>>
      tpu.wait_dma2 semaphore(%arg10 : memref<!tpu.dma_semaphore, #tpu.memory_space<semaphore_mem>>) src(%dma_wait3A_66 : memref<80x48xf32, #tpu.memory_space<hbm>>) dst(%arg8 : memref<80x48xf32, #tpu.memory_space<vmem>>)
      %dma_start3A_67 = arith.constant 0 : i32
      %dma_start3A_68 = tpu.memref_slice %arg7[%mul3A_57, %dma_start3A_67] : memref<125x80xi32, #tpu.memory_space<vmem>> -> memref<1x80xi32, #tpu.memory_space<vmem>>
      %dma_start3A_69 = tpu.memref_squeeze %dma_start3A_68 : memref<1x80xi32, #tpu.memory_space<vmem>> -> memref<80xi32, #tpu.memory_space<vmem>>
      %dma_start3A_70 = arith.constant 0 : i32
      %dma_start3A_71 = arith.constant 0 : i32
      %dma_start3A_72 = tpu.memref_slice %arg6[%dma_start3A_70, %dma_start3A_71] : memref<10000x48xf32, #tpu.memory_space<vmem_shared>> -> memref<10000x48xf32, #tpu.memory_space<vmem_shared>>
      tpu.enqueue_indirect_dma source(%arg8 : memref<80x48xf32, #tpu.memory_space<vmem>>) target(%dma_start3A_72 : memref<10000x48xf32, #tpu.memory_space<vmem_shared>>) offsets(%dma_start3A_69 : memref<80xi32, #tpu.memory_space<vmem>>) semaphore(%arg12 : memref<!tpu.dma_semaphore, #tpu.memory_space<semaphore_mem>>) {add = true}
      %gt3A = arith.constant 0 : i32
      %gt3A_73 = arith.cmpi sgt, %scan3A_55, %gt3A : i32
      %convert_element_type3A_74 = arith.extui %gt3A_73 : i1 to i32
      %cond3A_75 = arith.constant 0 : i32
      %cond3A_76 = arith.cmpi ne, %convert_element_type3A_74, %cond3A_75 : i32
      scf.if %cond3A_76 {
        %dma_wait3A_125 = arith.constant 0 : i32
        %dma_wait3A_126 = arith.constant 0 : i32
        %dma_wait3A_127 = tpu.memref_slice %arg7[%dma_wait3A_125, %dma_wait3A_126] : memref<125x80xi32, #tpu.memory_space<vmem>> -> memref<1x80xi32, #tpu.memory_space<vmem>>
        %dma_wait3A_128 = tpu.memref_squeeze %dma_wait3A_127 : memref<1x80xi32, #tpu.memory_space<vmem>> -> memref<80xi32, #tpu.memory_space<vmem>>
        %dma_wait3A_129 = arith.constant 0 : i32
        %dma_wait3A_130 = arith.constant 0 : i32
        %dma_wait3A_131 = tpu.memref_slice %arg6[%dma_wait3A_129, %dma_wait3A_130] : memref<10000x48xf32, #tpu.memory_space<vmem_shared>> -> memref<10000x48xf32, #tpu.memory_space<vmem_shared>>
        tpu.wait_indirect_dma semaphore(%arg13 : memref<!tpu.dma_semaphore, #tpu.memory_space<semaphore_mem>>) src(%arg9 : memref<80x48xf32, #tpu.memory_space<vmem>>) dst(%dma_wait3A_131 : memref<10000x48xf32, #tpu.memory_space<vmem_shared>>)
      } else {
      }
      %add3A_77 = arith.constant 1 : i32
      %add3A_78 = arith.addi %mul3A_57, %add3A_77 : i32
      %mul3A_79 = arith.constant 125 : i32
      %mul3A_80 = arith.muli %add3A, %mul3A_79 : i32
      %add3A_81 = arith.addi %mul3A_80, %add3A_78 : i32
      %mul3A_82 = arith.constant 80 : i32
      %mul3A_83 = arith.muli %add3A_81, %mul3A_82 : i32
      %multiple_of3A_84 = tpu.assume_multiple %mul3A_83, 80 : i32
      %dma_start3A_85 = arith.constant 0 : i32
      %dma_start3A_86 = tpu.memref_slice %arg2[%multiple_of3A_84, %dma_start3A_85] : memref<320000x128xf32, #tpu.memory_space<hbm>> -> memref<80x48xf32, #tpu.memory_space<hbm>>
      %dma_start3A_87 = arith.constant 0 : i32
      %dma_start3A_88 = tpu.memref_slice %arg2[%multiple_of3A_84, %dma_start3A_87] : memref<320000x128xf32, #tpu.memory_space<hbm>> -> memref<80x48xf32, #tpu.memory_space<hbm>>
      tpu.enqueue_dma source(%dma_start3A_88 : memref<80x48xf32, #tpu.memory_space<hbm>>) target(%arg9 : memref<80x48xf32, #tpu.memory_space<vmem>>) target_semaphore(%arg11 : memref<!tpu.dma_semaphore, #tpu.memory_space<semaphore_mem>>)
      %mul3A_89 = arith.constant 125 : i32
      %mul3A_90 = arith.muli %add3A, %mul3A_89 : i32
      %mul3A_91 = arith.constant 80 : i32
      %mul3A_92 = arith.muli %mul3A_90, %mul3A_91 : i32
      %multiple_of3A_93 = tpu.assume_multiple %mul3A_92, 80 : i32
      %dma_wait3A_94 = arith.constant 0 : i32
      %dma_wait3A_95 = tpu.memref_slice %arg2[%multiple_of3A_93, %dma_wait3A_94] : memref<320000x128xf32, #tpu.memory_space<hbm>> -> memref<80x48xf32, #tpu.memory_space<hbm>>
      %dma_wait3A_96 = arith.constant 0 : i32
      %dma_wait3A_97 = tpu.memref_slice %arg2[%multiple_of3A_93, %dma_wait3A_96] : memref<320000x128xf32, #tpu.memory_space<hbm>> -> memref<80x48xf32, #tpu.memory_space<hbm>>
      tpu.wait_dma2 semaphore(%arg11 : memref<!tpu.dma_semaphore, #tpu.memory_space<semaphore_mem>>) src(%dma_wait3A_97 : memref<80x48xf32, #tpu.memory_space<hbm>>) dst(%arg9 : memref<80x48xf32, #tpu.memory_space<vmem>>)
      %add3A_98 = arith.constant 1 : i32
      %add3A_99 = arith.addi %mul3A_57, %add3A_98 : i32
      %dma_start3A_100 = arith.constant 0 : i32
      %dma_start3A_101 = tpu.memref_slice %arg7[%add3A_99, %dma_start3A_100] : memref<125x80xi32, #tpu.memory_space<vmem>> -> memref<1x80xi32, #tpu.memory_space<vmem>>
      %dma_start3A_102 = tpu.memref_squeeze %dma_start3A_101 : memref<1x80xi32, #tpu.memory_space<vmem>> -> memref<80xi32, #tpu.memory_space<vmem>>
      %dma_start3A_103 = arith.constant 0 : i32
      %dma_start3A_104 = arith.constant 0 : i32
      %dma_start3A_105 = tpu.memref_slice %arg6[%dma_start3A_103, %dma_start3A_104] : memref<10000x48xf32, #tpu.memory_space<vmem_shared>> -> memref<10000x48xf32, #tpu.memory_space<vmem_shared>>
      tpu.enqueue_indirect_dma source(%arg9 : memref<80x48xf32, #tpu.memory_space<vmem>>) target(%dma_start3A_105 : memref<10000x48xf32, #tpu.memory_space<vmem_shared>>) offsets(%dma_start3A_102 : memref<80xi32, #tpu.memory_space<vmem>>) semaphore(%arg13 : memref<!tpu.dma_semaphore, #tpu.memory_space<semaphore_mem>>) {add = true}
      %dma_wait3A_106 = arith.constant 0 : i32
      %dma_wait3A_107 = arith.constant 0 : i32
      %dma_wait3A_108 = tpu.memref_slice %arg7[%dma_wait3A_106, %dma_wait3A_107] : memref<125x80xi32, #tpu.memory_space<vmem>> -> memref<1x80xi32, #tpu.memory_space<vmem>>
      %dma_wait3A_109 = tpu.memref_squeeze %dma_wait3A_108 : memref<1x80xi32, #tpu.memory_space<vmem>> -> memref<80xi32, #tpu.memory_space<vmem>>
      %dma_wait3A_110 = arith.constant 0 : i32
      %dma_wait3A_111 = arith.constant 0 : i32
      %dma_wait3A_112 = tpu.memref_slice %arg6[%dma_wait3A_110, %dma_wait3A_111] : memref<10000x48xf32, #tpu.memory_space<vmem_shared>> -> memref<10000x48xf32, #tpu.memory_space<vmem_shared>>
      tpu.wait_indirect_dma semaphore(%arg12 : memref<!tpu.dma_semaphore, #tpu.memory_space<semaphore_mem>>) src(%arg8 : memref<80x48xf32, #tpu.memory_space<vmem>>) dst(%dma_wait3A_112 : memref<10000x48xf32, #tpu.memory_space<vmem_shared>>)
      %add3A_113 = arith.constant 2 : i32
      %add3A_114 = arith.addi %mul3A_57, %add3A_113 : i32
      %mul3A_115 = arith.constant 125 : i32
      %mul3A_116 = arith.muli %add3A, %mul3A_115 : i32
      %add3A_117 = arith.addi %mul3A_116, %add3A_114 : i32
      %mul3A_118 = arith.constant 80 : i32
      %mul3A_119 = arith.muli %add3A_117, %mul3A_118 : i32
      %multiple_of3A_120 = tpu.assume_multiple %mul3A_119, 80 : i32
      %dma_start3A_121 = arith.constant 0 : i32
      %dma_start3A_122 = tpu.memref_slice %arg2[%multiple_of3A_120, %dma_start3A_121] : memref<320000x128xf32, #tpu.memory_space<hbm>> -> memref<80x48xf32, #tpu.memory_space<hbm>>
      %dma_start3A_123 = arith.constant 0 : i32
      %dma_start3A_124 = tpu.memref_slice %arg2[%multiple_of3A_120, %dma_start3A_123] : memref<320000x128xf32, #tpu.memory_space<hbm>> -> memref<80x48xf32, #tpu.memory_space<hbm>>
      tpu.enqueue_dma source(%dma_start3A_124 : memref<80x48xf32, #tpu.memory_space<hbm>>) target(%arg8 : memref<80x48xf32, #tpu.memory_space<vmem>>) target_semaphore(%arg10 : memref<!tpu.dma_semaphore, #tpu.memory_space<semaphore_mem>>)
    }
    %scan3A_19 = arith.constant 62 : i32
    %mul3A_20 = arith.constant 125 : i32
    %mul3A_21 = arith.muli %add3A, %mul3A_20 : i32
    %mul3A_22 = arith.constant 80 : i32
    %mul3A_23 = arith.muli %mul3A_21, %mul3A_22 : i32
    %multiple_of3A_24 = tpu.assume_multiple %mul3A_23, 80 : i32
    %dma_wait3A = arith.constant 0 : i32
    %dma_wait3A_25 = tpu.memref_slice %arg2[%multiple_of3A_24, %dma_wait3A] : memref<320000x128xf32, #tpu.memory_space<hbm>> -> memref<80x48xf32, #tpu.memory_space<hbm>>
    %dma_wait3A_26 = arith.constant 0 : i32
    %dma_wait3A_27 = tpu.memref_slice %arg2[%multiple_of3A_24, %dma_wait3A_26] : memref<320000x128xf32, #tpu.memory_space<hbm>> -> memref<80x48xf32, #tpu.memory_space<hbm>>
    tpu.wait_dma2 semaphore(%arg10 : memref<!tpu.dma_semaphore, #tpu.memory_space<semaphore_mem>>) src(%dma_wait3A_27 : memref<80x48xf32, #tpu.memory_space<hbm>>) dst(%arg8 : memref<80x48xf32, #tpu.memory_space<vmem>>)
    %dma_wait3A_28 = arith.constant 0 : i32
    %dma_wait3A_29 = arith.constant 0 : i32
    %dma_wait3A_30 = tpu.memref_slice %arg7[%dma_wait3A_28, %dma_wait3A_29] : memref<125x80xi32, #tpu.memory_space<vmem>> -> memref<1x80xi32, #tpu.memory_space<vmem>>
    %dma_wait3A_31 = tpu.memref_squeeze %dma_wait3A_30 : memref<1x80xi32, #tpu.memory_space<vmem>> -> memref<80xi32, #tpu.memory_space<vmem>>
    %dma_wait3A_32 = arith.constant 0 : i32
    %dma_wait3A_33 = arith.constant 0 : i32
    %dma_wait3A_34 = tpu.memref_slice %arg6[%dma_wait3A_32, %dma_wait3A_33] : memref<10000x48xf32, #tpu.memory_space<vmem_shared>> -> memref<10000x48xf32, #tpu.memory_space<vmem_shared>>
    tpu.wait_indirect_dma semaphore(%arg13 : memref<!tpu.dma_semaphore, #tpu.memory_space<semaphore_mem>>) src(%arg9 : memref<80x48xf32, #tpu.memory_space<vmem>>) dst(%dma_wait3A_34 : memref<10000x48xf32, #tpu.memory_space<vmem_shared>>)
    %dma_start3A_35 = arith.constant 124 : i32
    %dma_start3A_36 = arith.constant 0 : i32
    %dma_start3A_37 = tpu.memref_slice %arg7[%dma_start3A_35, %dma_start3A_36] : memref<125x80xi32, #tpu.memory_space<vmem>> -> memref<1x80xi32, #tpu.memory_space<vmem>>
    %dma_start3A_38 = tpu.memref_squeeze %dma_start3A_37 : memref<1x80xi32, #tpu.memory_space<vmem>> -> memref<80xi32, #tpu.memory_space<vmem>>
    %dma_start3A_39 = arith.constant 0 : i32
    %dma_start3A_40 = arith.constant 0 : i32
    %dma_start3A_41 = tpu.memref_slice %arg6[%dma_start3A_39, %dma_start3A_40] : memref<10000x48xf32, #tpu.memory_space<vmem_shared>> -> memref<10000x48xf32, #tpu.memory_space<vmem_shared>>
    tpu.enqueue_indirect_dma source(%arg8 : memref<80x48xf32, #tpu.memory_space<vmem>>) target(%dma_start3A_41 : memref<10000x48xf32, #tpu.memory_space<vmem_shared>>) offsets(%dma_start3A_38 : memref<80xi32, #tpu.memory_space<vmem>>) semaphore(%arg12 : memref<!tpu.dma_semaphore, #tpu.memory_space<semaphore_mem>>) {add = true}
    %dma_wait3A_42 = arith.constant 0 : i32
    %dma_wait3A_43 = arith.constant 0 : i32
    %dma_wait3A_44 = tpu.memref_slice %arg7[%dma_wait3A_42, %dma_wait3A_43] : memref<125x80xi32, #tpu.memory_space<vmem>> -> memref<1x80xi32, #tpu.memory_space<vmem>>
    %dma_wait3A_45 = tpu.memref_squeeze %dma_wait3A_44 : memref<1x80xi32, #tpu.memory_space<vmem>> -> memref<80xi32, #tpu.memory_space<vmem>>
    %dma_wait3A_46 = arith.constant 0 : i32
    %dma_wait3A_47 = arith.constant 0 : i32
    %dma_wait3A_48 = tpu.memref_slice %arg6[%dma_wait3A_46, %dma_wait3A_47] : memref<10000x48xf32, #tpu.memory_space<vmem_shared>> -> memref<10000x48xf32, #tpu.memory_space<vmem_shared>>
    tpu.wait_indirect_dma semaphore(%arg12 : memref<!tpu.dma_semaphore, #tpu.memory_space<semaphore_mem>>) src(%arg8 : memref<80x48xf32, #tpu.memory_space<vmem>>) dst(%dma_wait3A_48 : memref<10000x48xf32, #tpu.memory_space<vmem_shared>>)
    %barrier3A_49 = arith.constant 0 : index
    tpu.barrier barrier_id(%barrier3A_49)
    "tpu.region"() ({
      %run_scoped3A = tpu.sem_alloc : memref<!tpu.dma_semaphore, #tpu.memory_space<semaphore_mem>>
      %dma_start3A_55 = arith.constant 0 : i32
      %dma_start3A_56 = tpu.memref_slice %arg5[%arg0, %multiple_of3A, %dma_start3A_55] : memref<2x10000x48xf32, #tpu.memory_space<hbm>> -> memref<1x624x48xf32, #tpu.memory_space<hbm>>
      %dma_start3A_57 = tpu.memref_squeeze %dma_start3A_56 : memref<1x624x48xf32, #tpu.memory_space<hbm>> -> memref<624x48xf32, #tpu.memory_space<hbm>>
      %dma_start3A_58 = arith.constant 0 : i32
      %dma_start3A_59 = tpu.memref_slice %arg6[%multiple_of3A, %dma_start3A_58] : memref<10000x48xf32, #tpu.memory_space<vmem_shared>> -> memref<624x48xf32, #tpu.memory_space<vmem_shared>>
      tpu.enqueue_dma source(%dma_start3A_59 : memref<624x48xf32, #tpu.memory_space<vmem_shared>>) target(%dma_start3A_57 : memref<624x48xf32, #tpu.memory_space<hbm>>) target_semaphore(%run_scoped3A : memref<!tpu.dma_semaphore, #tpu.memory_space<semaphore_mem>>)
      %dma_wait3A_60 = arith.constant 0 : i32
      %dma_wait3A_61 = tpu.memref_slice %arg5[%arg0, %multiple_of3A, %dma_wait3A_60] : memref<2x10000x48xf32, #tpu.memory_space<hbm>> -> memref<1x624x48xf32, #tpu.memory_space<hbm>>
      %dma_wait3A_62 = tpu.memref_squeeze %dma_wait3A_61 : memref<1x624x48xf32, #tpu.memory_space<hbm>> -> memref<624x48xf32, #tpu.memory_space<hbm>>
      %dma_wait3A_63 = arith.constant 0 : i32
      %dma_wait3A_64 = tpu.memref_slice %arg6[%multiple_of3A, %dma_wait3A_63] : memref<10000x48xf32, #tpu.memory_space<vmem_shared>> -> memref<624x48xf32, #tpu.memory_space<vmem_shared>>
      tpu.wait_dma2 semaphore(%run_scoped3A : memref<!tpu.dma_semaphore, #tpu.memory_space<semaphore_mem>>) src(%dma_wait3A_64 : memref<624x48xf32, #tpu.memory_space<vmem_shared>>) dst(%dma_wait3A_62 : memref<624x48xf32, #tpu.memory_space<hbm>>)
      tpu.yield
    }) : () -> ()
    %eq3A_50 = arith.constant 0 : i32
    %eq3A_51 = arith.cmpi eq, %arg1, %eq3A_50 : i32
    %convert_element_type3A_52 = arith.extui %eq3A_51 : i1 to i32
    %cond3A_53 = arith.constant 0 : i32
    %cond3A_54 = arith.cmpi ne, %convert_element_type3A_52, %cond3A_53 : i32
    scf.if %cond3A_54 {
      "tpu.region"() ({
        %run_scoped3A = tpu.sem_alloc : memref<!tpu.dma_semaphore, #tpu.memory_space<semaphore_mem>>
        %dma_start3A_55 = arith.constant 9984 : i32
        %dma_start3A_56 = arith.constant 0 : i32
        %dma_start3A_57 = tpu.memref_slice %arg5[%arg0, %dma_start3A_55, %dma_start3A_56] : memref<2x10000x48xf32, #tpu.memory_space<hbm>> -> memref<1x16x48xf32, #tpu.memory_space<hbm>>
        %dma_start3A_58 = tpu.memref_squeeze %dma_start3A_57 : memref<1x16x48xf32, #tpu.memory_space<hbm>> -> memref<16x48xf32, #tpu.memory_space<hbm>>
        %dma_start3A_59 = arith.constant 9984 : i32
        %dma_start3A_60 = arith.constant 0 : i32
        %dma_start3A_61 = tpu.memref_slice %arg6[%dma_start3A_59, %dma_start3A_60] : memref<10000x48xf32, #tpu.memory_space<vmem_shared>> -> memref<16x48xf32, #tpu.memory_space<vmem_shared>>
        tpu.enqueue_dma source(%dma_start3A_61 : memref<16x48xf32, #tpu.memory_space<vmem_shared>>) target(%dma_start3A_58 : memref<16x48xf32, #tpu.memory_space<hbm>>) target_semaphore(%run_scoped3A : memref<!tpu.dma_semaphore, #tpu.memory_space<semaphore_mem>>)
        %dma_wait3A_62 = arith.constant 9984 : i32
        %dma_wait3A_63 = arith.constant 0 : i32
        %dma_wait3A_64 = tpu.memref_slice %arg5[%arg0, %dma_wait3A_62, %dma_wait3A_63] : memref<2x10000x48xf32, #tpu.memory_space<hbm>> -> memref<1x16x48xf32, #tpu.memory_space<hbm>>
        %dma_wait3A_65 = tpu.memref_squeeze %dma_wait3A_64 : memref<1x16x48xf32, #tpu.memory_space<hbm>> -> memref<16x48xf32, #tpu.memory_space<hbm>>
        %dma_wait3A_66 = arith.constant 9984 : i32
        %dma_wait3A_67 = arith.constant 0 : i32
        %dma_wait3A_68 = tpu.memref_slice %arg6[%dma_wait3A_66, %dma_wait3A_67] : memref<10000x48xf32, #tpu.memory_space<vmem_shared>> -> memref<16x48xf32, #tpu.memory_space<vmem_shared>>
        tpu.wait_dma2 semaphore(%run_scoped3A : memref<!tpu.dma_semaphore, #tpu.memory_space<semaphore_mem>>) src(%dma_wait3A_68 : memref<16x48xf32, #tpu.memory_space<vmem_shared>>) dst(%dma_wait3A_65 : memref<16x48xf32, #tpu.memory_space<hbm>>)
        tpu.yield
      }) : () -> ()
    } else {
    }
    return
  }
}

#map = affine_map<(d0, d1) -> (0, 0)>
#map1 = affine_map<(d0, d1) -> (0, 0, 0)>
module attributes {stable_mosaic.version = 14 : i64} {
  func.func @gather(%arg0: i32, %arg1: i32, %arg2: memref<10000x48xf32, #tpu.memory_space<hbm>>, %arg3: memref<32x125x80xi32, #tpu.memory_space<hbm>>, %arg4: memref<32x125x80xi32, #tpu.memory_space<hbm>>, %arg5: memref<320000x128xf32, #tpu.memory_space<hbm>>, %arg6: memref<320000x128xf32, #tpu.memory_space<hbm>>, %arg7: memref<125x80xi32, #tpu.memory_space<vmem>>, %arg8: memref<125x80xi32, #tpu.memory_space<vmem>>, %arg9: memref<80x48xf32, #tpu.memory_space<vmem>>, %arg10: memref<80x48xf32, #tpu.memory_space<vmem>>, %arg11: memref<80x48xf32, #tpu.memory_space<vmem>>, %arg12: memref<80x48xf32, #tpu.memory_space<vmem>>, %arg13: memref<!tpu.dma_semaphore, #tpu.memory_space<semaphore_mem>>, %arg14: memref<!tpu.dma_semaphore, #tpu.memory_space<semaphore_mem>>, %arg15: memref<!tpu.dma_semaphore, #tpu.memory_space<semaphore_mem>>, %arg16: memref<!tpu.dma_semaphore, #tpu.memory_space<semaphore_mem>>, %arg17: memref<!tpu.dma_semaphore, #tpu.memory_space<semaphore_mem>>, %arg18: memref<!tpu.dma_semaphore, #tpu.memory_space<semaphore_mem>>, %arg19: memref<!tpu.dma_semaphore, #tpu.memory_space<semaphore_mem>>, %arg20: memref<!tpu.dma_semaphore, #tpu.memory_space<semaphore_mem>>) attributes {dimension_semantics = [#tpu.dimension_semantics<core_parallel>, #tpu.dimension_semantics<subcore_parallel>], iteration_bounds = array<i64: 2, 16>, scalar_prefetch = 0 : i64, scratch_operands = 14 : i64, tpu.core_type = #tpu.core_type<sc_vector_subcore>, window_params = [{transform_indices = #map}, {transform_indices = #map1}, {transform_indices = #map1}, {transform_indices = #map}, {transform_indices = #map}]} {
    %mul3A = arith.constant 2 : i32
    %mul3A_0 = arith.muli %arg1, %mul3A : i32
    %add3A = arith.addi %mul3A_0, %arg0 : i32
    "tpu.region"() ({
      %run_scoped3A = tpu.sem_alloc : memref<!tpu.dma_semaphore, #tpu.memory_space<semaphore_mem>>
      %dma_start3A_72 = arith.constant 0 : i32
      %dma_start3A_73 = arith.constant 0 : i32
      %dma_start3A_74 = tpu.memref_slice %arg3[%add3A, %dma_start3A_72, %dma_start3A_73] : memref<32x125x80xi32, #tpu.memory_space<hbm>> -> memref<1x125x80xi32, #tpu.memory_space<hbm>>
      %dma_start3A_75 = tpu.memref_squeeze %dma_start3A_74 : memref<1x125x80xi32, #tpu.memory_space<hbm>> -> memref<125x80xi32, #tpu.memory_space<hbm>>
      %dma_start3A_76 = arith.constant 0 : i32
      %dma_start3A_77 = arith.constant 0 : i32
      %dma_start3A_78 = tpu.memref_slice %arg3[%add3A, %dma_start3A_76, %dma_start3A_77] : memref<32x125x80xi32, #tpu.memory_space<hbm>> -> memref<1x125x80xi32, #tpu.memory_space<hbm>>
      %dma_start3A_79 = tpu.memref_squeeze %dma_start3A_78 : memref<1x125x80xi32, #tpu.memory_space<hbm>> -> memref<125x80xi32, #tpu.memory_space<hbm>>
      tpu.enqueue_dma source(%dma_start3A_79 : memref<125x80xi32, #tpu.memory_space<hbm>>) target(%arg7 : memref<125x80xi32, #tpu.memory_space<vmem>>) target_semaphore(%run_scoped3A : memref<!tpu.dma_semaphore, #tpu.memory_space<semaphore_mem>>)
      %dma_wait3A_80 = arith.constant 0 : i32
      %dma_wait3A_81 = arith.constant 0 : i32
      %dma_wait3A_82 = tpu.memref_slice %arg3[%add3A, %dma_wait3A_80, %dma_wait3A_81] : memref<32x125x80xi32, #tpu.memory_space<hbm>> -> memref<1x125x80xi32, #tpu.memory_space<hbm>>
      %dma_wait3A_83 = tpu.memref_squeeze %dma_wait3A_82 : memref<1x125x80xi32, #tpu.memory_space<hbm>> -> memref<125x80xi32, #tpu.memory_space<hbm>>
      %dma_wait3A_84 = arith.constant 0 : i32
      %dma_wait3A_85 = arith.constant 0 : i32
      %dma_wait3A_86 = tpu.memref_slice %arg3[%add3A, %dma_wait3A_84, %dma_wait3A_85] : memref<32x125x80xi32, #tpu.memory_space<hbm>> -> memref<1x125x80xi32, #tpu.memory_space<hbm>>
      %dma_wait3A_87 = tpu.memref_squeeze %dma_wait3A_86 : memref<1x125x80xi32, #tpu.memory_space<hbm>> -> memref<125x80xi32, #tpu.memory_space<hbm>>
      tpu.wait_dma2 semaphore(%run_scoped3A : memref<!tpu.dma_semaphore, #tpu.memory_space<semaphore_mem>>) src(%dma_wait3A_87 : memref<125x80xi32, #tpu.memory_space<hbm>>) dst(%arg7 : memref<125x80xi32, #tpu.memory_space<vmem>>)
      tpu.yield
    }) : () -> ()
    "tpu.region"() ({
      %run_scoped3A = tpu.sem_alloc : memref<!tpu.dma_semaphore, #tpu.memory_space<semaphore_mem>>
      %dma_start3A_72 = arith.constant 0 : i32
      %dma_start3A_73 = arith.constant 0 : i32
      %dma_start3A_74 = tpu.memref_slice %arg4[%add3A, %dma_start3A_72, %dma_start3A_73] : memref<32x125x80xi32, #tpu.memory_space<hbm>> -> memref<1x125x80xi32, #tpu.memory_space<hbm>>
      %dma_start3A_75 = tpu.memref_squeeze %dma_start3A_74 : memref<1x125x80xi32, #tpu.memory_space<hbm>> -> memref<125x80xi32, #tpu.memory_space<hbm>>
      %dma_start3A_76 = arith.constant 0 : i32
      %dma_start3A_77 = arith.constant 0 : i32
      %dma_start3A_78 = tpu.memref_slice %arg4[%add3A, %dma_start3A_76, %dma_start3A_77] : memref<32x125x80xi32, #tpu.memory_space<hbm>> -> memref<1x125x80xi32, #tpu.memory_space<hbm>>
      %dma_start3A_79 = tpu.memref_squeeze %dma_start3A_78 : memref<1x125x80xi32, #tpu.memory_space<hbm>> -> memref<125x80xi32, #tpu.memory_space<hbm>>
      tpu.enqueue_dma source(%dma_start3A_79 : memref<125x80xi32, #tpu.memory_space<hbm>>) target(%arg8 : memref<125x80xi32, #tpu.memory_space<vmem>>) target_semaphore(%run_scoped3A : memref<!tpu.dma_semaphore, #tpu.memory_space<semaphore_mem>>)
      %dma_wait3A_80 = arith.constant 0 : i32
      %dma_wait3A_81 = arith.constant 0 : i32
      %dma_wait3A_82 = tpu.memref_slice %arg4[%add3A, %dma_wait3A_80, %dma_wait3A_81] : memref<32x125x80xi32, #tpu.memory_space<hbm>> -> memref<1x125x80xi32, #tpu.memory_space<hbm>>
      %dma_wait3A_83 = tpu.memref_squeeze %dma_wait3A_82 : memref<1x125x80xi32, #tpu.memory_space<hbm>> -> memref<125x80xi32, #tpu.memory_space<hbm>>
      %dma_wait3A_84 = arith.constant 0 : i32
      %dma_wait3A_85 = arith.constant 0 : i32
      %dma_wait3A_86 = tpu.memref_slice %arg4[%add3A, %dma_wait3A_84, %dma_wait3A_85] : memref<32x125x80xi32, #tpu.memory_space<hbm>> -> memref<1x125x80xi32, #tpu.memory_space<hbm>>
      %dma_wait3A_87 = tpu.memref_squeeze %dma_wait3A_86 : memref<1x125x80xi32, #tpu.memory_space<hbm>> -> memref<125x80xi32, #tpu.memory_space<hbm>>
      tpu.wait_dma2 semaphore(%run_scoped3A : memref<!tpu.dma_semaphore, #tpu.memory_space<semaphore_mem>>) src(%dma_wait3A_87 : memref<125x80xi32, #tpu.memory_space<hbm>>) dst(%arg8 : memref<125x80xi32, #tpu.memory_space<vmem>>)
      tpu.yield
    }) : () -> ()
    %dma_start3A = arith.constant 0 : i32
    %dma_start3A_1 = arith.constant 0 : i32
    %dma_start3A_2 = tpu.memref_slice %arg7[%dma_start3A, %dma_start3A_1] : memref<125x80xi32, #tpu.memory_space<vmem>> -> memref<1x80xi32, #tpu.memory_space<vmem>>
    %dma_start3A_3 = tpu.memref_squeeze %dma_start3A_2 : memref<1x80xi32, #tpu.memory_space<vmem>> -> memref<80xi32, #tpu.memory_space<vmem>>
    %dma_start3A_4 = arith.constant 0 : i32
    %dma_start3A_5 = arith.constant 0 : i32
    %dma_start3A_6 = tpu.memref_slice %arg2[%dma_start3A_4, %dma_start3A_5] : memref<10000x48xf32, #tpu.memory_space<hbm>> -> memref<10000x48xf32, #tpu.memory_space<hbm>>
    tpu.enqueue_indirect_dma source(%dma_start3A_6 : memref<10000x48xf32, #tpu.memory_space<hbm>>) target(%arg9 : memref<80x48xf32, #tpu.memory_space<vmem>>) offsets(%dma_start3A_3 : memref<80xi32, #tpu.memory_space<vmem>>) semaphore(%arg13 : memref<!tpu.dma_semaphore, #tpu.memory_space<semaphore_mem>>)
    %dma_start3A_7 = arith.constant 0 : i32
    %dma_start3A_8 = arith.constant 0 : i32
    %dma_start3A_9 = tpu.memref_slice %arg8[%dma_start3A_7, %dma_start3A_8] : memref<125x80xi32, #tpu.memory_space<vmem>> -> memref<1x80xi32, #tpu.memory_space<vmem>>
    %dma_start3A_10 = tpu.memref_squeeze %dma_start3A_9 : memref<1x80xi32, #tpu.memory_space<vmem>> -> memref<80xi32, #tpu.memory_space<vmem>>
    %dma_start3A_11 = arith.constant 0 : i32
    %dma_start3A_12 = arith.constant 0 : i32
    %dma_start3A_13 = tpu.memref_slice %arg2[%dma_start3A_11, %dma_start3A_12] : memref<10000x48xf32, #tpu.memory_space<hbm>> -> memref<10000x48xf32, #tpu.memory_space<hbm>>
    tpu.enqueue_indirect_dma source(%dma_start3A_13 : memref<10000x48xf32, #tpu.memory_space<hbm>>) target(%arg10 : memref<80x48xf32, #tpu.memory_space<vmem>>) offsets(%dma_start3A_10 : memref<80xi32, #tpu.memory_space<vmem>>) semaphore(%arg14 : memref<!tpu.dma_semaphore, #tpu.memory_space<semaphore_mem>>)
    %scan3A = arith.constant 0 : i32
    %scan3A_14 = arith.constant 0 : i32
    %scan3A_15 = arith.constant 62 : i32
    %scan3A_16 = arith.addi %scan3A_14, %scan3A_15 : i32
    %scan3A_17 = arith.constant 1 : i32
    scf.for %scan3A_72 = %scan3A_14 to %scan3A_16 step %scan3A_17  : i32 {
      %mul3A_73 = arith.constant 2 : i32
      %mul3A_74 = arith.muli %mul3A_73, %scan3A_72 : i32
      %gt3A = arith.constant 0 : i32
      %gt3A_75 = arith.cmpi sgt, %scan3A_72, %gt3A : i32
      %convert_element_type3A = arith.extui %gt3A_75 : i1 to i32
      %cond3A = arith.constant 0 : i32
      %cond3A_76 = arith.cmpi ne, %convert_element_type3A, %cond3A : i32
      scf.if %cond3A_76 {
        %mul3A_176 = arith.constant 125 : i32
        %mul3A_177 = arith.muli %add3A, %mul3A_176 : i32
        %mul3A_178 = arith.constant 80 : i32
        %mul3A_179 = arith.muli %mul3A_177, %mul3A_178 : i32
        %multiple_of3A_180 = tpu.assume_multiple %mul3A_179, 80 : i32
        %dma_wait3A_181 = arith.constant 0 : i32
        %dma_wait3A_182 = tpu.memref_slice %arg5[%multiple_of3A_180, %dma_wait3A_181] : memref<320000x128xf32, #tpu.memory_space<hbm>> -> memref<80x48xf32, #tpu.memory_space<hbm>>
        %dma_wait3A_183 = arith.constant 0 : i32
        %dma_wait3A_184 = tpu.memref_slice %arg5[%multiple_of3A_180, %dma_wait3A_183] : memref<320000x128xf32, #tpu.memory_space<hbm>> -> memref<80x48xf32, #tpu.memory_space<hbm>>
        tpu.wait_dma2 semaphore(%arg19 : memref<!tpu.dma_semaphore, #tpu.memory_space<semaphore_mem>>) src(%arg11 : memref<80x48xf32, #tpu.memory_space<vmem>>) dst(%dma_wait3A_184 : memref<80x48xf32, #tpu.memory_space<hbm>>)
        %dma_wait3A_185 = arith.constant 0 : i32
        %dma_wait3A_186 = tpu.memref_slice %arg6[%multiple_of3A_180, %dma_wait3A_185] : memref<320000x128xf32, #tpu.memory_space<hbm>> -> memref<80x48xf32, #tpu.memory_space<hbm>>
        %dma_wait3A_187 = arith.constant 0 : i32
        %dma_wait3A_188 = tpu.memref_slice %arg6[%multiple_of3A_180, %dma_wait3A_187] : memref<320000x128xf32, #tpu.memory_space<hbm>> -> memref<80x48xf32, #tpu.memory_space<hbm>>
        tpu.wait_dma2 semaphore(%arg20 : memref<!tpu.dma_semaphore, #tpu.memory_space<semaphore_mem>>) src(%arg12 : memref<80x48xf32, #tpu.memory_space<vmem>>) dst(%dma_wait3A_188 : memref<80x48xf32, #tpu.memory_space<hbm>>)
      } else {
      }
      %dma_wait3A_77 = arith.constant 0 : i32
      %dma_wait3A_78 = arith.constant 0 : i32
      %dma_wait3A_79 = tpu.memref_slice %arg7[%dma_wait3A_77, %dma_wait3A_78] : memref<125x80xi32, #tpu.memory_space<vmem>> -> memref<1x80xi32, #tpu.memory_space<vmem>>
      %dma_wait3A_80 = tpu.memref_squeeze %dma_wait3A_79 : memref<1x80xi32, #tpu.memory_space<vmem>> -> memref<80xi32, #tpu.memory_space<vmem>>
      %dma_wait3A_81 = arith.constant 0 : i32
      %dma_wait3A_82 = arith.constant 0 : i32
      %dma_wait3A_83 = tpu.memref_slice %arg2[%dma_wait3A_81, %dma_wait3A_82] : memref<10000x48xf32, #tpu.memory_space<hbm>> -> memref<10000x48xf32, #tpu.memory_space<hbm>>
      tpu.wait_indirect_dma semaphore(%arg13 : memref<!tpu.dma_semaphore, #tpu.memory_space<semaphore_mem>>) src(%dma_wait3A_83 : memref<10000x48xf32, #tpu.memory_space<hbm>>) dst(%arg9 : memref<80x48xf32, #tpu.memory_space<vmem>>)
      %dma_wait3A_84 = arith.constant 0 : i32
      %dma_wait3A_85 = arith.constant 0 : i32
      %dma_wait3A_86 = tpu.memref_slice %arg8[%dma_wait3A_84, %dma_wait3A_85] : memref<125x80xi32, #tpu.memory_space<vmem>> -> memref<1x80xi32, #tpu.memory_space<vmem>>
      %dma_wait3A_87 = tpu.memref_squeeze %dma_wait3A_86 : memref<1x80xi32, #tpu.memory_space<vmem>> -> memref<80xi32, #tpu.memory_space<vmem>>
      %dma_wait3A_88 = arith.constant 0 : i32
      %dma_wait3A_89 = arith.constant 0 : i32
      %dma_wait3A_90 = tpu.memref_slice %arg2[%dma_wait3A_88, %dma_wait3A_89] : memref<10000x48xf32, #tpu.memory_space<hbm>> -> memref<10000x48xf32, #tpu.memory_space<hbm>>
      tpu.wait_indirect_dma semaphore(%arg14 : memref<!tpu.dma_semaphore, #tpu.memory_space<semaphore_mem>>) src(%dma_wait3A_90 : memref<10000x48xf32, #tpu.memory_space<hbm>>) dst(%arg10 : memref<80x48xf32, #tpu.memory_space<vmem>>)
      %add3A_91 = arith.constant 1 : i32
      %add3A_92 = arith.addi %mul3A_74, %add3A_91 : i32
      %dma_start3A_93 = arith.constant 0 : i32
      %dma_start3A_94 = tpu.memref_slice %arg7[%add3A_92, %dma_start3A_93] : memref<125x80xi32, #tpu.memory_space<vmem>> -> memref<1x80xi32, #tpu.memory_space<vmem>>
      %dma_start3A_95 = tpu.memref_squeeze %dma_start3A_94 : memref<1x80xi32, #tpu.memory_space<vmem>> -> memref<80xi32, #tpu.memory_space<vmem>>
      %dma_start3A_96 = arith.constant 0 : i32
      %dma_start3A_97 = arith.constant 0 : i32
      %dma_start3A_98 = tpu.memref_slice %arg2[%dma_start3A_96, %dma_start3A_97] : memref<10000x48xf32, #tpu.memory_space<hbm>> -> memref<10000x48xf32, #tpu.memory_space<hbm>>
      tpu.enqueue_indirect_dma source(%dma_start3A_98 : memref<10000x48xf32, #tpu.memory_space<hbm>>) target(%arg11 : memref<80x48xf32, #tpu.memory_space<vmem>>) offsets(%dma_start3A_95 : memref<80xi32, #tpu.memory_space<vmem>>) semaphore(%arg15 : memref<!tpu.dma_semaphore, #tpu.memory_space<semaphore_mem>>)
      %dma_start3A_99 = arith.constant 0 : i32
      %dma_start3A_100 = tpu.memref_slice %arg8[%add3A_92, %dma_start3A_99] : memref<125x80xi32, #tpu.memory_space<vmem>> -> memref<1x80xi32, #tpu.memory_space<vmem>>
      %dma_start3A_101 = tpu.memref_squeeze %dma_start3A_100 : memref<1x80xi32, #tpu.memory_space<vmem>> -> memref<80xi32, #tpu.memory_space<vmem>>
      %dma_start3A_102 = arith.constant 0 : i32
      %dma_start3A_103 = arith.constant 0 : i32
      %dma_start3A_104 = tpu.memref_slice %arg2[%dma_start3A_102, %dma_start3A_103] : memref<10000x48xf32, #tpu.memory_space<hbm>> -> memref<10000x48xf32, #tpu.memory_space<hbm>>
      tpu.enqueue_indirect_dma source(%dma_start3A_104 : memref<10000x48xf32, #tpu.memory_space<hbm>>) target(%arg12 : memref<80x48xf32, #tpu.memory_space<vmem>>) offsets(%dma_start3A_101 : memref<80xi32, #tpu.memory_space<vmem>>) semaphore(%arg16 : memref<!tpu.dma_semaphore, #tpu.memory_space<semaphore_mem>>)
      %mul3A_105 = arith.constant 125 : i32
      %mul3A_106 = arith.muli %add3A, %mul3A_105 : i32
      %add3A_107 = arith.addi %mul3A_106, %mul3A_74 : i32
      %mul3A_108 = arith.constant 80 : i32
      %mul3A_109 = arith.muli %add3A_107, %mul3A_108 : i32
      %multiple_of3A_110 = tpu.assume_multiple %mul3A_109, 80 : i32
      %dma_start3A_111 = arith.constant 0 : i32
      %dma_start3A_112 = tpu.memref_slice %arg5[%multiple_of3A_110, %dma_start3A_111] : memref<320000x128xf32, #tpu.memory_space<hbm>> -> memref<80x48xf32, #tpu.memory_space<hbm>>
      %dma_start3A_113 = arith.constant 0 : i32
      %dma_start3A_114 = tpu.memref_slice %arg5[%multiple_of3A_110, %dma_start3A_113] : memref<320000x128xf32, #tpu.memory_space<hbm>> -> memref<80x48xf32, #tpu.memory_space<hbm>>
      tpu.enqueue_dma source(%arg9 : memref<80x48xf32, #tpu.memory_space<vmem>>) target(%dma_start3A_114 : memref<80x48xf32, #tpu.memory_space<hbm>>) target_semaphore(%arg17 : memref<!tpu.dma_semaphore, #tpu.memory_space<semaphore_mem>>)
      %dma_start3A_115 = arith.constant 0 : i32
      %dma_start3A_116 = tpu.memref_slice %arg6[%multiple_of3A_110, %dma_start3A_115] : memref<320000x128xf32, #tpu.memory_space<hbm>> -> memref<80x48xf32, #tpu.memory_space<hbm>>
      %dma_start3A_117 = arith.constant 0 : i32
      %dma_start3A_118 = tpu.memref_slice %arg6[%multiple_of3A_110, %dma_start3A_117] : memref<320000x128xf32, #tpu.memory_space<hbm>> -> memref<80x48xf32, #tpu.memory_space<hbm>>
      tpu.enqueue_dma source(%arg10 : memref<80x48xf32, #tpu.memory_space<vmem>>) target(%dma_start3A_118 : memref<80x48xf32, #tpu.memory_space<hbm>>) target_semaphore(%arg18 : memref<!tpu.dma_semaphore, #tpu.memory_space<semaphore_mem>>)
      %dma_wait3A_119 = arith.constant 0 : i32
      %dma_wait3A_120 = arith.constant 0 : i32
      %dma_wait3A_121 = tpu.memref_slice %arg7[%dma_wait3A_119, %dma_wait3A_120] : memref<125x80xi32, #tpu.memory_space<vmem>> -> memref<1x80xi32, #tpu.memory_space<vmem>>
      %dma_wait3A_122 = tpu.memref_squeeze %dma_wait3A_121 : memref<1x80xi32, #tpu.memory_space<vmem>> -> memref<80xi32, #tpu.memory_space<vmem>>
      %dma_wait3A_123 = arith.constant 0 : i32
      %dma_wait3A_124 = arith.constant 0 : i32
      %dma_wait3A_125 = tpu.memref_slice %arg2[%dma_wait3A_123, %dma_wait3A_124] : memref<10000x48xf32, #tpu.memory_space<hbm>> -> memref<10000x48xf32, #tpu.memory_space<hbm>>
      tpu.wait_indirect_dma semaphore(%arg15 : memref<!tpu.dma_semaphore, #tpu.memory_space<semaphore_mem>>) src(%dma_wait3A_125 : memref<10000x48xf32, #tpu.memory_space<hbm>>) dst(%arg11 : memref<80x48xf32, #tpu.memory_space<vmem>>)
      %dma_wait3A_126 = arith.constant 0 : i32
      %dma_wait3A_127 = arith.constant 0 : i32
      %dma_wait3A_128 = tpu.memref_slice %arg8[%dma_wait3A_126, %dma_wait3A_127] : memref<125x80xi32, #tpu.memory_space<vmem>> -> memref<1x80xi32, #tpu.memory_space<vmem>>
      %dma_wait3A_129 = tpu.memref_squeeze %dma_wait3A_128 : memref<1x80xi32, #tpu.memory_space<vmem>> -> memref<80xi32, #tpu.memory_space<vmem>>
      %dma_wait3A_130 = arith.constant 0 : i32
      %dma_wait3A_131 = arith.constant 0 : i32
      %dma_wait3A_132 = tpu.memref_slice %arg2[%dma_wait3A_130, %dma_wait3A_131] : memref<10000x48xf32, #tpu.memory_space<hbm>> -> memref<10000x48xf32, #tpu.memory_space<hbm>>
      tpu.wait_indirect_dma semaphore(%arg16 : memref<!tpu.dma_semaphore, #tpu.memory_space<semaphore_mem>>) src(%dma_wait3A_132 : memref<10000x48xf32, #tpu.memory_space<hbm>>) dst(%arg12 : memref<80x48xf32, #tpu.memory_space<vmem>>)
      %mul3A_133 = arith.constant 125 : i32
      %mul3A_134 = arith.muli %add3A, %mul3A_133 : i32
      %mul3A_135 = arith.constant 80 : i32
      %mul3A_136 = arith.muli %mul3A_134, %mul3A_135 : i32
      %multiple_of3A_137 = tpu.assume_multiple %mul3A_136, 80 : i32
      %dma_wait3A_138 = arith.constant 0 : i32
      %dma_wait3A_139 = tpu.memref_slice %arg5[%multiple_of3A_137, %dma_wait3A_138] : memref<320000x128xf32, #tpu.memory_space<hbm>> -> memref<80x48xf32, #tpu.memory_space<hbm>>
      %dma_wait3A_140 = arith.constant 0 : i32
      %dma_wait3A_141 = tpu.memref_slice %arg5[%multiple_of3A_137, %dma_wait3A_140] : memref<320000x128xf32, #tpu.memory_space<hbm>> -> memref<80x48xf32, #tpu.memory_space<hbm>>
      tpu.wait_dma2 semaphore(%arg17 : memref<!tpu.dma_semaphore, #tpu.memory_space<semaphore_mem>>) src(%arg9 : memref<80x48xf32, #tpu.memory_space<vmem>>) dst(%dma_wait3A_141 : memref<80x48xf32, #tpu.memory_space<hbm>>)
      %dma_wait3A_142 = arith.constant 0 : i32
      %dma_wait3A_143 = tpu.memref_slice %arg6[%multiple_of3A_137, %dma_wait3A_142] : memref<320000x128xf32, #tpu.memory_space<hbm>> -> memref<80x48xf32, #tpu.memory_space<hbm>>
      %dma_wait3A_144 = arith.constant 0 : i32
      %dma_wait3A_145 = tpu.memref_slice %arg6[%multiple_of3A_137, %dma_wait3A_144] : memref<320000x128xf32, #tpu.memory_space<hbm>> -> memref<80x48xf32, #tpu.memory_space<hbm>>
      tpu.wait_dma2 semaphore(%arg18 : memref<!tpu.dma_semaphore, #tpu.memory_space<semaphore_mem>>) src(%arg10 : memref<80x48xf32, #tpu.memory_space<vmem>>) dst(%dma_wait3A_145 : memref<80x48xf32, #tpu.memory_space<hbm>>)
      %add3A_146 = arith.constant 1 : i32
      %add3A_147 = arith.addi %mul3A_74, %add3A_146 : i32
      %mul3A_148 = arith.constant 125 : i32
      %mul3A_149 = arith.muli %add3A, %mul3A_148 : i32
      %add3A_150 = arith.addi %mul3A_149, %add3A_147 : i32
      %mul3A_151 = arith.constant 80 : i32
      %mul3A_152 = arith.muli %add3A_150, %mul3A_151 : i32
      %multiple_of3A_153 = tpu.assume_multiple %mul3A_152, 80 : i32
      %dma_start3A_154 = arith.constant 0 : i32
      %dma_start3A_155 = tpu.memref_slice %arg5[%multiple_of3A_153, %dma_start3A_154] : memref<320000x128xf32, #tpu.memory_space<hbm>> -> memref<80x48xf32, #tpu.memory_space<hbm>>
      %dma_start3A_156 = arith.constant 0 : i32
      %dma_start3A_157 = tpu.memref_slice %arg5[%multiple_of3A_153, %dma_start3A_156] : memref<320000x128xf32, #tpu.memory_space<hbm>> -> memref<80x48xf32, #tpu.memory_space<hbm>>
      tpu.enqueue_dma source(%arg11 : memref<80x48xf32, #tpu.memory_space<vmem>>) target(%dma_start3A_157 : memref<80x48xf32, #tpu.memory_space<hbm>>) target_semaphore(%arg19 : memref<!tpu.dma_semaphore, #tpu.memory_space<semaphore_mem>>)
      %dma_start3A_158 = arith.constant 0 : i32
      %dma_start3A_159 = tpu.memref_slice %arg6[%multiple_of3A_153, %dma_start3A_158] : memref<320000x128xf32, #tpu.memory_space<hbm>> -> memref<80x48xf32, #tpu.memory_space<hbm>>
      %dma_start3A_160 = arith.constant 0 : i32
      %dma_start3A_161 = tpu.memref_slice %arg6[%multiple_of3A_153, %dma_start3A_160] : memref<320000x128xf32, #tpu.memory_space<hbm>> -> memref<80x48xf32, #tpu.memory_space<hbm>>
      tpu.enqueue_dma source(%arg12 : memref<80x48xf32, #tpu.memory_space<vmem>>) target(%dma_start3A_161 : memref<80x48xf32, #tpu.memory_space<hbm>>) target_semaphore(%arg20 : memref<!tpu.dma_semaphore, #tpu.memory_space<semaphore_mem>>)
      %add3A_162 = arith.constant 2 : i32
      %add3A_163 = arith.addi %mul3A_74, %add3A_162 : i32
      %dma_start3A_164 = arith.constant 0 : i32
      %dma_start3A_165 = tpu.memref_slice %arg7[%add3A_163, %dma_start3A_164] : memref<125x80xi32, #tpu.memory_space<vmem>> -> memref<1x80xi32, #tpu.memory_space<vmem>>
      %dma_start3A_166 = tpu.memref_squeeze %dma_start3A_165 : memref<1x80xi32, #tpu.memory_space<vmem>> -> memref<80xi32, #tpu.memory_space<vmem>>
      %dma_start3A_167 = arith.constant 0 : i32
      %dma_start3A_168 = arith.constant 0 : i32
      %dma_start3A_169 = tpu.memref_slice %arg2[%dma_start3A_167, %dma_start3A_168] : memref<10000x48xf32, #tpu.memory_space<hbm>> -> memref<10000x48xf32, #tpu.memory_space<hbm>>
      tpu.enqueue_indirect_dma source(%dma_start3A_169 : memref<10000x48xf32, #tpu.memory_space<hbm>>) target(%arg9 : memref<80x48xf32, #tpu.memory_space<vmem>>) offsets(%dma_start3A_166 : memref<80xi32, #tpu.memory_space<vmem>>) semaphore(%arg13 : memref<!tpu.dma_semaphore, #tpu.memory_space<semaphore_mem>>)
      %dma_start3A_170 = arith.constant 0 : i32
      %dma_start3A_171 = tpu.memref_slice %arg8[%add3A_163, %dma_start3A_170] : memref<125x80xi32, #tpu.memory_space<vmem>> -> memref<1x80xi32, #tpu.memory_space<vmem>>
      %dma_start3A_172 = tpu.memref_squeeze %dma_start3A_171 : memref<1x80xi32, #tpu.memory_space<vmem>> -> memref<80xi32, #tpu.memory_space<vmem>>
      %dma_start3A_173 = arith.constant 0 : i32
      %dma_start3A_174 = arith.constant 0 : i32
      %dma_start3A_175 = tpu.memref_slice %arg2[%dma_start3A_173, %dma_start3A_174] : memref<10000x48xf32, #tpu.memory_space<hbm>> -> memref<10000x48xf32, #tpu.memory_space<hbm>>
      tpu.enqueue_indirect_dma source(%dma_start3A_175 : memref<10000x48xf32, #tpu.memory_space<hbm>>) target(%arg10 : memref<80x48xf32, #tpu.memory_space<vmem>>) offsets(%dma_start3A_172 : memref<80xi32, #tpu.memory_space<vmem>>) semaphore(%arg14 : memref<!tpu.dma_semaphore, #tpu.memory_space<semaphore_mem>>)
    }
    %scan3A_18 = arith.constant 62 : i32
    %mul3A_19 = arith.constant 125 : i32
    %mul3A_20 = arith.muli %add3A, %mul3A_19 : i32
    %mul3A_21 = arith.constant 80 : i32
    %mul3A_22 = arith.muli %mul3A_20, %mul3A_21 : i32
    %multiple_of3A = tpu.assume_multiple %mul3A_22, 80 : i32
    %dma_wait3A = arith.constant 0 : i32
    %dma_wait3A_23 = tpu.memref_slice %arg5[%multiple_of3A, %dma_wait3A] : memref<320000x128xf32, #tpu.memory_space<hbm>> -> memref<80x48xf32, #tpu.memory_space<hbm>>
    %dma_wait3A_24 = arith.constant 0 : i32
    %dma_wait3A_25 = tpu.memref_slice %arg5[%multiple_of3A, %dma_wait3A_24] : memref<320000x128xf32, #tpu.memory_space<hbm>> -> memref<80x48xf32, #tpu.memory_space<hbm>>
    tpu.wait_dma2 semaphore(%arg19 : memref<!tpu.dma_semaphore, #tpu.memory_space<semaphore_mem>>) src(%arg11 : memref<80x48xf32, #tpu.memory_space<vmem>>) dst(%dma_wait3A_25 : memref<80x48xf32, #tpu.memory_space<hbm>>)
    %dma_wait3A_26 = arith.constant 0 : i32
    %dma_wait3A_27 = tpu.memref_slice %arg6[%multiple_of3A, %dma_wait3A_26] : memref<320000x128xf32, #tpu.memory_space<hbm>> -> memref<80x48xf32, #tpu.memory_space<hbm>>
    %dma_wait3A_28 = arith.constant 0 : i32
    %dma_wait3A_29 = tpu.memref_slice %arg6[%multiple_of3A, %dma_wait3A_28] : memref<320000x128xf32, #tpu.memory_space<hbm>> -> memref<80x48xf32, #tpu.memory_space<hbm>>
    tpu.wait_dma2 semaphore(%arg20 : memref<!tpu.dma_semaphore, #tpu.memory_space<semaphore_mem>>) src(%arg12 : memref<80x48xf32, #tpu.memory_space<vmem>>) dst(%dma_wait3A_29 : memref<80x48xf32, #tpu.memory_space<hbm>>)
    %dma_wait3A_30 = arith.constant 0 : i32
    %dma_wait3A_31 = arith.constant 0 : i32
    %dma_wait3A_32 = tpu.memref_slice %arg7[%dma_wait3A_30, %dma_wait3A_31] : memref<125x80xi32, #tpu.memory_space<vmem>> -> memref<1x80xi32, #tpu.memory_space<vmem>>
    %dma_wait3A_33 = tpu.memref_squeeze %dma_wait3A_32 : memref<1x80xi32, #tpu.memory_space<vmem>> -> memref<80xi32, #tpu.memory_space<vmem>>
    %dma_wait3A_34 = arith.constant 0 : i32
    %dma_wait3A_35 = arith.constant 0 : i32
    %dma_wait3A_36 = tpu.memref_slice %arg2[%dma_wait3A_34, %dma_wait3A_35] : memref<10000x48xf32, #tpu.memory_space<hbm>> -> memref<10000x48xf32, #tpu.memory_space<hbm>>
    tpu.wait_indirect_dma semaphore(%arg13 : memref<!tpu.dma_semaphore, #tpu.memory_space<semaphore_mem>>) src(%dma_wait3A_36 : memref<10000x48xf32, #tpu.memory_space<hbm>>) dst(%arg9 : memref<80x48xf32, #tpu.memory_space<vmem>>)
    %dma_wait3A_37 = arith.constant 0 : i32
    %dma_wait3A_38 = arith.constant 0 : i32
    %dma_wait3A_39 = tpu.memref_slice %arg8[%dma_wait3A_37, %dma_wait3A_38] : memref<125x80xi32, #tpu.memory_space<vmem>> -> memref<1x80xi32, #tpu.memory_space<vmem>>
    %dma_wait3A_40 = tpu.memref_squeeze %dma_wait3A_39 : memref<1x80xi32, #tpu.memory_space<vmem>> -> memref<80xi32, #tpu.memory_space<vmem>>
    %dma_wait3A_41 = arith.constant 0 : i32
    %dma_wait3A_42 = arith.constant 0 : i32
    %dma_wait3A_43 = tpu.memref_slice %arg2[%dma_wait3A_41, %dma_wait3A_42] : memref<10000x48xf32, #tpu.memory_space<hbm>> -> memref<10000x48xf32, #tpu.memory_space<hbm>>
    tpu.wait_indirect_dma semaphore(%arg14 : memref<!tpu.dma_semaphore, #tpu.memory_space<semaphore_mem>>) src(%dma_wait3A_43 : memref<10000x48xf32, #tpu.memory_space<hbm>>) dst(%arg10 : memref<80x48xf32, #tpu.memory_space<vmem>>)
    %mul3A_44 = arith.constant 125 : i32
    %mul3A_45 = arith.muli %add3A, %mul3A_44 : i32
    %add3A_46 = arith.constant 124 : i32
    %add3A_47 = arith.addi %mul3A_45, %add3A_46 : i32
    %mul3A_48 = arith.constant 80 : i32
    %mul3A_49 = arith.muli %add3A_47, %mul3A_48 : i32
    %multiple_of3A_50 = tpu.assume_multiple %mul3A_49, 80 : i32
    %dma_start3A_51 = arith.constant 0 : i32
    %dma_start3A_52 = tpu.memref_slice %arg5[%multiple_of3A_50, %dma_start3A_51] : memref<320000x128xf32, #tpu.memory_space<hbm>> -> memref<80x48xf32, #tpu.memory_space<hbm>>
    %dma_start3A_53 = arith.constant 0 : i32
    %dma_start3A_54 = tpu.memref_slice %arg5[%multiple_of3A_50, %dma_start3A_53] : memref<320000x128xf32, #tpu.memory_space<hbm>> -> memref<80x48xf32, #tpu.memory_space<hbm>>
    tpu.enqueue_dma source(%arg9 : memref<80x48xf32, #tpu.memory_space<vmem>>) target(%dma_start3A_54 : memref<80x48xf32, #tpu.memory_space<hbm>>) target_semaphore(%arg17 : memref<!tpu.dma_semaphore, #tpu.memory_space<semaphore_mem>>)
    %dma_start3A_55 = arith.constant 0 : i32
    %dma_start3A_56 = tpu.memref_slice %arg6[%multiple_of3A_50, %dma_start3A_55] : memref<320000x128xf32, #tpu.memory_space<hbm>> -> memref<80x48xf32, #tpu.memory_space<hbm>>
    %dma_start3A_57 = arith.constant 0 : i32
    %dma_start3A_58 = tpu.memref_slice %arg6[%multiple_of3A_50, %dma_start3A_57] : memref<320000x128xf32, #tpu.memory_space<hbm>> -> memref<80x48xf32, #tpu.memory_space<hbm>>
    tpu.enqueue_dma source(%arg10 : memref<80x48xf32, #tpu.memory_space<vmem>>) target(%dma_start3A_58 : memref<80x48xf32, #tpu.memory_space<hbm>>) target_semaphore(%arg18 : memref<!tpu.dma_semaphore, #tpu.memory_space<semaphore_mem>>)
    %mul3A_59 = arith.constant 125 : i32
    %mul3A_60 = arith.muli %add3A, %mul3A_59 : i32
    %mul3A_61 = arith.constant 80 : i32
    %mul3A_62 = arith.muli %mul3A_60, %mul3A_61 : i32
    %multiple_of3A_63 = tpu.assume_multiple %mul3A_62, 80 : i32
    %dma_wait3A_64 = arith.constant 0 : i32
    %dma_wait3A_65 = tpu.memref_slice %arg5[%multiple_of3A_63, %dma_wait3A_64] : memref<320000x128xf32, #tpu.memory_space<hbm>> -> memref<80x48xf32, #tpu.memory_space<hbm>>
    %dma_wait3A_66 = arith.constant 0 : i32
    %dma_wait3A_67 = tpu.memref_slice %arg5[%multiple_of3A_63, %dma_wait3A_66] : memref<320000x128xf32, #tpu.memory_space<hbm>> -> memref<80x48xf32, #tpu.memory_space<hbm>>
    tpu.wait_dma2 semaphore(%arg17 : memref<!tpu.dma_semaphore, #tpu.memory_space<semaphore_mem>>) src(%arg9 : memref<80x48xf32, #tpu.memory_space<vmem>>) dst(%dma_wait3A_67 : memref<80x48xf32, #tpu.memory_space<hbm>>)
    %dma_wait3A_68 = arith.constant 0 : i32
    %dma_wait3A_69 = tpu.memref_slice %arg6[%multiple_of3A_63, %dma_wait3A_68] : memref<320000x128xf32, #tpu.memory_space<hbm>> -> memref<80x48xf32, #tpu.memory_space<hbm>>
    %dma_wait3A_70 = arith.constant 0 : i32
    %dma_wait3A_71 = tpu.memref_slice %arg6[%multiple_of3A_63, %dma_wait3A_70] : memref<320000x128xf32, #tpu.memory_space<hbm>> -> memref<80x48xf32, #tpu.memory_space<hbm>>
    tpu.wait_dma2 semaphore(%arg18 : memref<!tpu.dma_semaphore, #tpu.memory_space<semaphore_mem>>) src(%arg10 : memref<80x48xf32, #tpu.memory_space<vmem>>) dst(%dma_wait3A_71 : memref<80x48xf32, #tpu.memory_space<hbm>>)
    return
  }
}

#map = affine_map<(d0, d1) -> (0, 0)>
#map1 = affine_map<(d0, d1) -> (0, 0, 0)>
module attributes {stable_mosaic.version = 14 : i64} {
  func.func @scatter(%arg0: i32, %arg1: i32, %arg2: memref<320000x128xf32, #tpu.memory_space<hbm>>, %arg3: memref<32x125x80xi32, #tpu.memory_space<hbm>>, %arg4: memref<10000x48xf32, #tpu.memory_space<hbm>>, %arg5: memref<2x10000x48xf32, #tpu.memory_space<hbm>>, %arg6: memref<10000x48xf32, #tpu.memory_space<vmem_shared>>, %arg7: memref<125x80xi32, #tpu.memory_space<vmem>>, %arg8: memref<80x48xf32, #tpu.memory_space<vmem>>, %arg9: memref<80x48xf32, #tpu.memory_space<vmem>>, %arg10: memref<!tpu.dma_semaphore, #tpu.memory_space<semaphore_mem>>, %arg11: memref<!tpu.dma_semaphore, #tpu.memory_space<semaphore_mem>>, %arg12: memref<!tpu.dma_semaphore, #tpu.memory_space<semaphore_mem>>, %arg13: memref<!tpu.dma_semaphore, #tpu.memory_space<semaphore_mem>>) attributes {dimension_semantics = [#tpu.dimension_semantics<core_parallel>, #tpu.dimension_semantics<subcore_parallel>], iteration_bounds = array<i64: 2, 16>, scalar_prefetch = 0 : i64, scratch_operands = 8 : i64, tpu.core_type = #tpu.core_type<sc_vector_subcore>, window_params = [{transform_indices = #map}, {transform_indices = #map1}, {transform_indices = #map}, {transform_indices = #map1}]} {
    %mul3A = arith.constant 2 : i32
    %mul3A_0 = arith.muli %arg1, %mul3A : i32
    %add3A = arith.addi %mul3A_0, %arg0 : i32
    %mul3A_1 = arith.constant 624 : i32
    %mul3A_2 = arith.muli %arg1, %mul3A_1 : i32
    %multiple_of3A = tpu.assume_multiple %mul3A_2, 8 : i32
    "tpu.region"() ({
      %run_scoped3A = tpu.sem_alloc : memref<!tpu.dma_semaphore, #tpu.memory_space<semaphore_mem>>
      %dma_start3A_55 = arith.constant 0 : i32
      %dma_start3A_56 = tpu.memref_slice %arg6[%multiple_of3A, %dma_start3A_55] : memref<10000x48xf32, #tpu.memory_space<vmem_shared>> -> memref<624x48xf32, #tpu.memory_space<vmem_shared>>
      %dma_start3A_57 = arith.constant 0 : i32
      %dma_start3A_58 = tpu.memref_slice %arg4[%multiple_of3A, %dma_start3A_57] : memref<10000x48xf32, #tpu.memory_space<hbm>> -> memref<624x48xf32, #tpu.memory_space<hbm>>
      tpu.enqueue_dma source(%dma_start3A_58 : memref<624x48xf32, #tpu.memory_space<hbm>>) target(%dma_start3A_56 : memref<624x48xf32, #tpu.memory_space<vmem_shared>>) target_semaphore(%run_scoped3A : memref<!tpu.dma_semaphore, #tpu.memory_space<semaphore_mem>>)
      %dma_wait3A_59 = arith.constant 0 : i32
      %dma_wait3A_60 = tpu.memref_slice %arg6[%multiple_of3A, %dma_wait3A_59] : memref<10000x48xf32, #tpu.memory_space<vmem_shared>> -> memref<624x48xf32, #tpu.memory_space<vmem_shared>>
      %dma_wait3A_61 = arith.constant 0 : i32
      %dma_wait3A_62 = tpu.memref_slice %arg4[%multiple_of3A, %dma_wait3A_61] : memref<10000x48xf32, #tpu.memory_space<hbm>> -> memref<624x48xf32, #tpu.memory_space<hbm>>
      tpu.wait_dma2 semaphore(%run_scoped3A : memref<!tpu.dma_semaphore, #tpu.memory_space<semaphore_mem>>) src(%dma_wait3A_62 : memref<624x48xf32, #tpu.memory_space<hbm>>) dst(%dma_wait3A_60 : memref<624x48xf32, #tpu.memory_space<vmem_shared>>)
      tpu.yield
    }) : () -> ()
    %eq3A = arith.constant 0 : i32
    %eq3A_3 = arith.cmpi eq, %arg1, %eq3A : i32
    %convert_element_type3A = arith.extui %eq3A_3 : i1 to i32
    %cond3A = arith.constant 0 : i32
    %cond3A_4 = arith.cmpi ne, %convert_element_type3A, %cond3A : i32
    scf.if %cond3A_4 {
      "tpu.region"() ({
        %run_scoped3A = tpu.sem_alloc : memref<!tpu.dma_semaphore, #tpu.memory_space<semaphore_mem>>
        %dma_start3A_55 = arith.constant 9984 : i32
        %dma_start3A_56 = arith.constant 0 : i32
        %dma_start3A_57 = tpu.memref_slice %arg6[%dma_start3A_55, %dma_start3A_56] : memref<10000x48xf32, #tpu.memory_space<vmem_shared>> -> memref<16x48xf32, #tpu.memory_space<vmem_shared>>
        %dma_start3A_58 = arith.constant 9984 : i32
        %dma_start3A_59 = arith.constant 0 : i32
        %dma_start3A_60 = tpu.memref_slice %arg4[%dma_start3A_58, %dma_start3A_59] : memref<10000x48xf32, #tpu.memory_space<hbm>> -> memref<16x48xf32, #tpu.memory_space<hbm>>
        tpu.enqueue_dma source(%dma_start3A_60 : memref<16x48xf32, #tpu.memory_space<hbm>>) target(%dma_start3A_57 : memref<16x48xf32, #tpu.memory_space<vmem_shared>>) target_semaphore(%run_scoped3A : memref<!tpu.dma_semaphore, #tpu.memory_space<semaphore_mem>>)
        %dma_wait3A_61 = arith.constant 9984 : i32
        %dma_wait3A_62 = arith.constant 0 : i32
        %dma_wait3A_63 = tpu.memref_slice %arg6[%dma_wait3A_61, %dma_wait3A_62] : memref<10000x48xf32, #tpu.memory_space<vmem_shared>> -> memref<16x48xf32, #tpu.memory_space<vmem_shared>>
        %dma_wait3A_64 = arith.constant 9984 : i32
        %dma_wait3A_65 = arith.constant 0 : i32
        %dma_wait3A_66 = tpu.memref_slice %arg4[%dma_wait3A_64, %dma_wait3A_65] : memref<10000x48xf32, #tpu.memory_space<hbm>> -> memref<16x48xf32, #tpu.memory_space<hbm>>
        tpu.wait_dma2 semaphore(%run_scoped3A : memref<!tpu.dma_semaphore, #tpu.memory_space<semaphore_mem>>) src(%dma_wait3A_66 : memref<16x48xf32, #tpu.memory_space<hbm>>) dst(%dma_wait3A_63 : memref<16x48xf32, #tpu.memory_space<vmem_shared>>)
        tpu.yield
      }) : () -> ()
    } else {
    }
    "tpu.region"() ({
      %run_scoped3A = tpu.sem_alloc : memref<!tpu.dma_semaphore, #tpu.memory_space<semaphore_mem>>
      %dma_start3A_55 = arith.constant 0 : i32
      %dma_start3A_56 = arith.constant 0 : i32
      %dma_start3A_57 = tpu.memref_slice %arg3[%add3A, %dma_start3A_55, %dma_start3A_56] : memref<32x125x80xi32, #tpu.memory_space<hbm>> -> memref<1x125x80xi32, #tpu.memory_space<hbm>>
      %dma_start3A_58 = tpu.memref_squeeze %dma_start3A_57 : memref<1x125x80xi32, #tpu.memory_space<hbm>> -> memref<125x80xi32, #tpu.memory_space<hbm>>
      %dma_start3A_59 = arith.constant 0 : i32
      %dma_start3A_60 = arith.constant 0 : i32
      %dma_start3A_61 = tpu.memref_slice %arg3[%add3A, %dma_start3A_59, %dma_start3A_60] : memref<32x125x80xi32, #tpu.memory_space<hbm>> -> memref<1x125x80xi32, #tpu.memory_space<hbm>>
      %dma_start3A_62 = tpu.memref_squeeze %dma_start3A_61 : memref<1x125x80xi32, #tpu.memory_space<hbm>> -> memref<125x80xi32, #tpu.memory_space<hbm>>
      tpu.enqueue_dma source(%dma_start3A_62 : memref<125x80xi32, #tpu.memory_space<hbm>>) target(%arg7 : memref<125x80xi32, #tpu.memory_space<vmem>>) target_semaphore(%run_scoped3A : memref<!tpu.dma_semaphore, #tpu.memory_space<semaphore_mem>>)
      %dma_wait3A_63 = arith.constant 0 : i32
      %dma_wait3A_64 = arith.constant 0 : i32
      %dma_wait3A_65 = tpu.memref_slice %arg3[%add3A, %dma_wait3A_63, %dma_wait3A_64] : memref<32x125x80xi32, #tpu.memory_space<hbm>> -> memref<1x125x80xi32, #tpu.memory_space<hbm>>
      %dma_wait3A_66 = tpu.memref_squeeze %dma_wait3A_65 : memref<1x125x80xi32, #tpu.memory_space<hbm>> -> memref<125x80xi32, #tpu.memory_space<hbm>>
      %dma_wait3A_67 = arith.constant 0 : i32
      %dma_wait3A_68 = arith.constant 0 : i32
      %dma_wait3A_69 = tpu.memref_slice %arg3[%add3A, %dma_wait3A_67, %dma_wait3A_68] : memref<32x125x80xi32, #tpu.memory_space<hbm>> -> memref<1x125x80xi32, #tpu.memory_space<hbm>>
      %dma_wait3A_70 = tpu.memref_squeeze %dma_wait3A_69 : memref<1x125x80xi32, #tpu.memory_space<hbm>> -> memref<125x80xi32, #tpu.memory_space<hbm>>
      tpu.wait_dma2 semaphore(%run_scoped3A : memref<!tpu.dma_semaphore, #tpu.memory_space<semaphore_mem>>) src(%dma_wait3A_70 : memref<125x80xi32, #tpu.memory_space<hbm>>) dst(%arg7 : memref<125x80xi32, #tpu.memory_space<vmem>>)
      tpu.yield
    }) : () -> ()
    %barrier3A = arith.constant 0 : index
    tpu.barrier barrier_id(%barrier3A)
    %mul3A_5 = arith.constant 125 : i32
    %mul3A_6 = arith.muli %add3A, %mul3A_5 : i32
    %add3A_7 = arith.constant 0 : i32
    %add3A_8 = arith.addi %mul3A_6, %add3A_7 : i32
    %mul3A_9 = arith.constant 80 : i32
    %mul3A_10 = arith.muli %add3A_8, %mul3A_9 : i32
    %multiple_of3A_11 = tpu.assume_multiple %mul3A_10, 80 : i32
    %dma_start3A = arith.constant 0 : i32
    %dma_start3A_12 = tpu.memref_slice %arg2[%multiple_of3A_11, %dma_start3A] : memref<320000x128xf32, #tpu.memory_space<hbm>> -> memref<80x48xf32, #tpu.memory_space<hbm>>
    %dma_start3A_13 = arith.constant 0 : i32
    %dma_start3A_14 = tpu.memref_slice %arg2[%multiple_of3A_11, %dma_start3A_13] : memref<320000x128xf32, #tpu.memory_space<hbm>> -> memref<80x48xf32, #tpu.memory_space<hbm>>
    tpu.enqueue_dma source(%dma_start3A_14 : memref<80x48xf32, #tpu.memory_space<hbm>>) target(%arg8 : memref<80x48xf32, #tpu.memory_space<vmem>>) target_semaphore(%arg10 : memref<!tpu.dma_semaphore, #tpu.memory_space<semaphore_mem>>)
    %scan3A = arith.constant 0 : i32
    %scan3A_15 = arith.constant 0 : i32
    %scan3A_16 = arith.constant 62 : i32
    %scan3A_17 = arith.addi %scan3A_15, %scan3A_16 : i32
    %scan3A_18 = arith.constant 1 : i32
    scf.for %scan3A_55 = %scan3A_15 to %scan3A_17 step %scan3A_18  : i32 {
      %mul3A_56 = arith.constant 2 : i32
      %mul3A_57 = arith.muli %mul3A_56, %scan3A_55 : i32
      %mul3A_58 = arith.constant 125 : i32
      %mul3A_59 = arith.muli %add3A, %mul3A_58 : i32
      %mul3A_60 = arith.constant 80 : i32
      %mul3A_61 = arith.muli %mul3A_59, %mul3A_60 : i32
      %multiple_of3A_62 = tpu.assume_multiple %mul3A_61, 80 : i32
      %dma_wait3A_63 = arith.constant 0 : i32
      %dma_wait3A_64 = tpu.memref_slice %arg2[%multiple_of3A_62, %dma_wait3A_63] : memref<320000x128xf32, #tpu.memory_space<hbm>> -> memref<80x48xf32, #tpu.memory_space<hbm>>
      %dma_wait3A_65 = arith.constant 0 : i32
      %dma_wait3A_66 = tpu.memref_slice %arg2[%multiple_of3A_62, %dma_wait3A_65] : memref<320000x128xf32, #tpu.memory_space<hbm>> -> memref<80x48xf32, #tpu.memory_space<hbm>>
      tpu.wait_dma2 semaphore(%arg10 : memref<!tpu.dma_semaphore, #tpu.memory_space<semaphore_mem>>) src(%dma_wait3A_66 : memref<80x48xf32, #tpu.memory_space<hbm>>) dst(%arg8 : memref<80x48xf32, #tpu.memory_space<vmem>>)
      %dma_start3A_67 = arith.constant 0 : i32
      %dma_start3A_68 = tpu.memref_slice %arg7[%mul3A_57, %dma_start3A_67] : memref<125x80xi32, #tpu.memory_space<vmem>> -> memref<1x80xi32, #tpu.memory_space<vmem>>
      %dma_start3A_69 = tpu.memref_squeeze %dma_start3A_68 : memref<1x80xi32, #tpu.memory_space<vmem>> -> memref<80xi32, #tpu.memory_space<vmem>>
      %dma_start3A_70 = arith.constant 0 : i32
      %dma_start3A_71 = arith.constant 0 : i32
      %dma_start3A_72 = tpu.memref_slice %arg6[%dma_start3A_70, %dma_start3A_71] : memref<10000x48xf32, #tpu.memory_space<vmem_shared>> -> memref<10000x48xf32, #tpu.memory_space<vmem_shared>>
      tpu.enqueue_indirect_dma source(%arg8 : memref<80x48xf32, #tpu.memory_space<vmem>>) target(%dma_start3A_72 : memref<10000x48xf32, #tpu.memory_space<vmem_shared>>) offsets(%dma_start3A_69 : memref<80xi32, #tpu.memory_space<vmem>>) semaphore(%arg12 : memref<!tpu.dma_semaphore, #tpu.memory_space<semaphore_mem>>) {add = true}
      %gt3A = arith.constant 0 : i32
      %gt3A_73 = arith.cmpi sgt, %scan3A_55, %gt3A : i32
      %convert_element_type3A_74 = arith.extui %gt3A_73 : i1 to i32
      %cond3A_75 = arith.constant 0 : i32
      %cond3A_76 = arith.cmpi ne, %convert_element_type3A_74, %cond3A_75 : i32
      scf.if %cond3A_76 {
        %dma_wait3A_125 = arith.constant 0 : i32
        %dma_wait3A_126 = arith.constant 0 : i32
        %dma_wait3A_127 = tpu.memref_slice %arg7[%dma_wait3A_125, %dma_wait3A_126] : memref<125x80xi32, #tpu.memory_space<vmem>> -> memref<1x80xi32, #tpu.memory_space<vmem>>
        %dma_wait3A_128 = tpu.memref_squeeze %dma_wait3A_127 : memref<1x80xi32, #tpu.memory_space<vmem>> -> memref<80xi32, #tpu.memory_space<vmem>>
        %dma_wait3A_129 = arith.constant 0 : i32
        %dma_wait3A_130 = arith.constant 0 : i32
        %dma_wait3A_131 = tpu.memref_slice %arg6[%dma_wait3A_129, %dma_wait3A_130] : memref<10000x48xf32, #tpu.memory_space<vmem_shared>> -> memref<10000x48xf32, #tpu.memory_space<vmem_shared>>
        tpu.wait_indirect_dma semaphore(%arg13 : memref<!tpu.dma_semaphore, #tpu.memory_space<semaphore_mem>>) src(%arg9 : memref<80x48xf32, #tpu.memory_space<vmem>>) dst(%dma_wait3A_131 : memref<10000x48xf32, #tpu.memory_space<vmem_shared>>)
      } else {
      }
      %add3A_77 = arith.constant 1 : i32
      %add3A_78 = arith.addi %mul3A_57, %add3A_77 : i32
      %mul3A_79 = arith.constant 125 : i32
      %mul3A_80 = arith.muli %add3A, %mul3A_79 : i32
      %add3A_81 = arith.addi %mul3A_80, %add3A_78 : i32
      %mul3A_82 = arith.constant 80 : i32
      %mul3A_83 = arith.muli %add3A_81, %mul3A_82 : i32
      %multiple_of3A_84 = tpu.assume_multiple %mul3A_83, 80 : i32
      %dma_start3A_85 = arith.constant 0 : i32
      %dma_start3A_86 = tpu.memref_slice %arg2[%multiple_of3A_84, %dma_start3A_85] : memref<320000x128xf32, #tpu.memory_space<hbm>> -> memref<80x48xf32, #tpu.memory_space<hbm>>
      %dma_start3A_87 = arith.constant 0 : i32
      %dma_start3A_88 = tpu.memref_slice %arg2[%multiple_of3A_84, %dma_start3A_87] : memref<320000x128xf32, #tpu.memory_space<hbm>> -> memref<80x48xf32, #tpu.memory_space<hbm>>
      tpu.enqueue_dma source(%dma_start3A_88 : memref<80x48xf32, #tpu.memory_space<hbm>>) target(%arg9 : memref<80x48xf32, #tpu.memory_space<vmem>>) target_semaphore(%arg11 : memref<!tpu.dma_semaphore, #tpu.memory_space<semaphore_mem>>)
      %mul3A_89 = arith.constant 125 : i32
      %mul3A_90 = arith.muli %add3A, %mul3A_89 : i32
      %mul3A_91 = arith.constant 80 : i32
      %mul3A_92 = arith.muli %mul3A_90, %mul3A_91 : i32
      %multiple_of3A_93 = tpu.assume_multiple %mul3A_92, 80 : i32
      %dma_wait3A_94 = arith.constant 0 : i32
      %dma_wait3A_95 = tpu.memref_slice %arg2[%multiple_of3A_93, %dma_wait3A_94] : memref<320000x128xf32, #tpu.memory_space<hbm>> -> memref<80x48xf32, #tpu.memory_space<hbm>>
      %dma_wait3A_96 = arith.constant 0 : i32
      %dma_wait3A_97 = tpu.memref_slice %arg2[%multiple_of3A_93, %dma_wait3A_96] : memref<320000x128xf32, #tpu.memory_space<hbm>> -> memref<80x48xf32, #tpu.memory_space<hbm>>
      tpu.wait_dma2 semaphore(%arg11 : memref<!tpu.dma_semaphore, #tpu.memory_space<semaphore_mem>>) src(%dma_wait3A_97 : memref<80x48xf32, #tpu.memory_space<hbm>>) dst(%arg9 : memref<80x48xf32, #tpu.memory_space<vmem>>)
      %add3A_98 = arith.constant 1 : i32
      %add3A_99 = arith.addi %mul3A_57, %add3A_98 : i32
      %dma_start3A_100 = arith.constant 0 : i32
      %dma_start3A_101 = tpu.memref_slice %arg7[%add3A_99, %dma_start3A_100] : memref<125x80xi32, #tpu.memory_space<vmem>> -> memref<1x80xi32, #tpu.memory_space<vmem>>
      %dma_start3A_102 = tpu.memref_squeeze %dma_start3A_101 : memref<1x80xi32, #tpu.memory_space<vmem>> -> memref<80xi32, #tpu.memory_space<vmem>>
      %dma_start3A_103 = arith.constant 0 : i32
      %dma_start3A_104 = arith.constant 0 : i32
      %dma_start3A_105 = tpu.memref_slice %arg6[%dma_start3A_103, %dma_start3A_104] : memref<10000x48xf32, #tpu.memory_space<vmem_shared>> -> memref<10000x48xf32, #tpu.memory_space<vmem_shared>>
      tpu.enqueue_indirect_dma source(%arg9 : memref<80x48xf32, #tpu.memory_space<vmem>>) target(%dma_start3A_105 : memref<10000x48xf32, #tpu.memory_space<vmem_shared>>) offsets(%dma_start3A_102 : memref<80xi32, #tpu.memory_space<vmem>>) semaphore(%arg13 : memref<!tpu.dma_semaphore, #tpu.memory_space<semaphore_mem>>) {add = true}
      %dma_wait3A_106 = arith.constant 0 : i32
      %dma_wait3A_107 = arith.constant 0 : i32
      %dma_wait3A_108 = tpu.memref_slice %arg7[%dma_wait3A_106, %dma_wait3A_107] : memref<125x80xi32, #tpu.memory_space<vmem>> -> memref<1x80xi32, #tpu.memory_space<vmem>>
      %dma_wait3A_109 = tpu.memref_squeeze %dma_wait3A_108 : memref<1x80xi32, #tpu.memory_space<vmem>> -> memref<80xi32, #tpu.memory_space<vmem>>
      %dma_wait3A_110 = arith.constant 0 : i32
      %dma_wait3A_111 = arith.constant 0 : i32
      %dma_wait3A_112 = tpu.memref_slice %arg6[%dma_wait3A_110, %dma_wait3A_111] : memref<10000x48xf32, #tpu.memory_space<vmem_shared>> -> memref<10000x48xf32, #tpu.memory_space<vmem_shared>>
      tpu.wait_indirect_dma semaphore(%arg12 : memref<!tpu.dma_semaphore, #tpu.memory_space<semaphore_mem>>) src(%arg8 : memref<80x48xf32, #tpu.memory_space<vmem>>) dst(%dma_wait3A_112 : memref<10000x48xf32, #tpu.memory_space<vmem_shared>>)
      %add3A_113 = arith.constant 2 : i32
      %add3A_114 = arith.addi %mul3A_57, %add3A_113 : i32
      %mul3A_115 = arith.constant 125 : i32
      %mul3A_116 = arith.muli %add3A, %mul3A_115 : i32
      %add3A_117 = arith.addi %mul3A_116, %add3A_114 : i32
      %mul3A_118 = arith.constant 80 : i32
      %mul3A_119 = arith.muli %add3A_117, %mul3A_118 : i32
      %multiple_of3A_120 = tpu.assume_multiple %mul3A_119, 80 : i32
      %dma_start3A_121 = arith.constant 0 : i32
      %dma_start3A_122 = tpu.memref_slice %arg2[%multiple_of3A_120, %dma_start3A_121] : memref<320000x128xf32, #tpu.memory_space<hbm>> -> memref<80x48xf32, #tpu.memory_space<hbm>>
      %dma_start3A_123 = arith.constant 0 : i32
      %dma_start3A_124 = tpu.memref_slice %arg2[%multiple_of3A_120, %dma_start3A_123] : memref<320000x128xf32, #tpu.memory_space<hbm>> -> memref<80x48xf32, #tpu.memory_space<hbm>>
      tpu.enqueue_dma source(%dma_start3A_124 : memref<80x48xf32, #tpu.memory_space<hbm>>) target(%arg8 : memref<80x48xf32, #tpu.memory_space<vmem>>) target_semaphore(%arg10 : memref<!tpu.dma_semaphore, #tpu.memory_space<semaphore_mem>>)
    }
    %scan3A_19 = arith.constant 62 : i32
    %mul3A_20 = arith.constant 125 : i32
    %mul3A_21 = arith.muli %add3A, %mul3A_20 : i32
    %mul3A_22 = arith.constant 80 : i32
    %mul3A_23 = arith.muli %mul3A_21, %mul3A_22 : i32
    %multiple_of3A_24 = tpu.assume_multiple %mul3A_23, 80 : i32
    %dma_wait3A = arith.constant 0 : i32
    %dma_wait3A_25 = tpu.memref_slice %arg2[%multiple_of3A_24, %dma_wait3A] : memref<320000x128xf32, #tpu.memory_space<hbm>> -> memref<80x48xf32, #tpu.memory_space<hbm>>
    %dma_wait3A_26 = arith.constant 0 : i32
    %dma_wait3A_27 = tpu.memref_slice %arg2[%multiple_of3A_24, %dma_wait3A_26] : memref<320000x128xf32, #tpu.memory_space<hbm>> -> memref<80x48xf32, #tpu.memory_space<hbm>>
    tpu.wait_dma2 semaphore(%arg10 : memref<!tpu.dma_semaphore, #tpu.memory_space<semaphore_mem>>) src(%dma_wait3A_27 : memref<80x48xf32, #tpu.memory_space<hbm>>) dst(%arg8 : memref<80x48xf32, #tpu.memory_space<vmem>>)
    %dma_wait3A_28 = arith.constant 0 : i32
    %dma_wait3A_29 = arith.constant 0 : i32
    %dma_wait3A_30 = tpu.memref_slice %arg7[%dma_wait3A_28, %dma_wait3A_29] : memref<125x80xi32, #tpu.memory_space<vmem>> -> memref<1x80xi32, #tpu.memory_space<vmem>>
    %dma_wait3A_31 = tpu.memref_squeeze %dma_wait3A_30 : memref<1x80xi32, #tpu.memory_space<vmem>> -> memref<80xi32, #tpu.memory_space<vmem>>
    %dma_wait3A_32 = arith.constant 0 : i32
    %dma_wait3A_33 = arith.constant 0 : i32
    %dma_wait3A_34 = tpu.memref_slice %arg6[%dma_wait3A_32, %dma_wait3A_33] : memref<10000x48xf32, #tpu.memory_space<vmem_shared>> -> memref<10000x48xf32, #tpu.memory_space<vmem_shared>>
    tpu.wait_indirect_dma semaphore(%arg13 : memref<!tpu.dma_semaphore, #tpu.memory_space<semaphore_mem>>) src(%arg9 : memref<80x48xf32, #tpu.memory_space<vmem>>) dst(%dma_wait3A_34 : memref<10000x48xf32, #tpu.memory_space<vmem_shared>>)
    %dma_start3A_35 = arith.constant 124 : i32
    %dma_start3A_36 = arith.constant 0 : i32
    %dma_start3A_37 = tpu.memref_slice %arg7[%dma_start3A_35, %dma_start3A_36] : memref<125x80xi32, #tpu.memory_space<vmem>> -> memref<1x80xi32, #tpu.memory_space<vmem>>
    %dma_start3A_38 = tpu.memref_squeeze %dma_start3A_37 : memref<1x80xi32, #tpu.memory_space<vmem>> -> memref<80xi32, #tpu.memory_space<vmem>>
    %dma_start3A_39 = arith.constant 0 : i32
    %dma_start3A_40 = arith.constant 0 : i32
    %dma_start3A_41 = tpu.memref_slice %arg6[%dma_start3A_39, %dma_start3A_40] : memref<10000x48xf32, #tpu.memory_space<vmem_shared>> -> memref<10000x48xf32, #tpu.memory_space<vmem_shared>>
    tpu.enqueue_indirect_dma source(%arg8 : memref<80x48xf32, #tpu.memory_space<vmem>>) target(%dma_start3A_41 : memref<10000x48xf32, #tpu.memory_space<vmem_shared>>) offsets(%dma_start3A_38 : memref<80xi32, #tpu.memory_space<vmem>>) semaphore(%arg12 : memref<!tpu.dma_semaphore, #tpu.memory_space<semaphore_mem>>) {add = true}
    %dma_wait3A_42 = arith.constant 0 : i32
    %dma_wait3A_43 = arith.constant 0 : i32
    %dma_wait3A_44 = tpu.memref_slice %arg7[%dma_wait3A_42, %dma_wait3A_43] : memref<125x80xi32, #tpu.memory_space<vmem>> -> memref<1x80xi32, #tpu.memory_space<vmem>>
    %dma_wait3A_45 = tpu.memref_squeeze %dma_wait3A_44 : memref<1x80xi32, #tpu.memory_space<vmem>> -> memref<80xi32, #tpu.memory_space<vmem>>
    %dma_wait3A_46 = arith.constant 0 : i32
    %dma_wait3A_47 = arith.constant 0 : i32
    %dma_wait3A_48 = tpu.memref_slice %arg6[%dma_wait3A_46, %dma_wait3A_47] : memref<10000x48xf32, #tpu.memory_space<vmem_shared>> -> memref<10000x48xf32, #tpu.memory_space<vmem_shared>>
    tpu.wait_indirect_dma semaphore(%arg12 : memref<!tpu.dma_semaphore, #tpu.memory_space<semaphore_mem>>) src(%arg8 : memref<80x48xf32, #tpu.memory_space<vmem>>) dst(%dma_wait3A_48 : memref<10000x48xf32, #tpu.memory_space<vmem_shared>>)
    %barrier3A_49 = arith.constant 0 : index
    tpu.barrier barrier_id(%barrier3A_49)
    "tpu.region"() ({
      %run_scoped3A = tpu.sem_alloc : memref<!tpu.dma_semaphore, #tpu.memory_space<semaphore_mem>>
      %dma_start3A_55 = arith.constant 0 : i32
      %dma_start3A_56 = tpu.memref_slice %arg5[%arg0, %multiple_of3A, %dma_start3A_55] : memref<2x10000x48xf32, #tpu.memory_space<hbm>> -> memref<1x624x48xf32, #tpu.memory_space<hbm>>
      %dma_start3A_57 = tpu.memref_squeeze %dma_start3A_56 : memref<1x624x48xf32, #tpu.memory_space<hbm>> -> memref<624x48xf32, #tpu.memory_space<hbm>>
      %dma_start3A_58 = arith.constant 0 : i32
      %dma_start3A_59 = tpu.memref_slice %arg6[%multiple_of3A, %dma_start3A_58] : memref<10000x48xf32, #tpu.memory_space<vmem_shared>> -> memref<624x48xf32, #tpu.memory_space<vmem_shared>>
      tpu.enqueue_dma source(%dma_start3A_59 : memref<624x48xf32, #tpu.memory_space<vmem_shared>>) target(%dma_start3A_57 : memref<624x48xf32, #tpu.memory_space<hbm>>) target_semaphore(%run_scoped3A : memref<!tpu.dma_semaphore, #tpu.memory_space<semaphore_mem>>)
      %dma_wait3A_60 = arith.constant 0 : i32
      %dma_wait3A_61 = tpu.memref_slice %arg5[%arg0, %multiple_of3A, %dma_wait3A_60] : memref<2x10000x48xf32, #tpu.memory_space<hbm>> -> memref<1x624x48xf32, #tpu.memory_space<hbm>>
      %dma_wait3A_62 = tpu.memref_squeeze %dma_wait3A_61 : memref<1x624x48xf32, #tpu.memory_space<hbm>> -> memref<624x48xf32, #tpu.memory_space<hbm>>
      %dma_wait3A_63 = arith.constant 0 : i32
      %dma_wait3A_64 = tpu.memref_slice %arg6[%multiple_of3A, %dma_wait3A_63] : memref<10000x48xf32, #tpu.memory_space<vmem_shared>> -> memref<624x48xf32, #tpu.memory_space<vmem_shared>>
      tpu.wait_dma2 semaphore(%run_scoped3A : memref<!tpu.dma_semaphore, #tpu.memory_space<semaphore_mem>>) src(%dma_wait3A_64 : memref<624x48xf32, #tpu.memory_space<vmem_shared>>) dst(%dma_wait3A_62 : memref<624x48xf32, #tpu.memory_space<hbm>>)
      tpu.yield
    }) : () -> ()
    %eq3A_50 = arith.constant 0 : i32
    %eq3A_51 = arith.cmpi eq, %arg1, %eq3A_50 : i32
    %convert_element_type3A_52 = arith.extui %eq3A_51 : i1 to i32
    %cond3A_53 = arith.constant 0 : i32
    %cond3A_54 = arith.cmpi ne, %convert_element_type3A_52, %cond3A_53 : i32
    scf.if %cond3A_54 {
      "tpu.region"() ({
        %run_scoped3A = tpu.sem_alloc : memref<!tpu.dma_semaphore, #tpu.memory_space<semaphore_mem>>
        %dma_start3A_55 = arith.constant 9984 : i32
        %dma_start3A_56 = arith.constant 0 : i32
        %dma_start3A_57 = tpu.memref_slice %arg5[%arg0, %dma_start3A_55, %dma_start3A_56] : memref<2x10000x48xf32, #tpu.memory_space<hbm>> -> memref<1x16x48xf32, #tpu.memory_space<hbm>>
        %dma_start3A_58 = tpu.memref_squeeze %dma_start3A_57 : memref<1x16x48xf32, #tpu.memory_space<hbm>> -> memref<16x48xf32, #tpu.memory_space<hbm>>
        %dma_start3A_59 = arith.constant 9984 : i32
        %dma_start3A_60 = arith.constant 0 : i32
        %dma_start3A_61 = tpu.memref_slice %arg6[%dma_start3A_59, %dma_start3A_60] : memref<10000x48xf32, #tpu.memory_space<vmem_shared>> -> memref<16x48xf32, #tpu.memory_space<vmem_shared>>
        tpu.enqueue_dma source(%dma_start3A_61 : memref<16x48xf32, #tpu.memory_space<vmem_shared>>) target(%dma_start3A_58 : memref<16x48xf32, #tpu.memory_space<hbm>>) target_semaphore(%run_scoped3A : memref<!tpu.dma_semaphore, #tpu.memory_space<semaphore_mem>>)
        %dma_wait3A_62 = arith.constant 9984 : i32
        %dma_wait3A_63 = arith.constant 0 : i32
        %dma_wait3A_64 = tpu.memref_slice %arg5[%arg0, %dma_wait3A_62, %dma_wait3A_63] : memref<2x10000x48xf32, #tpu.memory_space<hbm>> -> memref<1x16x48xf32, #tpu.memory_space<hbm>>
        %dma_wait3A_65 = tpu.memref_squeeze %dma_wait3A_64 : memref<1x16x48xf32, #tpu.memory_space<hbm>> -> memref<16x48xf32, #tpu.memory_space<hbm>>
        %dma_wait3A_66 = arith.constant 9984 : i32
        %dma_wait3A_67 = arith.constant 0 : i32
        %dma_wait3A_68 = tpu.memref_slice %arg6[%dma_wait3A_66, %dma_wait3A_67] : memref<10000x48xf32, #tpu.memory_space<vmem_shared>> -> memref<16x48xf32, #tpu.memory_space<vmem_shared>>
        tpu.wait_dma2 semaphore(%run_scoped3A : memref<!tpu.dma_semaphore, #tpu.memory_space<semaphore_mem>>) src(%dma_wait3A_68 : memref<16x48xf32, #tpu.memory_space<vmem_shared>>) dst(%dma_wait3A_65 : memref<16x48xf32, #tpu.memory_space<hbm>>)
        tpu.yield
      }) : () -> ()
    } else {
    }
    return
  }
}

#map = affine_map<(d0, d1) -> (0, 0)>
#map1 = affine_map<(d0, d1) -> (0, 0, 0)>
module attributes {stable_mosaic.version = 14 : i64} {
  func.func @gather(%arg0: i32, %arg1: i32, %arg2: memref<10000x48xf32, #tpu.memory_space<hbm>>, %arg3: memref<32x125x80xi32, #tpu.memory_space<hbm>>, %arg4: memref<32x125x80xi32, #tpu.memory_space<hbm>>, %arg5: memref<320000x128xf32, #tpu.memory_space<hbm>>, %arg6: memref<320000x128xf32, #tpu.memory_space<hbm>>, %arg7: memref<125x80xi32, #tpu.memory_space<vmem>>, %arg8: memref<125x80xi32, #tpu.memory_space<vmem>>, %arg9: memref<80x48xf32, #tpu.memory_space<vmem>>, %arg10: memref<80x48xf32, #tpu.memory_space<vmem>>, %arg11: memref<80x48xf32, #tpu.memory_space<vmem>>, %arg12: memref<80x48xf32, #tpu.memory_space<vmem>>, %arg13: memref<!tpu.dma_semaphore, #tpu.memory_space<semaphore_mem>>, %arg14: memref<!tpu.dma_semaphore, #tpu.memory_space<semaphore_mem>>, %arg15: memref<!tpu.dma_semaphore, #tpu.memory_space<semaphore_mem>>, %arg16: memref<!tpu.dma_semaphore, #tpu.memory_space<semaphore_mem>>, %arg17: memref<!tpu.dma_semaphore, #tpu.memory_space<semaphore_mem>>, %arg18: memref<!tpu.dma_semaphore, #tpu.memory_space<semaphore_mem>>, %arg19: memref<!tpu.dma_semaphore, #tpu.memory_space<semaphore_mem>>, %arg20: memref<!tpu.dma_semaphore, #tpu.memory_space<semaphore_mem>>) attributes {dimension_semantics = [#tpu.dimension_semantics<core_parallel>, #tpu.dimension_semantics<subcore_parallel>], iteration_bounds = array<i64: 2, 16>, scalar_prefetch = 0 : i64, scratch_operands = 14 : i64, tpu.core_type = #tpu.core_type<sc_vector_subcore>, window_params = [{transform_indices = #map}, {transform_indices = #map1}, {transform_indices = #map1}, {transform_indices = #map}, {transform_indices = #map}]} {
    %mul3A = arith.constant 2 : i32
    %mul3A_0 = arith.muli %arg1, %mul3A : i32
    %add3A = arith.addi %mul3A_0, %arg0 : i32
    "tpu.region"() ({
      %run_scoped3A = tpu.sem_alloc : memref<!tpu.dma_semaphore, #tpu.memory_space<semaphore_mem>>
      %dma_start3A_72 = arith.constant 0 : i32
      %dma_start3A_73 = arith.constant 0 : i32
      %dma_start3A_74 = tpu.memref_slice %arg3[%add3A, %dma_start3A_72, %dma_start3A_73] : memref<32x125x80xi32, #tpu.memory_space<hbm>> -> memref<1x125x80xi32, #tpu.memory_space<hbm>>
      %dma_start3A_75 = tpu.memref_squeeze %dma_start3A_74 : memref<1x125x80xi32, #tpu.memory_space<hbm>> -> memref<125x80xi32, #tpu.memory_space<hbm>>
      %dma_start3A_76 = arith.constant 0 : i32
      %dma_start3A_77 = arith.constant 0 : i32
      %dma_start3A_78 = tpu.memref_slice %arg3[%add3A, %dma_start3A_76, %dma_start3A_77] : memref<32x125x80xi32, #tpu.memory_space<hbm>> -> memref<1x125x80xi32, #tpu.memory_space<hbm>>
      %dma_start3A_79 = tpu.memref_squeeze %dma_start3A_78 : memref<1x125x80xi32, #tpu.memory_space<hbm>> -> memref<125x80xi32, #tpu.memory_space<hbm>>
      tpu.enqueue_dma source(%dma_start3A_79 : memref<125x80xi32, #tpu.memory_space<hbm>>) target(%arg7 : memref<125x80xi32, #tpu.memory_space<vmem>>) target_semaphore(%run_scoped3A : memref<!tpu.dma_semaphore, #tpu.memory_space<semaphore_mem>>)
      %dma_wait3A_80 = arith.constant 0 : i32
      %dma_wait3A_81 = arith.constant 0 : i32
      %dma_wait3A_82 = tpu.memref_slice %arg3[%add3A, %dma_wait3A_80, %dma_wait3A_81] : memref<32x125x80xi32, #tpu.memory_space<hbm>> -> memref<1x125x80xi32, #tpu.memory_space<hbm>>
      %dma_wait3A_83 = tpu.memref_squeeze %dma_wait3A_82 : memref<1x125x80xi32, #tpu.memory_space<hbm>> -> memref<125x80xi32, #tpu.memory_space<hbm>>
      %dma_wait3A_84 = arith.constant 0 : i32
      %dma_wait3A_85 = arith.constant 0 : i32
      %dma_wait3A_86 = tpu.memref_slice %arg3[%add3A, %dma_wait3A_84, %dma_wait3A_85] : memref<32x125x80xi32, #tpu.memory_space<hbm>> -> memref<1x125x80xi32, #tpu.memory_space<hbm>>
      %dma_wait3A_87 = tpu.memref_squeeze %dma_wait3A_86 : memref<1x125x80xi32, #tpu.memory_space<hbm>> -> memref<125x80xi32, #tpu.memory_space<hbm>>
      tpu.wait_dma2 semaphore(%run_scoped3A : memref<!tpu.dma_semaphore, #tpu.memory_space<semaphore_mem>>) src(%dma_wait3A_87 : memref<125x80xi32, #tpu.memory_space<hbm>>) dst(%arg7 : memref<125x80xi32, #tpu.memory_space<vmem>>)
      tpu.yield
    }) : () -> ()
    "tpu.region"() ({
      %run_scoped3A = tpu.sem_alloc : memref<!tpu.dma_semaphore, #tpu.memory_space<semaphore_mem>>
      %dma_start3A_72 = arith.constant 0 : i32
      %dma_start3A_73 = arith.constant 0 : i32
      %dma_start3A_74 = tpu.memref_slice %arg4[%add3A, %dma_start3A_72, %dma_start3A_73] : memref<32x125x80xi32, #tpu.memory_space<hbm>> -> memref<1x125x80xi32, #tpu.memory_space<hbm>>
      %dma_start3A_75 = tpu.memref_squeeze %dma_start3A_74 : memref<1x125x80xi32, #tpu.memory_space<hbm>> -> memref<125x80xi32, #tpu.memory_space<hbm>>
      %dma_start3A_76 = arith.constant 0 : i32
      %dma_start3A_77 = arith.constant 0 : i32
      %dma_start3A_78 = tpu.memref_slice %arg4[%add3A, %dma_start3A_76, %dma_start3A_77] : memref<32x125x80xi32, #tpu.memory_space<hbm>> -> memref<1x125x80xi32, #tpu.memory_space<hbm>>
      %dma_start3A_79 = tpu.memref_squeeze %dma_start3A_78 : memref<1x125x80xi32, #tpu.memory_space<hbm>> -> memref<125x80xi32, #tpu.memory_space<hbm>>
      tpu.enqueue_dma source(%dma_start3A_79 : memref<125x80xi32, #tpu.memory_space<hbm>>) target(%arg8 : memref<125x80xi32, #tpu.memory_space<vmem>>) target_semaphore(%run_scoped3A : memref<!tpu.dma_semaphore, #tpu.memory_space<semaphore_mem>>)
      %dma_wait3A_80 = arith.constant 0 : i32
      %dma_wait3A_81 = arith.constant 0 : i32
      %dma_wait3A_82 = tpu.memref_slice %arg4[%add3A, %dma_wait3A_80, %dma_wait3A_81] : memref<32x125x80xi32, #tpu.memory_space<hbm>> -> memref<1x125x80xi32, #tpu.memory_space<hbm>>
      %dma_wait3A_83 = tpu.memref_squeeze %dma_wait3A_82 : memref<1x125x80xi32, #tpu.memory_space<hbm>> -> memref<125x80xi32, #tpu.memory_space<hbm>>
      %dma_wait3A_84 = arith.constant 0 : i32
      %dma_wait3A_85 = arith.constant 0 : i32
      %dma_wait3A_86 = tpu.memref_slice %arg4[%add3A, %dma_wait3A_84, %dma_wait3A_85] : memref<32x125x80xi32, #tpu.memory_space<hbm>> -> memref<1x125x80xi32, #tpu.memory_space<hbm>>
      %dma_wait3A_87 = tpu.memref_squeeze %dma_wait3A_86 : memref<1x125x80xi32, #tpu.memory_space<hbm>> -> memref<125x80xi32, #tpu.memory_space<hbm>>
      tpu.wait_dma2 semaphore(%run_scoped3A : memref<!tpu.dma_semaphore, #tpu.memory_space<semaphore_mem>>) src(%dma_wait3A_87 : memref<125x80xi32, #tpu.memory_space<hbm>>) dst(%arg8 : memref<125x80xi32, #tpu.memory_space<vmem>>)
      tpu.yield
    }) : () -> ()
    %dma_start3A = arith.constant 0 : i32
    %dma_start3A_1 = arith.constant 0 : i32
    %dma_start3A_2 = tpu.memref_slice %arg7[%dma_start3A, %dma_start3A_1] : memref<125x80xi32, #tpu.memory_space<vmem>> -> memref<1x80xi32, #tpu.memory_space<vmem>>
    %dma_start3A_3 = tpu.memref_squeeze %dma_start3A_2 : memref<1x80xi32, #tpu.memory_space<vmem>> -> memref<80xi32, #tpu.memory_space<vmem>>
    %dma_start3A_4 = arith.constant 0 : i32
    %dma_start3A_5 = arith.constant 0 : i32
    %dma_start3A_6 = tpu.memref_slice %arg2[%dma_start3A_4, %dma_start3A_5] : memref<10000x48xf32, #tpu.memory_space<hbm>> -> memref<10000x48xf32, #tpu.memory_space<hbm>>
    tpu.enqueue_indirect_dma source(%dma_start3A_6 : memref<10000x48xf32, #tpu.memory_space<hbm>>) target(%arg9 : memref<80x48xf32, #tpu.memory_space<vmem>>) offsets(%dma_start3A_3 : memref<80xi32, #tpu.memory_space<vmem>>) semaphore(%arg13 : memref<!tpu.dma_semaphore, #tpu.memory_space<semaphore_mem>>)
    %dma_start3A_7 = arith.constant 0 : i32
    %dma_start3A_8 = arith.constant 0 : i32
    %dma_start3A_9 = tpu.memref_slice %arg8[%dma_start3A_7, %dma_start3A_8] : memref<125x80xi32, #tpu.memory_space<vmem>> -> memref<1x80xi32, #tpu.memory_space<vmem>>
    %dma_start3A_10 = tpu.memref_squeeze %dma_start3A_9 : memref<1x80xi32, #tpu.memory_space<vmem>> -> memref<80xi32, #tpu.memory_space<vmem>>
    %dma_start3A_11 = arith.constant 0 : i32
    %dma_start3A_12 = arith.constant 0 : i32
    %dma_start3A_13 = tpu.memref_slice %arg2[%dma_start3A_11, %dma_start3A_12] : memref<10000x48xf32, #tpu.memory_space<hbm>> -> memref<10000x48xf32, #tpu.memory_space<hbm>>
    tpu.enqueue_indirect_dma source(%dma_start3A_13 : memref<10000x48xf32, #tpu.memory_space<hbm>>) target(%arg10 : memref<80x48xf32, #tpu.memory_space<vmem>>) offsets(%dma_start3A_10 : memref<80xi32, #tpu.memory_space<vmem>>) semaphore(%arg14 : memref<!tpu.dma_semaphore, #tpu.memory_space<semaphore_mem>>)
    %scan3A = arith.constant 0 : i32
    %scan3A_14 = arith.constant 0 : i32
    %scan3A_15 = arith.constant 62 : i32
    %scan3A_16 = arith.addi %scan3A_14, %scan3A_15 : i32
    %scan3A_17 = arith.constant 1 : i32
    scf.for %scan3A_72 = %scan3A_14 to %scan3A_16 step %scan3A_17  : i32 {
      %mul3A_73 = arith.constant 2 : i32
      %mul3A_74 = arith.muli %mul3A_73, %scan3A_72 : i32
      %gt3A = arith.constant 0 : i32
      %gt3A_75 = arith.cmpi sgt, %scan3A_72, %gt3A : i32
      %convert_element_type3A = arith.extui %gt3A_75 : i1 to i32
      %cond3A = arith.constant 0 : i32
      %cond3A_76 = arith.cmpi ne, %convert_element_type3A, %cond3A : i32
      scf.if %cond3A_76 {
        %mul3A_176 = arith.constant 125 : i32
        %mul3A_177 = arith.muli %add3A, %mul3A_176 : i32
        %mul3A_178 = arith.constant 80 : i32
        %mul3A_179 = arith.muli %mul3A_177, %mul3A_178 : i32
        %multiple_of3A_180 = tpu.assume_multiple %mul3A_179, 80 : i32
        %dma_wait3A_181 = arith.constant 0 : i32
        %dma_wait3A_182 = tpu.memref_slice %arg5[%multiple_of3A_180, %dma_wait3A_181] : memref<320000x128xf32, #tpu.memory_space<hbm>> -> memref<80x48xf32, #tpu.memory_space<hbm>>
        %dma_wait3A_183 = arith.constant 0 : i32
        %dma_wait3A_184 = tpu.memref_slice %arg5[%multiple_of3A_180, %dma_wait3A_183] : memref<320000x128xf32, #tpu.memory_space<hbm>> -> memref<80x48xf32, #tpu.memory_space<hbm>>
        tpu.wait_dma2 semaphore(%arg19 : memref<!tpu.dma_semaphore, #tpu.memory_space<semaphore_mem>>) src(%arg11 : memref<80x48xf32, #tpu.memory_space<vmem>>) dst(%dma_wait3A_184 : memref<80x48xf32, #tpu.memory_space<hbm>>)
        %dma_wait3A_185 = arith.constant 0 : i32
        %dma_wait3A_186 = tpu.memref_slice %arg6[%multiple_of3A_180, %dma_wait3A_185] : memref<320000x128xf32, #tpu.memory_space<hbm>> -> memref<80x48xf32, #tpu.memory_space<hbm>>
        %dma_wait3A_187 = arith.constant 0 : i32
        %dma_wait3A_188 = tpu.memref_slice %arg6[%multiple_of3A_180, %dma_wait3A_187] : memref<320000x128xf32, #tpu.memory_space<hbm>> -> memref<80x48xf32, #tpu.memory_space<hbm>>
        tpu.wait_dma2 semaphore(%arg20 : memref<!tpu.dma_semaphore, #tpu.memory_space<semaphore_mem>>) src(%arg12 : memref<80x48xf32, #tpu.memory_space<vmem>>) dst(%dma_wait3A_188 : memref<80x48xf32, #tpu.memory_space<hbm>>)
      } else {
      }
      %dma_wait3A_77 = arith.constant 0 : i32
      %dma_wait3A_78 = arith.constant 0 : i32
      %dma_wait3A_79 = tpu.memref_slice %arg7[%dma_wait3A_77, %dma_wait3A_78] : memref<125x80xi32, #tpu.memory_space<vmem>> -> memref<1x80xi32, #tpu.memory_space<vmem>>
      %dma_wait3A_80 = tpu.memref_squeeze %dma_wait3A_79 : memref<1x80xi32, #tpu.memory_space<vmem>> -> memref<80xi32, #tpu.memory_space<vmem>>
      %dma_wait3A_81 = arith.constant 0 : i32
      %dma_wait3A_82 = arith.constant 0 : i32
      %dma_wait3A_83 = tpu.memref_slice %arg2[%dma_wait3A_81, %dma_wait3A_82] : memref<10000x48xf32, #tpu.memory_space<hbm>> -> memref<10000x48xf32, #tpu.memory_space<hbm>>
      tpu.wait_indirect_dma semaphore(%arg13 : memref<!tpu.dma_semaphore, #tpu.memory_space<semaphore_mem>>) src(%dma_wait3A_83 : memref<10000x48xf32, #tpu.memory_space<hbm>>) dst(%arg9 : memref<80x48xf32, #tpu.memory_space<vmem>>)
      %dma_wait3A_84 = arith.constant 0 : i32
      %dma_wait3A_85 = arith.constant 0 : i32
      %dma_wait3A_86 = tpu.memref_slice %arg8[%dma_wait3A_84, %dma_wait3A_85] : memref<125x80xi32, #tpu.memory_space<vmem>> -> memref<1x80xi32, #tpu.memory_space<vmem>>
      %dma_wait3A_87 = tpu.memref_squeeze %dma_wait3A_86 : memref<1x80xi32, #tpu.memory_space<vmem>> -> memref<80xi32, #tpu.memory_space<vmem>>
      %dma_wait3A_88 = arith.constant 0 : i32
      %dma_wait3A_89 = arith.constant 0 : i32
      %dma_wait3A_90 = tpu.memref_slice %arg2[%dma_wait3A_88, %dma_wait3A_89] : memref<10000x48xf32, #tpu.memory_space<hbm>> -> memref<10000x48xf32, #tpu.memory_space<hbm>>
      tpu.wait_indirect_dma semaphore(%arg14 : memref<!tpu.dma_semaphore, #tpu.memory_space<semaphore_mem>>) src(%dma_wait3A_90 : memref<10000x48xf32, #tpu.memory_space<hbm>>) dst(%arg10 : memref<80x48xf32, #tpu.memory_space<vmem>>)
      %add3A_91 = arith.constant 1 : i32
      %add3A_92 = arith.addi %mul3A_74, %add3A_91 : i32
      %dma_start3A_93 = arith.constant 0 : i32
      %dma_start3A_94 = tpu.memref_slice %arg7[%add3A_92, %dma_start3A_93] : memref<125x80xi32, #tpu.memory_space<vmem>> -> memref<1x80xi32, #tpu.memory_space<vmem>>
      %dma_start3A_95 = tpu.memref_squeeze %dma_start3A_94 : memref<1x80xi32, #tpu.memory_space<vmem>> -> memref<80xi32, #tpu.memory_space<vmem>>
      %dma_start3A_96 = arith.constant 0 : i32
      %dma_start3A_97 = arith.constant 0 : i32
      %dma_start3A_98 = tpu.memref_slice %arg2[%dma_start3A_96, %dma_start3A_97] : memref<10000x48xf32, #tpu.memory_space<hbm>> -> memref<10000x48xf32, #tpu.memory_space<hbm>>
      tpu.enqueue_indirect_dma source(%dma_start3A_98 : memref<10000x48xf32, #tpu.memory_space<hbm>>) target(%arg11 : memref<80x48xf32, #tpu.memory_space<vmem>>) offsets(%dma_start3A_95 : memref<80xi32, #tpu.memory_space<vmem>>) semaphore(%arg15 : memref<!tpu.dma_semaphore, #tpu.memory_space<semaphore_mem>>)
      %dma_start3A_99 = arith.constant 0 : i32
      %dma_start3A_100 = tpu.memref_slice %arg8[%add3A_92, %dma_start3A_99] : memref<125x80xi32, #tpu.memory_space<vmem>> -> memref<1x80xi32, #tpu.memory_space<vmem>>
      %dma_start3A_101 = tpu.memref_squeeze %dma_start3A_100 : memref<1x80xi32, #tpu.memory_space<vmem>> -> memref<80xi32, #tpu.memory_space<vmem>>
      %dma_start3A_102 = arith.constant 0 : i32
      %dma_start3A_103 = arith.constant 0 : i32
      %dma_start3A_104 = tpu.memref_slice %arg2[%dma_start3A_102, %dma_start3A_103] : memref<10000x48xf32, #tpu.memory_space<hbm>> -> memref<10000x48xf32, #tpu.memory_space<hbm>>
      tpu.enqueue_indirect_dma source(%dma_start3A_104 : memref<10000x48xf32, #tpu.memory_space<hbm>>) target(%arg12 : memref<80x48xf32, #tpu.memory_space<vmem>>) offsets(%dma_start3A_101 : memref<80xi32, #tpu.memory_space<vmem>>) semaphore(%arg16 : memref<!tpu.dma_semaphore, #tpu.memory_space<semaphore_mem>>)
      %mul3A_105 = arith.constant 125 : i32
      %mul3A_106 = arith.muli %add3A, %mul3A_105 : i32
      %add3A_107 = arith.addi %mul3A_106, %mul3A_74 : i32
      %mul3A_108 = arith.constant 80 : i32
      %mul3A_109 = arith.muli %add3A_107, %mul3A_108 : i32
      %multiple_of3A_110 = tpu.assume_multiple %mul3A_109, 80 : i32
      %dma_start3A_111 = arith.constant 0 : i32
      %dma_start3A_112 = tpu.memref_slice %arg5[%multiple_of3A_110, %dma_start3A_111] : memref<320000x128xf32, #tpu.memory_space<hbm>> -> memref<80x48xf32, #tpu.memory_space<hbm>>
      %dma_start3A_113 = arith.constant 0 : i32
      %dma_start3A_114 = tpu.memref_slice %arg5[%multiple_of3A_110, %dma_start3A_113] : memref<320000x128xf32, #tpu.memory_space<hbm>> -> memref<80x48xf32, #tpu.memory_space<hbm>>
      tpu.enqueue_dma source(%arg9 : memref<80x48xf32, #tpu.memory_space<vmem>>) target(%dma_start3A_114 : memref<80x48xf32, #tpu.memory_space<hbm>>) target_semaphore(%arg17 : memref<!tpu.dma_semaphore, #tpu.memory_space<semaphore_mem>>)
      %dma_start3A_115 = arith.constant 0 : i32
      %dma_start3A_116 = tpu.memref_slice %arg6[%multiple_of3A_110, %dma_start3A_115] : memref<320000x128xf32, #tpu.memory_space<hbm>> -> memref<80x48xf32, #tpu.memory_space<hbm>>
      %dma_start3A_117 = arith.constant 0 : i32
      %dma_start3A_118 = tpu.memref_slice %arg6[%multiple_of3A_110, %dma_start3A_117] : memref<320000x128xf32, #tpu.memory_space<hbm>> -> memref<80x48xf32, #tpu.memory_space<hbm>>
      tpu.enqueue_dma source(%arg10 : memref<80x48xf32, #tpu.memory_space<vmem>>) target(%dma_start3A_118 : memref<80x48xf32, #tpu.memory_space<hbm>>) target_semaphore(%arg18 : memref<!tpu.dma_semaphore, #tpu.memory_space<semaphore_mem>>)
      %dma_wait3A_119 = arith.constant 0 : i32
      %dma_wait3A_120 = arith.constant 0 : i32
      %dma_wait3A_121 = tpu.memref_slice %arg7[%dma_wait3A_119, %dma_wait3A_120] : memref<125x80xi32, #tpu.memory_space<vmem>> -> memref<1x80xi32, #tpu.memory_space<vmem>>
      %dma_wait3A_122 = tpu.memref_squeeze %dma_wait3A_121 : memref<1x80xi32, #tpu.memory_space<vmem>> -> memref<80xi32, #tpu.memory_space<vmem>>
      %dma_wait3A_123 = arith.constant 0 : i32
      %dma_wait3A_124 = arith.constant 0 : i32
      %dma_wait3A_125 = tpu.memref_slice %arg2[%dma_wait3A_123, %dma_wait3A_124] : memref<10000x48xf32, #tpu.memory_space<hbm>> -> memref<10000x48xf32, #tpu.memory_space<hbm>>
      tpu.wait_indirect_dma semaphore(%arg15 : memref<!tpu.dma_semaphore, #tpu.memory_space<semaphore_mem>>) src(%dma_wait3A_125 : memref<10000x48xf32, #tpu.memory_space<hbm>>) dst(%arg11 : memref<80x48xf32, #tpu.memory_space<vmem>>)
      %dma_wait3A_126 = arith.constant 0 : i32
      %dma_wait3A_127 = arith.constant 0 : i32
      %dma_wait3A_128 = tpu.memref_slice %arg8[%dma_wait3A_126, %dma_wait3A_127] : memref<125x80xi32, #tpu.memory_space<vmem>> -> memref<1x80xi32, #tpu.memory_space<vmem>>
      %dma_wait3A_129 = tpu.memref_squeeze %dma_wait3A_128 : memref<1x80xi32, #tpu.memory_space<vmem>> -> memref<80xi32, #tpu.memory_space<vmem>>
      %dma_wait3A_130 = arith.constant 0 : i32
      %dma_wait3A_131 = arith.constant 0 : i32
      %dma_wait3A_132 = tpu.memref_slice %arg2[%dma_wait3A_130, %dma_wait3A_131] : memref<10000x48xf32, #tpu.memory_space<hbm>> -> memref<10000x48xf32, #tpu.memory_space<hbm>>
      tpu.wait_indirect_dma semaphore(%arg16 : memref<!tpu.dma_semaphore, #tpu.memory_space<semaphore_mem>>) src(%dma_wait3A_132 : memref<10000x48xf32, #tpu.memory_space<hbm>>) dst(%arg12 : memref<80x48xf32, #tpu.memory_space<vmem>>)
      %mul3A_133 = arith.constant 125 : i32
      %mul3A_134 = arith.muli %add3A, %mul3A_133 : i32
      %mul3A_135 = arith.constant 80 : i32
      %mul3A_136 = arith.muli %mul3A_134, %mul3A_135 : i32
      %multiple_of3A_137 = tpu.assume_multiple %mul3A_136, 80 : i32
      %dma_wait3A_138 = arith.constant 0 : i32
      %dma_wait3A_139 = tpu.memref_slice %arg5[%multiple_of3A_137, %dma_wait3A_138] : memref<320000x128xf32, #tpu.memory_space<hbm>> -> memref<80x48xf32, #tpu.memory_space<hbm>>
      %dma_wait3A_140 = arith.constant 0 : i32
      %dma_wait3A_141 = tpu.memref_slice %arg5[%multiple_of3A_137, %dma_wait3A_140] : memref<320000x128xf32, #tpu.memory_space<hbm>> -> memref<80x48xf32, #tpu.memory_space<hbm>>
      tpu.wait_dma2 semaphore(%arg17 : memref<!tpu.dma_semaphore, #tpu.memory_space<semaphore_mem>>) src(%arg9 : memref<80x48xf32, #tpu.memory_space<vmem>>) dst(%dma_wait3A_141 : memref<80x48xf32, #tpu.memory_space<hbm>>)
      %dma_wait3A_142 = arith.constant 0 : i32
      %dma_wait3A_143 = tpu.memref_slice %arg6[%multiple_of3A_137, %dma_wait3A_142] : memref<320000x128xf32, #tpu.memory_space<hbm>> -> memref<80x48xf32, #tpu.memory_space<hbm>>
      %dma_wait3A_144 = arith.constant 0 : i32
      %dma_wait3A_145 = tpu.memref_slice %arg6[%multiple_of3A_137, %dma_wait3A_144] : memref<320000x128xf32, #tpu.memory_space<hbm>> -> memref<80x48xf32, #tpu.memory_space<hbm>>
      tpu.wait_dma2 semaphore(%arg18 : memref<!tpu.dma_semaphore, #tpu.memory_space<semaphore_mem>>) src(%arg10 : memref<80x48xf32, #tpu.memory_space<vmem>>) dst(%dma_wait3A_145 : memref<80x48xf32, #tpu.memory_space<hbm>>)
      %add3A_146 = arith.constant 1 : i32
      %add3A_147 = arith.addi %mul3A_74, %add3A_146 : i32
      %mul3A_148 = arith.constant 125 : i32
      %mul3A_149 = arith.muli %add3A, %mul3A_148 : i32
      %add3A_150 = arith.addi %mul3A_149, %add3A_147 : i32
      %mul3A_151 = arith.constant 80 : i32
      %mul3A_152 = arith.muli %add3A_150, %mul3A_151 : i32
      %multiple_of3A_153 = tpu.assume_multiple %mul3A_152, 80 : i32
      %dma_start3A_154 = arith.constant 0 : i32
      %dma_start3A_155 = tpu.memref_slice %arg5[%multiple_of3A_153, %dma_start3A_154] : memref<320000x128xf32, #tpu.memory_space<hbm>> -> memref<80x48xf32, #tpu.memory_space<hbm>>
      %dma_start3A_156 = arith.constant 0 : i32
      %dma_start3A_157 = tpu.memref_slice %arg5[%multiple_of3A_153, %dma_start3A_156] : memref<320000x128xf32, #tpu.memory_space<hbm>> -> memref<80x48xf32, #tpu.memory_space<hbm>>
      tpu.enqueue_dma source(%arg11 : memref<80x48xf32, #tpu.memory_space<vmem>>) target(%dma_start3A_157 : memref<80x48xf32, #tpu.memory_space<hbm>>) target_semaphore(%arg19 : memref<!tpu.dma_semaphore, #tpu.memory_space<semaphore_mem>>)
      %dma_start3A_158 = arith.constant 0 : i32
      %dma_start3A_159 = tpu.memref_slice %arg6[%multiple_of3A_153, %dma_start3A_158] : memref<320000x128xf32, #tpu.memory_space<hbm>> -> memref<80x48xf32, #tpu.memory_space<hbm>>
      %dma_start3A_160 = arith.constant 0 : i32
      %dma_start3A_161 = tpu.memref_slice %arg6[%multiple_of3A_153, %dma_start3A_160] : memref<320000x128xf32, #tpu.memory_space<hbm>> -> memref<80x48xf32, #tpu.memory_space<hbm>>
      tpu.enqueue_dma source(%arg12 : memref<80x48xf32, #tpu.memory_space<vmem>>) target(%dma_start3A_161 : memref<80x48xf32, #tpu.memory_space<hbm>>) target_semaphore(%arg20 : memref<!tpu.dma_semaphore, #tpu.memory_space<semaphore_mem>>)
      %add3A_162 = arith.constant 2 : i32
      %add3A_163 = arith.addi %mul3A_74, %add3A_162 : i32
      %dma_start3A_164 = arith.constant 0 : i32
      %dma_start3A_165 = tpu.memref_slice %arg7[%add3A_163, %dma_start3A_164] : memref<125x80xi32, #tpu.memory_space<vmem>> -> memref<1x80xi32, #tpu.memory_space<vmem>>
      %dma_start3A_166 = tpu.memref_squeeze %dma_start3A_165 : memref<1x80xi32, #tpu.memory_space<vmem>> -> memref<80xi32, #tpu.memory_space<vmem>>
      %dma_start3A_167 = arith.constant 0 : i32
      %dma_start3A_168 = arith.constant 0 : i32
      %dma_start3A_169 = tpu.memref_slice %arg2[%dma_start3A_167, %dma_start3A_168] : memref<10000x48xf32, #tpu.memory_space<hbm>> -> memref<10000x48xf32, #tpu.memory_space<hbm>>
      tpu.enqueue_indirect_dma source(%dma_start3A_169 : memref<10000x48xf32, #tpu.memory_space<hbm>>) target(%arg9 : memref<80x48xf32, #tpu.memory_space<vmem>>) offsets(%dma_start3A_166 : memref<80xi32, #tpu.memory_space<vmem>>) semaphore(%arg13 : memref<!tpu.dma_semaphore, #tpu.memory_space<semaphore_mem>>)
      %dma_start3A_170 = arith.constant 0 : i32
      %dma_start3A_171 = tpu.memref_slice %arg8[%add3A_163, %dma_start3A_170] : memref<125x80xi32, #tpu.memory_space<vmem>> -> memref<1x80xi32, #tpu.memory_space<vmem>>
      %dma_start3A_172 = tpu.memref_squeeze %dma_start3A_171 : memref<1x80xi32, #tpu.memory_space<vmem>> -> memref<80xi32, #tpu.memory_space<vmem>>
      %dma_start3A_173 = arith.constant 0 : i32
      %dma_start3A_174 = arith.constant 0 : i32
      %dma_start3A_175 = tpu.memref_slice %arg2[%dma_start3A_173, %dma_start3A_174] : memref<10000x48xf32, #tpu.memory_space<hbm>> -> memref<10000x48xf32, #tpu.memory_space<hbm>>
      tpu.enqueue_indirect_dma source(%dma_start3A_175 : memref<10000x48xf32, #tpu.memory_space<hbm>>) target(%arg10 : memref<80x48xf32, #tpu.memory_space<vmem>>) offsets(%dma_start3A_172 : memref<80xi32, #tpu.memory_space<vmem>>) semaphore(%arg14 : memref<!tpu.dma_semaphore, #tpu.memory_space<semaphore_mem>>)
    }
    %scan3A_18 = arith.constant 62 : i32
    %mul3A_19 = arith.constant 125 : i32
    %mul3A_20 = arith.muli %add3A, %mul3A_19 : i32
    %mul3A_21 = arith.constant 80 : i32
    %mul3A_22 = arith.muli %mul3A_20, %mul3A_21 : i32
    %multiple_of3A = tpu.assume_multiple %mul3A_22, 80 : i32
    %dma_wait3A = arith.constant 0 : i32
    %dma_wait3A_23 = tpu.memref_slice %arg5[%multiple_of3A, %dma_wait3A] : memref<320000x128xf32, #tpu.memory_space<hbm>> -> memref<80x48xf32, #tpu.memory_space<hbm>>
    %dma_wait3A_24 = arith.constant 0 : i32
    %dma_wait3A_25 = tpu.memref_slice %arg5[%multiple_of3A, %dma_wait3A_24] : memref<320000x128xf32, #tpu.memory_space<hbm>> -> memref<80x48xf32, #tpu.memory_space<hbm>>
    tpu.wait_dma2 semaphore(%arg19 : memref<!tpu.dma_semaphore, #tpu.memory_space<semaphore_mem>>) src(%arg11 : memref<80x48xf32, #tpu.memory_space<vmem>>) dst(%dma_wait3A_25 : memref<80x48xf32, #tpu.memory_space<hbm>>)
    %dma_wait3A_26 = arith.constant 0 : i32
    %dma_wait3A_27 = tpu.memref_slice %arg6[%multiple_of3A, %dma_wait3A_26] : memref<320000x128xf32, #tpu.memory_space<hbm>> -> memref<80x48xf32, #tpu.memory_space<hbm>>
    %dma_wait3A_28 = arith.constant 0 : i32
    %dma_wait3A_29 = tpu.memref_slice %arg6[%multiple_of3A, %dma_wait3A_28] : memref<320000x128xf32, #tpu.memory_space<hbm>> -> memref<80x48xf32, #tpu.memory_space<hbm>>
    tpu.wait_dma2 semaphore(%arg20 : memref<!tpu.dma_semaphore, #tpu.memory_space<semaphore_mem>>) src(%arg12 : memref<80x48xf32, #tpu.memory_space<vmem>>) dst(%dma_wait3A_29 : memref<80x48xf32, #tpu.memory_space<hbm>>)
    %dma_wait3A_30 = arith.constant 0 : i32
    %dma_wait3A_31 = arith.constant 0 : i32
    %dma_wait3A_32 = tpu.memref_slice %arg7[%dma_wait3A_30, %dma_wait3A_31] : memref<125x80xi32, #tpu.memory_space<vmem>> -> memref<1x80xi32, #tpu.memory_space<vmem>>
    %dma_wait3A_33 = tpu.memref_squeeze %dma_wait3A_32 : memref<1x80xi32, #tpu.memory_space<vmem>> -> memref<80xi32, #tpu.memory_space<vmem>>
    %dma_wait3A_34 = arith.constant 0 : i32
    %dma_wait3A_35 = arith.constant 0 : i32
    %dma_wait3A_36 = tpu.memref_slice %arg2[%dma_wait3A_34, %dma_wait3A_35] : memref<10000x48xf32, #tpu.memory_space<hbm>> -> memref<10000x48xf32, #tpu.memory_space<hbm>>
    tpu.wait_indirect_dma semaphore(%arg13 : memref<!tpu.dma_semaphore, #tpu.memory_space<semaphore_mem>>) src(%dma_wait3A_36 : memref<10000x48xf32, #tpu.memory_space<hbm>>) dst(%arg9 : memref<80x48xf32, #tpu.memory_space<vmem>>)
    %dma_wait3A_37 = arith.constant 0 : i32
    %dma_wait3A_38 = arith.constant 0 : i32
    %dma_wait3A_39 = tpu.memref_slice %arg8[%dma_wait3A_37, %dma_wait3A_38] : memref<125x80xi32, #tpu.memory_space<vmem>> -> memref<1x80xi32, #tpu.memory_space<vmem>>
    %dma_wait3A_40 = tpu.memref_squeeze %dma_wait3A_39 : memref<1x80xi32, #tpu.memory_space<vmem>> -> memref<80xi32, #tpu.memory_space<vmem>>
    %dma_wait3A_41 = arith.constant 0 : i32
    %dma_wait3A_42 = arith.constant 0 : i32
    %dma_wait3A_43 = tpu.memref_slice %arg2[%dma_wait3A_41, %dma_wait3A_42] : memref<10000x48xf32, #tpu.memory_space<hbm>> -> memref<10000x48xf32, #tpu.memory_space<hbm>>
    tpu.wait_indirect_dma semaphore(%arg14 : memref<!tpu.dma_semaphore, #tpu.memory_space<semaphore_mem>>) src(%dma_wait3A_43 : memref<10000x48xf32, #tpu.memory_space<hbm>>) dst(%arg10 : memref<80x48xf32, #tpu.memory_space<vmem>>)
    %mul3A_44 = arith.constant 125 : i32
    %mul3A_45 = arith.muli %add3A, %mul3A_44 : i32
    %add3A_46 = arith.constant 124 : i32
    %add3A_47 = arith.addi %mul3A_45, %add3A_46 : i32
    %mul3A_48 = arith.constant 80 : i32
    %mul3A_49 = arith.muli %add3A_47, %mul3A_48 : i32
    %multiple_of3A_50 = tpu.assume_multiple %mul3A_49, 80 : i32
    %dma_start3A_51 = arith.constant 0 : i32
    %dma_start3A_52 = tpu.memref_slice %arg5[%multiple_of3A_50, %dma_start3A_51] : memref<320000x128xf32, #tpu.memory_space<hbm>> -> memref<80x48xf32, #tpu.memory_space<hbm>>
    %dma_start3A_53 = arith.constant 0 : i32
    %dma_start3A_54 = tpu.memref_slice %arg5[%multiple_of3A_50, %dma_start3A_53] : memref<320000x128xf32, #tpu.memory_space<hbm>> -> memref<80x48xf32, #tpu.memory_space<hbm>>
    tpu.enqueue_dma source(%arg9 : memref<80x48xf32, #tpu.memory_space<vmem>>) target(%dma_start3A_54 : memref<80x48xf32, #tpu.memory_space<hbm>>) target_semaphore(%arg17 : memref<!tpu.dma_semaphore, #tpu.memory_space<semaphore_mem>>)
    %dma_start3A_55 = arith.constant 0 : i32
    %dma_start3A_56 = tpu.memref_slice %arg6[%multiple_of3A_50, %dma_start3A_55] : memref<320000x128xf32, #tpu.memory_space<hbm>> -> memref<80x48xf32, #tpu.memory_space<hbm>>
    %dma_start3A_57 = arith.constant 0 : i32
    %dma_start3A_58 = tpu.memref_slice %arg6[%multiple_of3A_50, %dma_start3A_57] : memref<320000x128xf32, #tpu.memory_space<hbm>> -> memref<80x48xf32, #tpu.memory_space<hbm>>
    tpu.enqueue_dma source(%arg10 : memref<80x48xf32, #tpu.memory_space<vmem>>) target(%dma_start3A_58 : memref<80x48xf32, #tpu.memory_space<hbm>>) target_semaphore(%arg18 : memref<!tpu.dma_semaphore, #tpu.memory_space<semaphore_mem>>)
    %mul3A_59 = arith.constant 125 : i32
    %mul3A_60 = arith.muli %add3A, %mul3A_59 : i32
    %mul3A_61 = arith.constant 80 : i32
    %mul3A_62 = arith.muli %mul3A_60, %mul3A_61 : i32
    %multiple_of3A_63 = tpu.assume_multiple %mul3A_62, 80 : i32
    %dma_wait3A_64 = arith.constant 0 : i32
    %dma_wait3A_65 = tpu.memref_slice %arg5[%multiple_of3A_63, %dma_wait3A_64] : memref<320000x128xf32, #tpu.memory_space<hbm>> -> memref<80x48xf32, #tpu.memory_space<hbm>>
    %dma_wait3A_66 = arith.constant 0 : i32
    %dma_wait3A_67 = tpu.memref_slice %arg5[%multiple_of3A_63, %dma_wait3A_66] : memref<320000x128xf32, #tpu.memory_space<hbm>> -> memref<80x48xf32, #tpu.memory_space<hbm>>
    tpu.wait_dma2 semaphore(%arg17 : memref<!tpu.dma_semaphore, #tpu.memory_space<semaphore_mem>>) src(%arg9 : memref<80x48xf32, #tpu.memory_space<vmem>>) dst(%dma_wait3A_67 : memref<80x48xf32, #tpu.memory_space<hbm>>)
    %dma_wait3A_68 = arith.constant 0 : i32
    %dma_wait3A_69 = tpu.memref_slice %arg6[%multiple_of3A_63, %dma_wait3A_68] : memref<320000x128xf32, #tpu.memory_space<hbm>> -> memref<80x48xf32, #tpu.memory_space<hbm>>
    %dma_wait3A_70 = arith.constant 0 : i32
    %dma_wait3A_71 = tpu.memref_slice %arg6[%multiple_of3A_63, %dma_wait3A_70] : memref<320000x128xf32, #tpu.memory_space<hbm>> -> memref<80x48xf32, #tpu.memory_space<hbm>>
    tpu.wait_dma2 semaphore(%arg18 : memref<!tpu.dma_semaphore, #tpu.memory_space<semaphore_mem>>) src(%arg10 : memref<80x48xf32, #tpu.memory_space<vmem>>) dst(%dma_wait3A_71 : memref<80x48xf32, #tpu.memory_space<hbm>>)
    return
  }
}

module attributes {stable_mosaic.version = 14 : i64} {
  func.func @_embed_body(%arg0: memref<10000x128xf32, #tpu.memory_space<vmem>>, %arg1: memref<128x32xf32, #tpu.memory_space<vmem>>, %arg2: memref<1x32xf32, #tpu.memory_space<vmem>>, %arg3: memref<1x32xf32, #tpu.memory_space<vmem>>, %arg4: memref<1x32xf32, #tpu.memory_space<vmem>>, %arg5: memref<10000x32xf32, #tpu.memory_space<vmem>>) attributes {dimension_semantics = [], scalar_prefetch = 0 : i64, scratch_operands = 0 : i64, tpu.core_type = #tpu.core_type<tc>} {
    %get3A = arith.constant 0 : index
    %get3A_0 = arith.constant 0 : index
    %get3A_1 = vector.load %arg0[%get3A, %get3A_0] : memref<10000x128xf32, #tpu.memory_space<vmem>>, vector<10000x128xf32>
    %get3A_2 = arith.constant 0 : index
    %get3A_3 = arith.constant 0 : index
    %get3A_4 = vector.load %arg1[%get3A_2, %get3A_3] : memref<128x32xf32, #tpu.memory_space<vmem>>, vector<128x32xf32>
    %dot_general3A = arith.constant dense<0.000000e+00> : vector<10000x32xf32>
    %dot_general3A_5 = tpu.matmul %get3A_1, %get3A_4, %dot_general3A {dimension_numbers = #tpu.dot_dimension_numbers<[1], [0], [0], [1], [0, 0, 1, 1], [], []>, transpose_lhs_hint = false} : vector<10000x128xf32>, vector<128x32xf32>, vector<10000x32xf32> -> vector<10000x32xf32>
    %get3A_6 = arith.constant 0 : index
    %get3A_7 = arith.constant 0 : index
    %get3A_8 = vector.load %arg2[%get3A_6, %get3A_7] : memref<1x32xf32, #tpu.memory_space<vmem>>, vector<1x32xf32>
    %add3A = vector.broadcast %get3A_8 : vector<1x32xf32> to vector<10000x32xf32>
    %add3A_9 = arith.addf %dot_general3A_5, %add3A : vector<10000x32xf32>
    %reduce_sum3A = arith.constant dense<0.000000e+00> : vector<32xf32>
    %reduce_sum3A_10 = vector.multi_reduction <add>, %add3A_9, %reduce_sum3A [0] : vector<10000x32xf32> to vector<32xf32>
    %broadcast_in_dim3A = vector.shape_cast %reduce_sum3A_10 : vector<32xf32> to vector<1x32xf32>
    %div3A = arith.constant 1.000000e+04 : f32
    %div3A_11 = vector.broadcast %div3A : f32 to vector<1x32xf32>
    %div3A_12 = arith.divf %broadcast_in_dim3A, %div3A_11 : vector<1x32xf32>
    %mul3A = arith.mulf %add3A_9, %add3A_9 : vector<10000x32xf32>
    %reduce_sum3A_13 = arith.constant dense<0.000000e+00> : vector<32xf32>
    %reduce_sum3A_14 = vector.multi_reduction <add>, %mul3A, %reduce_sum3A_13 [0] : vector<10000x32xf32> to vector<32xf32>
    %broadcast_in_dim3A_15 = vector.shape_cast %reduce_sum3A_14 : vector<32xf32> to vector<1x32xf32>
    %div3A_16 = arith.constant 1.000000e+04 : f32
    %div3A_17 = vector.broadcast %div3A_16 : f32 to vector<1x32xf32>
    %div3A_18 = arith.divf %broadcast_in_dim3A_15, %div3A_17 : vector<1x32xf32>
    %mul3A_19 = arith.mulf %div3A_12, %div3A_12 : vector<1x32xf32>
    %sub3A = arith.subf %div3A_18, %mul3A_19 : vector<1x32xf32>
    %sub3A_20 = vector.broadcast %div3A_12 : vector<1x32xf32> to vector<10000x32xf32>
    %sub3A_21 = arith.subf %add3A_9, %sub3A_20 : vector<10000x32xf32>
    %add3A_22 = arith.constant 9.99999974E-6 : f32
    %add3A_23 = vector.broadcast %add3A_22 : f32 to vector<1x32xf32>
    %add3A_24 = arith.addf %sub3A, %add3A_23 : vector<1x32xf32>
    %rsqrt3A = math.rsqrt %add3A_24 : vector<1x32xf32>
    %mul3A_25 = arith.constant 5.000000e-01 : f32
    %mul3A_26 = vector.broadcast %mul3A_25 : f32 to vector<1x32xf32>
    %mul3A_27 = arith.mulf %mul3A_26, %add3A_24 : vector<1x32xf32>
    %mul3A_28 = arith.mulf %mul3A_27, %rsqrt3A : vector<1x32xf32>
    %mul3A_29 = arith.mulf %mul3A_28, %rsqrt3A : vector<1x32xf32>
    %sub3A_30 = arith.constant 1.500000e+00 : f32
    %sub3A_31 = vector.broadcast %sub3A_30 : f32 to vector<1x32xf32>
    %sub3A_32 = arith.subf %sub3A_31, %mul3A_29 : vector<1x32xf32>
    %mul3A_33 = arith.mulf %rsqrt3A, %sub3A_32 : vector<1x32xf32>
    %mul3A_34 = vector.broadcast %mul3A_33 : vector<1x32xf32> to vector<10000x32xf32>
    %mul3A_35 = arith.mulf %sub3A_21, %mul3A_34 : vector<10000x32xf32>
    %get3A_36 = arith.constant 0 : index
    %get3A_37 = arith.constant 0 : index
    %get3A_38 = vector.load %arg3[%get3A_36, %get3A_37] : memref<1x32xf32, #tpu.memory_space<vmem>>, vector<1x32xf32>
    %mul3A_39 = vector.broadcast %get3A_38 : vector<1x32xf32> to vector<10000x32xf32>
    %mul3A_40 = arith.mulf %mul3A_35, %mul3A_39 : vector<10000x32xf32>
    %get3A_41 = arith.constant 0 : index
    %get3A_42 = arith.constant 0 : index
    %get3A_43 = vector.load %arg4[%get3A_41, %get3A_42] : memref<1x32xf32, #tpu.memory_space<vmem>>, vector<1x32xf32>
    %add3A_44 = vector.broadcast %get3A_43 : vector<1x32xf32> to vector<10000x32xf32>
    %add3A_45 = arith.addf %mul3A_40, %add3A_44 : vector<10000x32xf32>
    %gt3A = arith.constant 0.000000e+00 : f32
    %gt3A_46 = vector.broadcast %gt3A : f32 to vector<10000x32xf32>
    %gt3A_47 = arith.cmpf ogt, %add3A_45, %gt3A_46 : vector<10000x32xf32>
    %mul3A_48 = arith.constant 0.00999999977 : f32
    %mul3A_49 = vector.broadcast %mul3A_48 : f32 to vector<10000x32xf32>
    %mul3A_50 = arith.mulf %mul3A_49, %add3A_45 : vector<10000x32xf32>
    %select_n3A = arith.select %gt3A_47, %add3A_45, %mul3A_50 : vector<10000x32xi1>, vector<10000x32xf32>
    %swap3A = arith.constant 0 : index
    %swap3A_51 = arith.constant 0 : index
    %swap3A_52 = vector.load %arg5[%swap3A, %swap3A_51] : memref<10000x32xf32, #tpu.memory_space<vmem>>, vector<10000x32xf32>
    tpu.vector_store %arg5[%swap3A, %swap3A_51], %select_n3A {strides = array<i32>} : memref<10000x32xf32, #tpu.memory_space<vmem>>, vector<10000x32xf32>,
    return
  }
}

module attributes {stable_mosaic.version = 14 : i64} {
  func.func @_stats_body(%arg0: i32, %arg1: memref<4000x128xf32, #tpu.memory_space<vmem>>, %arg2: memref<4000x128xf32, #tpu.memory_space<vmem>>, %arg3: memref<1x128xf32, #tpu.memory_space<vmem>>, %arg4: memref<1x128xf32, #tpu.memory_space<vmem>>, %arg5: memref<1x128xf32, #tpu.memory_space<vmem>>, %arg6: memref<1x128xf32, #tpu.memory_space<vmem>>, %arg7: memref<2x8xf32, #tpu.memory_space<vmem>>) attributes {dimension_semantics = [#tpu.dimension_semantics<arbitrary>], iteration_bounds = array<i64: 80>, scalar_prefetch = 0 : i64, scratch_operands = 0 : i64, tpu.core_type = #tpu.core_type<tc>, window_params = [{transform_indices = @transform_0, window_bounds = array<i64: 4000, 128>}, {transform_indices = @transform_1, window_bounds = array<i64: 4000, 128>}, {pipeline_mode = #tpu.pipeline_mode<synchronous>, transform_indices = @transform_2, window_bounds = array<i64: 1, 128>}, {pipeline_mode = #tpu.pipeline_mode<synchronous>, transform_indices = @transform_3, window_bounds = array<i64: 1, 128>}, {pipeline_mode = #tpu.pipeline_mode<synchronous>, transform_indices = @transform_4, window_bounds = array<i64: 1, 128>}, {pipeline_mode = #tpu.pipeline_mode<synchronous>, transform_indices = @transform_5, window_bounds = array<i64: 1, 128>}, {pipeline_mode = #tpu.pipeline_mode<synchronous>, transform_indices = @transform_6, window_bounds = array<i64: 2, 8>}]} {
    %eq3A = arith.constant 0 : i32
    %eq3A_0 = arith.cmpi eq, %arg0, %eq3A : i32
    %convert_element_type3A = arith.extui %eq3A_0 : i1 to i32
    %cond3A = arith.constant 0 : i32
    %cond3A_1 = arith.cmpi ne, %convert_element_type3A, %cond3A : i32
    scf.if %cond3A_1 {
      %broadcast_in_dim3A_83 = arith.constant 0.000000e+00 : f32
      %broadcast_in_dim3A_84 = vector.broadcast %broadcast_in_dim3A_83 : f32 to vector<1x128xf32>
      %swap3A_85 = arith.constant 0 : index
      %swap3A_86 = arith.constant 0 : index
      %swap3A_87 = vector.load %arg3[%swap3A_85, %swap3A_86] : memref<1x128xf32, #tpu.memory_space<vmem>>, vector<1x128xf32>
      tpu.vector_store %arg3[%swap3A_85, %swap3A_86], %broadcast_in_dim3A_84 {strides = array<i32>} : memref<1x128xf32, #tpu.memory_space<vmem>>, vector<1x128xf32>,
      %broadcast_in_dim3A_88 = arith.constant 0.000000e+00 : f32
      %broadcast_in_dim3A_89 = vector.broadcast %broadcast_in_dim3A_88 : f32 to vector<1x128xf32>
      %swap3A_90 = arith.constant 0 : index
      %swap3A_91 = arith.constant 0 : index
      %swap3A_92 = vector.load %arg4[%swap3A_90, %swap3A_91] : memref<1x128xf32, #tpu.memory_space<vmem>>, vector<1x128xf32>
      tpu.vector_store %arg4[%swap3A_90, %swap3A_91], %broadcast_in_dim3A_89 {strides = array<i32>} : memref<1x128xf32, #tpu.memory_space<vmem>>, vector<1x128xf32>,
      %broadcast_in_dim3A_93 = arith.constant 0.000000e+00 : f32
      %broadcast_in_dim3A_94 = vector.broadcast %broadcast_in_dim3A_93 : f32 to vector<1x128xf32>
      %swap3A_95 = arith.constant 0 : index
      %swap3A_96 = arith.constant 0 : index
      %swap3A_97 = vector.load %arg5[%swap3A_95, %swap3A_96] : memref<1x128xf32, #tpu.memory_space<vmem>>, vector<1x128xf32>
      tpu.vector_store %arg5[%swap3A_95, %swap3A_96], %broadcast_in_dim3A_94 {strides = array<i32>} : memref<1x128xf32, #tpu.memory_space<vmem>>, vector<1x128xf32>,
      %broadcast_in_dim3A_98 = arith.constant 0.000000e+00 : f32
      %broadcast_in_dim3A_99 = vector.broadcast %broadcast_in_dim3A_98 : f32 to vector<1x128xf32>
      %swap3A_100 = arith.constant 0 : index
      %swap3A_101 = arith.constant 0 : index
      %swap3A_102 = vector.load %arg6[%swap3A_100, %swap3A_101] : memref<1x128xf32, #tpu.memory_space<vmem>>, vector<1x128xf32>
      tpu.vector_store %arg6[%swap3A_100, %swap3A_101], %broadcast_in_dim3A_99 {strides = array<i32>} : memref<1x128xf32, #tpu.memory_space<vmem>>, vector<1x128xf32>,
      %broadcast_in_dim3A_103 = arith.constant 0.000000e+00 : f32
      %broadcast_in_dim3A_104 = vector.broadcast %broadcast_in_dim3A_103 : f32 to vector<2x8xf32>
      %swap3A_105 = arith.constant 0 : index
      %swap3A_106 = arith.constant 0 : index
      %swap3A_107 = vector.load %arg7[%swap3A_105, %swap3A_106] : memref<2x8xf32, #tpu.memory_space<vmem>>, vector<2x8xf32>
      tpu.vector_store %arg7[%swap3A_105, %swap3A_106], %broadcast_in_dim3A_104 {strides = array<i32>} : memref<2x8xf32, #tpu.memory_space<vmem>>, vector<2x8xf32>,
    } else {
    }
    %get3A = arith.constant 0 : index
    %get3A_2 = arith.constant 0 : index
    %get3A_3 = vector.load %arg1[%get3A, %get3A_2] : memref<4000x128xf32, #tpu.memory_space<vmem>>, vector<4000x128xf32>
    %get3A_4 = arith.constant 0 : index
    %get3A_5 = arith.constant 0 : index
    %get3A_6 = vector.load %arg2[%get3A_4, %get3A_5] : memref<4000x128xf32, #tpu.memory_space<vmem>>, vector<4000x128xf32>
    %slice3A = vector.extract_strided_slice %get3A_3 {offsets = [0, 32], sizes = [4000, 16], strides = [1, 1]} : vector<4000x128xf32> to vector<4000x16xf32>
    %slice3A_7 = vector.extract_strided_slice %get3A_6 {offsets = [0, 32], sizes = [4000, 16], strides = [1, 1]} : vector<4000x128xf32> to vector<4000x16xf32>
    %sub3A = arith.subf %slice3A, %slice3A_7 : vector<4000x16xf32>
    %mul3A = arith.mulf %sub3A, %sub3A : vector<4000x16xf32>
    %reduce_sum3A = arith.constant dense<0.000000e+00> : vector<4000xf32>
    %reduce_sum3A_8 = vector.multi_reduction <add>, %mul3A, %reduce_sum3A [1] : vector<4000x16xf32> to vector<4000xf32>
    %broadcast_in_dim3A = vector.shape_cast %reduce_sum3A_8 : vector<4000xf32> to vector<4000x1xf32>
    %gt3A = arith.constant 0.000000e+00 : f32
    %gt3A_9 = vector.broadcast %gt3A : f32 to vector<4000x1xf32>
    %gt3A_10 = arith.cmpf ogt, %broadcast_in_dim3A, %gt3A_9 : vector<4000x1xf32>
    %max3A = arith.constant 1.000000e-30 : f32
    %max3A_11 = vector.broadcast %max3A : f32 to vector<4000x1xf32>
    %max3A_12 = arith.maximumf %broadcast_in_dim3A, %max3A_11 : vector<4000x1xf32>
    %rsqrt3A = math.rsqrt %max3A_12 : vector<4000x1xf32>
    %mul3A_13 = arith.constant 5.000000e-01 : f32
    %mul3A_14 = vector.broadcast %mul3A_13 : f32 to vector<4000x1xf32>
    %mul3A_15 = arith.mulf %mul3A_14, %max3A_12 : vector<4000x1xf32>
    %mul3A_16 = arith.mulf %mul3A_15, %rsqrt3A : vector<4000x1xf32>
    %mul3A_17 = arith.mulf %mul3A_16, %rsqrt3A : vector<4000x1xf32>
    %sub3A_18 = arith.constant 1.500000e+00 : f32
    %sub3A_19 = vector.broadcast %sub3A_18 : f32 to vector<4000x1xf32>
    %sub3A_20 = arith.subf %sub3A_19, %mul3A_17 : vector<4000x1xf32>
    %mul3A_21 = arith.mulf %rsqrt3A, %sub3A_20 : vector<4000x1xf32>
    %mul3A_22 = arith.mulf %broadcast_in_dim3A, %mul3A_21 : vector<4000x1xf32>
    %jit3A = arith.constant 0.000000e+00 : f32
    %broadcast_in_dim3A_23 = vector.broadcast %jit3A : f32 to vector<4000x1xf32>
    %select_n3A = arith.select %gt3A_10, %mul3A_22, %broadcast_in_dim3A_23 : vector<4000x1xi1>, vector<4000x1xf32>
    %get3A_24 = arith.constant 0 : index
    %get3A_25 = arith.constant 0 : index
    %get3A_26 = vector.load %arg3[%get3A_24, %get3A_25] : memref<1x128xf32, #tpu.memory_space<vmem>>, vector<1x128xf32>
    %reduce_sum3A_27 = arith.constant dense<0.000000e+00> : vector<128xf32>
    %reduce_sum3A_28 = vector.multi_reduction <add>, %get3A_3, %reduce_sum3A_27 [0] : vector<4000x128xf32> to vector<128xf32>
    %broadcast_in_dim3A_29 = vector.shape_cast %reduce_sum3A_28 : vector<128xf32> to vector<1x128xf32>
    %add3A = arith.addf %get3A_26, %broadcast_in_dim3A_29 : vector<1x128xf32>
    %swap3A = arith.constant 0 : index
    %swap3A_30 = arith.constant 0 : index
    %swap3A_31 = vector.load %arg3[%swap3A, %swap3A_30] : memref<1x128xf32, #tpu.memory_space<vmem>>, vector<1x128xf32>
    tpu.vector_store %arg3[%swap3A, %swap3A_30], %add3A {strides = array<i32>} : memref<1x128xf32, #tpu.memory_space<vmem>>, vector<1x128xf32>,
    %get3A_32 = arith.constant 0 : index
    %get3A_33 = arith.constant 0 : index
    %get3A_34 = vector.load %arg4[%get3A_32, %get3A_33] : memref<1x128xf32, #tpu.memory_space<vmem>>, vector<1x128xf32>
    %mul3A_35 = arith.mulf %get3A_3, %get3A_3 : vector<4000x128xf32>
    %reduce_sum3A_36 = arith.constant dense<0.000000e+00> : vector<128xf32>
    %reduce_sum3A_37 = vector.multi_reduction <add>, %mul3A_35, %reduce_sum3A_36 [0] : vector<4000x128xf32> to vector<128xf32>
    %broadcast_in_dim3A_38 = vector.shape_cast %reduce_sum3A_37 : vector<128xf32> to vector<1x128xf32>
    %add3A_39 = arith.addf %get3A_34, %broadcast_in_dim3A_38 : vector<1x128xf32>
    %swap3A_40 = arith.constant 0 : index
    %swap3A_41 = arith.constant 0 : index
    %swap3A_42 = vector.load %arg4[%swap3A_40, %swap3A_41] : memref<1x128xf32, #tpu.memory_space<vmem>>, vector<1x128xf32>
    tpu.vector_store %arg4[%swap3A_40, %swap3A_41], %add3A_39 {strides = array<i32>} : memref<1x128xf32, #tpu.memory_space<vmem>>, vector<1x128xf32>,
    %get3A_43 = arith.constant 0 : index
    %get3A_44 = arith.constant 0 : index
    %get3A_45 = vector.load %arg5[%get3A_43, %get3A_44] : memref<1x128xf32, #tpu.memory_space<vmem>>, vector<1x128xf32>
    %reduce_sum3A_46 = arith.constant dense<0.000000e+00> : vector<128xf32>
    %reduce_sum3A_47 = vector.multi_reduction <add>, %get3A_6, %reduce_sum3A_46 [0] : vector<4000x128xf32> to vector<128xf32>
    %broadcast_in_dim3A_48 = vector.shape_cast %reduce_sum3A_47 : vector<128xf32> to vector<1x128xf32>
    %add3A_49 = arith.addf %get3A_45, %broadcast_in_dim3A_48 : vector<1x128xf32>
    %swap3A_50 = arith.constant 0 : index
    %swap3A_51 = arith.constant 0 : index
    %swap3A_52 = vector.load %arg5[%swap3A_50, %swap3A_51] : memref<1x128xf32, #tpu.memory_space<vmem>>, vector<1x128xf32>
    tpu.vector_store %arg5[%swap3A_50, %swap3A_51], %add3A_49 {strides = array<i32>} : memref<1x128xf32, #tpu.memory_space<vmem>>, vector<1x128xf32>,
    %get3A_53 = arith.constant 0 : index
    %get3A_54 = arith.constant 0 : index
    %get3A_55 = vector.load %arg6[%get3A_53, %get3A_54] : memref<1x128xf32, #tpu.memory_space<vmem>>, vector<1x128xf32>
    %mul3A_56 = arith.mulf %get3A_6, %get3A_6 : vector<4000x128xf32>
    %reduce_sum3A_57 = arith.constant dense<0.000000e+00> : vector<128xf32>
    %reduce_sum3A_58 = vector.multi_reduction <add>, %mul3A_56, %reduce_sum3A_57 [0] : vector<4000x128xf32> to vector<128xf32>
    %broadcast_in_dim3A_59 = vector.shape_cast %reduce_sum3A_58 : vector<128xf32> to vector<1x128xf32>
    %add3A_60 = arith.addf %get3A_55, %broadcast_in_dim3A_59 : vector<1x128xf32>
    %swap3A_61 = arith.constant 0 : index
    %swap3A_62 = arith.constant 0 : index
    %swap3A_63 = vector.load %arg6[%swap3A_61, %swap3A_62] : memref<1x128xf32, #tpu.memory_space<vmem>>, vector<1x128xf32>
    tpu.vector_store %arg6[%swap3A_61, %swap3A_62], %add3A_60 {strides = array<i32>} : memref<1x128xf32, #tpu.memory_space<vmem>>, vector<1x128xf32>,
    %get3A_64 = arith.constant 0 : index
    %get3A_65 = arith.constant 0 : index
    %get3A_66 = vector.load %arg7[%get3A_64, %get3A_65] : memref<2x8xf32, #tpu.memory_space<vmem>>, vector<2x8xf32>
    %reduce_sum3A_67 = vector.shape_cast %select_n3A : vector<4000x1xf32> to vector<1x4000x1xf32>
    %reduce_sum3A_68 = arith.constant dense<0.000000e+00> : vector<1xf32>
    %reduce_sum3A_69 = vector.multi_reduction <add>, %reduce_sum3A_67, %reduce_sum3A_68 [1, 2] : vector<1x4000x1xf32> to vector<1xf32>
    %reduce_sum3A_70 = vector.shape_cast %reduce_sum3A_69 : vector<1xf32> to vector<1x1x1xf32>
    %reduce_sum3A_71 = vector.extract %reduce_sum3A_70[0, 0, 0] : f32 from vector<1x1x1xf32>
    %broadcast_in_dim3A_72 = vector.broadcast %reduce_sum3A_71 : f32 to vector<1x8xf32>
    %reduce_sum3A_73 = vector.shape_cast %broadcast_in_dim3A : vector<4000x1xf32> to vector<1x4000x1xf32>
    %reduce_sum3A_74 = arith.constant dense<0.000000e+00> : vector<1xf32>
    %reduce_sum3A_75 = vector.multi_reduction <add>, %reduce_sum3A_73, %reduce_sum3A_74 [1, 2] : vector<1x4000x1xf32> to vector<1xf32>
    %reduce_sum3A_76 = vector.shape_cast %reduce_sum3A_75 : vector<1xf32> to vector<1x1x1xf32>
    %reduce_sum3A_77 = vector.extract %reduce_sum3A_76[0, 0, 0] : f32 from vector<1x1x1xf32>
    %broadcast_in_dim3A_78 = vector.broadcast %reduce_sum3A_77 : f32 to vector<1x8xf32>
    %concatenate3A = tpu.concatenate %broadcast_in_dim3A_72, %broadcast_in_dim3A_78 in 0 : vector<1x8xf32>, vector<1x8xf32> -> vector<2x8xf32>
    %add3A_79 = arith.addf %get3A_66, %concatenate3A : vector<2x8xf32>
    %swap3A_80 = arith.constant 0 : index
    %swap3A_81 = arith.constant 0 : index
    %swap3A_82 = vector.load %arg7[%swap3A_80, %swap3A_81] : memref<2x8xf32, #tpu.memory_space<vmem>>, vector<2x8xf32>
    tpu.vector_store %arg7[%swap3A_80, %swap3A_81], %add3A_79 {strides = array<i32>} : memref<2x8xf32, #tpu.memory_space<vmem>>, vector<2x8xf32>,
    return
  }
  func.func @transform_0(%arg0: i32) -> (i32, i32) {
    %c0_i32 = arith.constant 0 : i32
    %c0_i32_0 = arith.constant 0 : i32
    return %arg0, %c0_i32 : i32, i32
  }
  func.func @transform_1(%arg0: i32) -> (i32, i32) {
    %c0_i32 = arith.constant 0 : i32
    %c0_i32_0 = arith.constant 0 : i32
    return %arg0, %c0_i32 : i32, i32
  }
  func.func @transform_2(%arg0: i32) -> (i32, i32) {
    %c0_i32 = arith.constant 0 : i32
    %c0_i32_0 = arith.constant 0 : i32
    %c0_i32_1 = arith.constant 0 : i32
    return %c0_i32, %c0_i32_0 : i32, i32
  }
  func.func @transform_3(%arg0: i32) -> (i32, i32) {
    %c0_i32 = arith.constant 0 : i32
    %c0_i32_0 = arith.constant 0 : i32
    %c0_i32_1 = arith.constant 0 : i32
    return %c0_i32, %c0_i32_0 : i32, i32
  }
  func.func @transform_4(%arg0: i32) -> (i32, i32) {
    %c0_i32 = arith.constant 0 : i32
    %c0_i32_0 = arith.constant 0 : i32
    %c0_i32_1 = arith.constant 0 : i32
    return %c0_i32, %c0_i32_0 : i32, i32
  }
  func.func @transform_5(%arg0: i32) -> (i32, i32) {
    %c0_i32 = arith.constant 0 : i32
    %c0_i32_0 = arith.constant 0 : i32
    %c0_i32_1 = arith.constant 0 : i32
    return %c0_i32, %c0_i32_0 : i32, i32
  }
  func.func @transform_6(%arg0: i32) -> (i32, i32) {
    %c0_i32 = arith.constant 0 : i32
    %c0_i32_0 = arith.constant 0 : i32
    %c0_i32_1 = arith.constant 0 : i32
    return %c0_i32, %c0_i32_0 : i32, i32
  }
}

module attributes {stable_mosaic.version = 14 : i64} {
  func.func @_edge_body(%arg0: i32, %arg1: memref<4000x128xf32, #tpu.memory_space<vmem>>, %arg2: memref<4000x128xf32, #tpu.memory_space<vmem>>, %arg3: memref<1x32xf32, #tpu.memory_space<vmem>>, %arg4: memref<1x32xf32, #tpu.memory_space<vmem>>, %arg5: memref<1x32xf32, #tpu.memory_space<vmem>>, %arg6: memref<1x32xf32, #tpu.memory_space<vmem>>, %arg7: memref<1x1xf32, #tpu.memory_space<vmem>>, %arg8: memref<1x1xf32, #tpu.memory_space<vmem>>, %arg9: memref<32x32xf32, #tpu.memory_space<vmem>>, %arg10: memref<32x32xf32, #tpu.memory_space<vmem>>, %arg11: memref<1x32xf32, #tpu.memory_space<vmem>>, %arg12: memref<1x32xf32, #tpu.memory_space<vmem>>, %arg13: memref<32x32xf32, #tpu.memory_space<vmem>>, %arg14: memref<1x32xf32, #tpu.memory_space<vmem>>, %arg15: memref<32x32xf32, #tpu.memory_space<vmem>>, %arg16: memref<1x32xf32, #tpu.memory_space<vmem>>, %arg17: memref<32x16xf32, #tpu.memory_space<vmem>>, %arg18: memref<4000x128xf32, #tpu.memory_space<vmem>>) attributes {dimension_semantics = [#tpu.dimension_semantics<arbitrary>], iteration_bounds = array<i64: 80>, scalar_prefetch = 0 : i64, scratch_operands = 0 : i64, tpu.core_type = #tpu.core_type<tc>, window_params = [{transform_indices = @transform_0, window_bounds = array<i64: 4000, 128>}, {transform_indices = @transform_1, window_bounds = array<i64: 4000, 128>}, {pipeline_mode = #tpu.pipeline_mode<synchronous>, transform_indices = @transform_2, window_bounds = array<i64: 1, 32>}, {pipeline_mode = #tpu.pipeline_mode<synchronous>, transform_indices = @transform_3, window_bounds = array<i64: 1, 32>}, {pipeline_mode = #tpu.pipeline_mode<synchronous>, transform_indices = @transform_4, window_bounds = array<i64: 1, 32>}, {pipeline_mode = #tpu.pipeline_mode<synchronous>, transform_indices = @transform_5, window_bounds = array<i64: 1, 32>}, {pipeline_mode = #tpu.pipeline_mode<synchronous>, transform_indices = @transform_6, window_bounds = array<i64: 1, 1>}, {pipeline_mode = #tpu.pipeline_mode<synchronous>, transform_indices = @transform_7, window_bounds = array<i64: 1, 1>}, {pipeline_mode = #tpu.pipeline_mode<synchronous>, transform_indices = @transform_8, window_bounds = array<i64: 32, 32>}, {pipeline_mode = #tpu.pipeline_mode<synchronous>, transform_indices = @transform_9, window_bounds = array<i64: 32, 32>}, {pipeline_mode = #tpu.pipeline_mode<synchronous>, transform_indices = @transform_10, window_bounds = array<i64: 1, 32>}, {pipeline_mode = #tpu.pipeline_mode<synchronous>, transform_indices = @transform_11, window_bounds = array<i64: 1, 32>}, {pipeline_mode = #tpu.pipeline_mode<synchronous>, transform_indices = @transform_12, window_bounds = array<i64: 32, 32>}, {pipeline_mode = #tpu.pipeline_mode<synchronous>, transform_indices = @transform_13, window_bounds = array<i64: 1, 32>}, {pipeline_mode = #tpu.pipeline_mode<synchronous>, transform_indices = @transform_14, window_bounds = array<i64: 32, 32>}, {pipeline_mode = #tpu.pipeline_mode<synchronous>, transform_indices = @transform_15, window_bounds = array<i64: 1, 32>}, {pipeline_mode = #tpu.pipeline_mode<synchronous>, transform_indices = @transform_16, window_bounds = array<i64: 32, 16>}, {transform_indices = @transform_17, window_bounds = array<i64: 4000, 128>}]} {
    %get3A = arith.constant 0 : index
    %get3A_0 = arith.constant 0 : index
    %get3A_1 = vector.load %arg1[%get3A, %get3A_0] : memref<4000x128xf32, #tpu.memory_space<vmem>>, vector<4000x128xf32>
    %get3A_2 = arith.constant 0 : index
    %get3A_3 = arith.constant 0 : index
    %get3A_4 = vector.load %arg2[%get3A_2, %get3A_3] : memref<4000x128xf32, #tpu.memory_space<vmem>>, vector<4000x128xf32>
    %slice3A = vector.extract_strided_slice %get3A_1 {offsets = [0, 0], sizes = [4000, 32], strides = [1, 1]} : vector<4000x128xf32> to vector<4000x32xf32>
    %get3A_5 = arith.constant 0 : index
    %get3A_6 = arith.constant 0 : index
    %get3A_7 = vector.load %arg3[%get3A_5, %get3A_6] : memref<1x32xf32, #tpu.memory_space<vmem>>, vector<1x32xf32>
    %mul3A = vector.broadcast %get3A_7 : vector<1x32xf32> to vector<4000x32xf32>
    %mul3A_8 = arith.mulf %slice3A, %mul3A : vector<4000x32xf32>
    %get3A_9 = arith.constant 0 : index
    %get3A_10 = arith.constant 0 : index
    %get3A_11 = vector.load %arg4[%get3A_9, %get3A_10] : memref<1x32xf32, #tpu.memory_space<vmem>>, vector<1x32xf32>
    %add3A = vector.broadcast %get3A_11 : vector<1x32xf32> to vector<4000x32xf32>
    %add3A_12 = arith.addf %mul3A_8, %add3A : vector<4000x32xf32>
    %slice3A_13 = vector.extract_strided_slice %get3A_4 {offsets = [0, 0], sizes = [4000, 32], strides = [1, 1]} : vector<4000x128xf32> to vector<4000x32xf32>
    %get3A_14 = arith.constant 0 : index
    %get3A_15 = arith.constant 0 : index
    %get3A_16 = vector.load %arg5[%get3A_14, %get3A_15] : memref<1x32xf32, #tpu.memory_space<vmem>>, vector<1x32xf32>
    %mul3A_17 = vector.broadcast %get3A_16 : vector<1x32xf32> to vector<4000x32xf32>
    %mul3A_18 = arith.mulf %slice3A_13, %mul3A_17 : vector<4000x32xf32>
    %get3A_19 = arith.constant 0 : index
    %get3A_20 = arith.constant 0 : index
    %get3A_21 = vector.load %arg6[%get3A_19, %get3A_20] : memref<1x32xf32, #tpu.memory_space<vmem>>, vector<1x32xf32>
    %add3A_22 = vector.broadcast %get3A_21 : vector<1x32xf32> to vector<4000x32xf32>
    %add3A_23 = arith.addf %mul3A_18, %add3A_22 : vector<4000x32xf32>
    %slice3A_24 = vector.extract_strided_slice %get3A_1 {offsets = [0, 32], sizes = [4000, 16], strides = [1, 1]} : vector<4000x128xf32> to vector<4000x16xf32>
    %slice3A_25 = vector.extract_strided_slice %get3A_4 {offsets = [0, 32], sizes = [4000, 16], strides = [1, 1]} : vector<4000x128xf32> to vector<4000x16xf32>
    %sub3A = arith.subf %slice3A_24, %slice3A_25 : vector<4000x16xf32>
    %mul3A_26 = arith.mulf %sub3A, %sub3A : vector<4000x16xf32>
    %reduce_sum3A = arith.constant dense<0.000000e+00> : vector<4000xf32>
    %reduce_sum3A_27 = vector.multi_reduction <add>, %mul3A_26, %reduce_sum3A [1] : vector<4000x16xf32> to vector<4000xf32>
    %broadcast_in_dim3A = vector.shape_cast %reduce_sum3A_27 : vector<4000xf32> to vector<4000x1xf32>
    %gt3A = arith.constant 0.000000e+00 : f32
    %gt3A_28 = vector.broadcast %gt3A : f32 to vector<4000x1xf32>
    %gt3A_29 = arith.cmpf ogt, %broadcast_in_dim3A, %gt3A_28 : vector<4000x1xf32>
    %max3A = arith.constant 1.000000e-30 : f32
    %max3A_30 = vector.broadcast %max3A : f32 to vector<4000x1xf32>
    %max3A_31 = arith.maximumf %broadcast_in_dim3A, %max3A_30 : vector<4000x1xf32>
    %rsqrt3A = math.rsqrt %max3A_31 : vector<4000x1xf32>
    %mul3A_32 = arith.constant 5.000000e-01 : f32
    %mul3A_33 = vector.broadcast %mul3A_32 : f32 to vector<4000x1xf32>
    %mul3A_34 = arith.mulf %mul3A_33, %max3A_31 : vector<4000x1xf32>
    %mul3A_35 = arith.mulf %mul3A_34, %rsqrt3A : vector<4000x1xf32>
    %mul3A_36 = arith.mulf %mul3A_35, %rsqrt3A : vector<4000x1xf32>
    %sub3A_37 = arith.constant 1.500000e+00 : f32
    %sub3A_38 = vector.broadcast %sub3A_37 : f32 to vector<4000x1xf32>
    %sub3A_39 = arith.subf %sub3A_38, %mul3A_36 : vector<4000x1xf32>
    %mul3A_40 = arith.mulf %rsqrt3A, %sub3A_39 : vector<4000x1xf32>
    %mul3A_41 = arith.mulf %broadcast_in_dim3A, %mul3A_40 : vector<4000x1xf32>
    %jit3A = arith.constant 0.000000e+00 : f32
    %broadcast_in_dim3A_42 = vector.broadcast %jit3A : f32 to vector<4000x1xf32>
    %select_n3A = arith.select %gt3A_29, %mul3A_41, %broadcast_in_dim3A_42 : vector<4000x1xi1>, vector<4000x1xf32>
    %get3A_43 = arith.constant 0 : index
    %get3A_44 = arith.constant 0 : index
    %get3A_45 = vector.load %arg7[%get3A_43, %get3A_44] : memref<1x1xf32, #tpu.memory_space<vmem>>, vector<1x1xf32>
    %mul3A_46 = vector.broadcast %get3A_45 : vector<1x1xf32> to vector<4000x1xf32>
    %mul3A_47 = arith.mulf %select_n3A, %mul3A_46 : vector<4000x1xf32>
    %get3A_48 = arith.constant 0 : index
    %get3A_49 = arith.constant 0 : index
    %get3A_50 = vector.load %arg8[%get3A_48, %get3A_49] : memref<1x1xf32, #tpu.memory_space<vmem>>, vector<1x1xf32>
    %add3A_51 = vector.broadcast %get3A_50 : vector<1x1xf32> to vector<4000x1xf32>
    %add3A_52 = arith.addf %mul3A_47, %add3A_51 : vector<4000x1xf32>
    %convert_element_type3A = arith.truncf %add3A_52 : vector<4000x1xf32> to vector<4000x1xbf16>
    %convert_element_type3A_53 = arith.extf %convert_element_type3A : vector<4000x1xbf16> to vector<4000x1xf32>
    %get3A_54 = arith.constant 0 : index
    %get3A_55 = arith.constant 0 : index
    %get3A_56 = vector.load %arg11[%get3A_54, %get3A_55] : memref<1x32xf32, #tpu.memory_space<vmem>>, vector<1x32xf32>
    %convert_element_type3A_57 = arith.truncf %get3A_56 : vector<1x32xf32> to vector<1x32xbf16>
    %convert_element_type3A_58 = arith.extf %convert_element_type3A_57 : vector<1x32xbf16> to vector<1x32xf32>
    %get3A_59 = arith.constant 0 : index
    %get3A_60 = arith.constant 0 : index
    %get3A_61 = vector.load %arg9[%get3A_59, %get3A_60] : memref<32x32xf32, #tpu.memory_space<vmem>>, vector<32x32xf32>
    %dot_general3A = arith.constant dense<0.000000e+00> : vector<4000x32xf32>
    %dot_general3A_62 = tpu.matmul %add3A_12, %get3A_61, %dot_general3A {dimension_numbers = #tpu.dot_dimension_numbers<[1], [0], [0], [1], [0, 0, 1, 1], [], []>, transpose_lhs_hint = false} : vector<4000x32xf32>, vector<32x32xf32>, vector<4000x32xf32> -> vector<4000x32xf32>
    %get3A_63 = arith.constant 0 : index
    %get3A_64 = arith.constant 0 : index
    %get3A_65 = vector.load %arg10[%get3A_63, %get3A_64] : memref<32x32xf32, #tpu.memory_space<vmem>>, vector<32x32xf32>
    %dot_general3A_66 = arith.constant dense<0.000000e+00> : vector<4000x32xf32>
    %dot_general3A_67 = tpu.matmul %add3A_23, %get3A_65, %dot_general3A_66 {dimension_numbers = #tpu.dot_dimension_numbers<[1], [0], [0], [1], [0, 0, 1, 1], [], []>, transpose_lhs_hint = false} : vector<4000x32xf32>, vector<32x32xf32>, vector<4000x32xf32> -> vector<4000x32xf32>
    %add3A_68 = arith.addf %dot_general3A_62, %dot_general3A_67 : vector<4000x32xf32>
    %mul3A_69 = vector.broadcast %convert_element_type3A_53 : vector<4000x1xf32> to vector<4000x32xf32>
    %mul3A_70 = vector.broadcast %convert_element_type3A_58 : vector<1x32xf32> to vector<4000x32xf32>
    %mul3A_71 = arith.mulf %mul3A_69, %mul3A_70 : vector<4000x32xf32>
    %add3A_72 = arith.addf %add3A_68, %mul3A_71 : vector<4000x32xf32>
    %get3A_73 = arith.constant 0 : index
    %get3A_74 = arith.constant 0 : index
    %get3A_75 = vector.load %arg12[%get3A_73, %get3A_74] : memref<1x32xf32, #tpu.memory_space<vmem>>, vector<1x32xf32>
    %add3A_76 = vector.broadcast %get3A_75 : vector<1x32xf32> to vector<4000x32xf32>
    %add3A_77 = arith.addf %add3A_72, %add3A_76 : vector<4000x32xf32>
    %gt3A_78 = arith.constant 0.000000e+00 : f32
    %gt3A_79 = vector.broadcast %gt3A_78 : f32 to vector<4000x32xf32>
    %gt3A_80 = arith.cmpf ogt, %add3A_77, %gt3A_79 : vector<4000x32xf32>
    %mul3A_81 = arith.constant 0.00999999977 : f32
    %mul3A_82 = vector.broadcast %mul3A_81 : f32 to vector<4000x32xf32>
    %mul3A_83 = arith.mulf %mul3A_82, %add3A_77 : vector<4000x32xf32>
    %select_n3A_84 = arith.select %gt3A_80, %add3A_77, %mul3A_83 : vector<4000x32xi1>, vector<4000x32xf32>
    %get3A_85 = arith.constant 0 : index
    %get3A_86 = arith.constant 0 : index
    %get3A_87 = vector.load %arg13[%get3A_85, %get3A_86] : memref<32x32xf32, #tpu.memory_space<vmem>>, vector<32x32xf32>
    %dot_general3A_88 = arith.constant dense<0.000000e+00> : vector<4000x32xf32>
    %dot_general3A_89 = tpu.matmul %select_n3A_84, %get3A_87, %dot_general3A_88 {dimension_numbers = #tpu.dot_dimension_numbers<[1], [0], [0], [1], [0, 0, 1, 1], [], []>, transpose_lhs_hint = false} : vector<4000x32xf32>, vector<32x32xf32>, vector<4000x32xf32> -> vector<4000x32xf32>
    %get3A_90 = arith.constant 0 : index
    %get3A_91 = arith.constant 0 : index
    %get3A_92 = vector.load %arg14[%get3A_90, %get3A_91] : memref<1x32xf32, #tpu.memory_space<vmem>>, vector<1x32xf32>
    %add3A_93 = vector.broadcast %get3A_92 : vector<1x32xf32> to vector<4000x32xf32>
    %add3A_94 = arith.addf %dot_general3A_89, %add3A_93 : vector<4000x32xf32>
    %gt3A_95 = arith.constant 0.000000e+00 : f32
    %gt3A_96 = vector.broadcast %gt3A_95 : f32 to vector<4000x32xf32>
    %gt3A_97 = arith.cmpf ogt, %add3A_94, %gt3A_96 : vector<4000x32xf32>
    %mul3A_98 = arith.constant 0.00999999977 : f32
    %mul3A_99 = vector.broadcast %mul3A_98 : f32 to vector<4000x32xf32>
    %mul3A_100 = arith.mulf %mul3A_99, %add3A_94 : vector<4000x32xf32>
    %select_n3A_101 = arith.select %gt3A_97, %add3A_94, %mul3A_100 : vector<4000x32xi1>, vector<4000x32xf32>
    %get3A_102 = arith.constant 0 : index
    %get3A_103 = arith.constant 0 : index
    %get3A_104 = vector.load %arg15[%get3A_102, %get3A_103] : memref<32x32xf32, #tpu.memory_space<vmem>>, vector<32x32xf32>
    %dot_general3A_105 = arith.constant dense<0.000000e+00> : vector<4000x32xf32>
    %dot_general3A_106 = tpu.matmul %select_n3A_101, %get3A_104, %dot_general3A_105 {dimension_numbers = #tpu.dot_dimension_numbers<[1], [0], [0], [1], [0, 0, 1, 1], [], []>, transpose_lhs_hint = false} : vector<4000x32xf32>, vector<32x32xf32>, vector<4000x32xf32> -> vector<4000x32xf32>
    %get3A_107 = arith.constant 0 : index
    %get3A_108 = arith.constant 0 : index
    %get3A_109 = vector.load %arg16[%get3A_107, %get3A_108] : memref<1x32xf32, #tpu.memory_space<vmem>>, vector<1x32xf32>
    %add3A_110 = vector.broadcast %get3A_109 : vector<1x32xf32> to vector<4000x32xf32>
    %add3A_111 = arith.addf %dot_general3A_106, %add3A_110 : vector<4000x32xf32>
    %gt3A_112 = arith.constant 0.000000e+00 : f32
    %gt3A_113 = vector.broadcast %gt3A_112 : f32 to vector<4000x32xf32>
    %gt3A_114 = arith.cmpf ogt, %add3A_111, %gt3A_113 : vector<4000x32xf32>
    %mul3A_115 = arith.constant 0.00999999977 : f32
    %mul3A_116 = vector.broadcast %mul3A_115 : f32 to vector<4000x32xf32>
    %mul3A_117 = arith.mulf %mul3A_116, %add3A_111 : vector<4000x32xf32>
    %select_n3A_118 = arith.select %gt3A_114, %add3A_111, %mul3A_117 : vector<4000x32xi1>, vector<4000x32xf32>
    %get3A_119 = arith.constant 0 : index
    %get3A_120 = arith.constant 0 : index
    %get3A_121 = vector.load %arg17[%get3A_119, %get3A_120] : memref<32x16xf32, #tpu.memory_space<vmem>>, vector<32x16xf32>
    %dot_general3A_122 = arith.constant dense<0.000000e+00> : vector<4000x16xf32>
    %dot_general3A_123 = tpu.matmul %select_n3A_118, %get3A_121, %dot_general3A_122 {dimension_numbers = #tpu.dot_dimension_numbers<[1], [0], [0], [1], [0, 0, 1, 1], [], []>, transpose_lhs_hint = false} : vector<4000x32xf32>, vector<32x16xf32>, vector<4000x16xf32> -> vector<4000x16xf32>
    %mul3A_124 = arith.mulf %sub3A, %dot_general3A_123 : vector<4000x16xf32>
    %broadcast_in_dim3A_125 = arith.constant 0.000000e+00 : f32
    %broadcast_in_dim3A_126 = vector.broadcast %broadcast_in_dim3A_125 : f32 to vector<4000x80xf32>
    %concatenate3A = tpu.concatenate %select_n3A_101, %mul3A_124, %broadcast_in_dim3A_126 in 1 : vector<4000x32xf32>, vector<4000x16xf32>, vector<4000x80xf32> -> vector<4000x128xf32>
    %swap3A = arith.constant 0 : index
    %swap3A_127 = arith.constant 0 : index
    %swap3A_128 = vector.load %arg18[%swap3A, %swap3A_127] : memref<4000x128xf32, #tpu.memory_space<vmem>>, vector<4000x128xf32>
    tpu.vector_store %arg18[%swap3A, %swap3A_127], %concatenate3A {strides = array<i32>} : memref<4000x128xf32, #tpu.memory_space<vmem>>, vector<4000x128xf32>,
    return
  }
  func.func @transform_0(%arg0: i32) -> (i32, i32) {
    %c0_i32 = arith.constant 0 : i32
    %c0_i32_0 = arith.constant 0 : i32
    return %arg0, %c0_i32 : i32, i32
  }
  func.func @transform_1(%arg0: i32) -> (i32, i32) {
    %c0_i32 = arith.constant 0 : i32
    %c0_i32_0 = arith.constant 0 : i32
    return %arg0, %c0_i32 : i32, i32
  }
  func.func @transform_2(%arg0: i32) -> (i32, i32) {
    %c0_i32 = arith.constant 0 : i32
    %c0_i32_0 = arith.constant 0 : i32
    %c0_i32_1 = arith.constant 0 : i32
    return %c0_i32, %c0_i32_0 : i32, i32
  }
  func.func @transform_3(%arg0: i32) -> (i32, i32) {
    %c0_i32 = arith.constant 0 : i32
    %c0_i32_0 = arith.constant 0 : i32
    %c0_i32_1 = arith.constant 0 : i32
    return %c0_i32, %c0_i32_0 : i32, i32
  }
  func.func @transform_4(%arg0: i32) -> (i32, i32) {
    %c0_i32 = arith.constant 0 : i32
    %c0_i32_0 = arith.constant 0 : i32
    %c0_i32_1 = arith.constant 0 : i32
    return %c0_i32, %c0_i32_0 : i32, i32
  }
  func.func @transform_5(%arg0: i32) -> (i32, i32) {
    %c0_i32 = arith.constant 0 : i32
    %c0_i32_0 = arith.constant 0 : i32
    %c0_i32_1 = arith.constant 0 : i32
    return %c0_i32, %c0_i32_0 : i32, i32
  }
  func.func @transform_6(%arg0: i32) -> (i32, i32) {
    %c0_i32 = arith.constant 0 : i32
    %c0_i32_0 = arith.constant 0 : i32
    %c0_i32_1 = arith.constant 0 : i32
    return %c0_i32, %c0_i32_0 : i32, i32
  }
  func.func @transform_7(%arg0: i32) -> (i32, i32) {
    %c0_i32 = arith.constant 0 : i32
    %c0_i32_0 = arith.constant 0 : i32
    %c0_i32_1 = arith.constant 0 : i32
    return %c0_i32, %c0_i32_0 : i32, i32
  }
  func.func @transform_8(%arg0: i32) -> (i32, i32) {
    %c0_i32 = arith.constant 0 : i32
    %c0_i32_0 = arith.constant 0 : i32
    %c0_i32_1 = arith.constant 0 : i32
    return %c0_i32, %c0_i32_0 : i32, i32
  }
  func.func @transform_9(%arg0: i32) -> (i32, i32) {
    %c0_i32 = arith.constant 0 : i32
    %c0_i32_0 = arith.constant 0 : i32
    %c0_i32_1 = arith.constant 0 : i32
    return %c0_i32, %c0_i32_0 : i32, i32
  }
  func.func @transform_10(%arg0: i32) -> (i32, i32) {
    %c0_i32 = arith.constant 0 : i32
    %c0_i32_0 = arith.constant 0 : i32
    %c0_i32_1 = arith.constant 0 : i32
    return %c0_i32, %c0_i32_0 : i32, i32
  }
  func.func @transform_11(%arg0: i32) -> (i32, i32) {
    %c0_i32 = arith.constant 0 : i32
    %c0_i32_0 = arith.constant 0 : i32
    %c0_i32_1 = arith.constant 0 : i32
    return %c0_i32, %c0_i32_0 : i32, i32
  }
  func.func @transform_12(%arg0: i32) -> (i32, i32) {
    %c0_i32 = arith.constant 0 : i32
    %c0_i32_0 = arith.constant 0 : i32
    %c0_i32_1 = arith.constant 0 : i32
    return %c0_i32, %c0_i32_0 : i32, i32
  }
  func.func @transform_13(%arg0: i32) -> (i32, i32) {
    %c0_i32 = arith.constant 0 : i32
    %c0_i32_0 = arith.constant 0 : i32
    %c0_i32_1 = arith.constant 0 : i32
    return %c0_i32, %c0_i32_0 : i32, i32
  }
  func.func @transform_14(%arg0: i32) -> (i32, i32) {
    %c0_i32 = arith.constant 0 : i32
    %c0_i32_0 = arith.constant 0 : i32
    %c0_i32_1 = arith.constant 0 : i32
    return %c0_i32, %c0_i32_0 : i32, i32
  }
  func.func @transform_15(%arg0: i32) -> (i32, i32) {
    %c0_i32 = arith.constant 0 : i32
    %c0_i32_0 = arith.constant 0 : i32
    %c0_i32_1 = arith.constant 0 : i32
    return %c0_i32, %c0_i32_0 : i32, i32
  }
  func.func @transform_16(%arg0: i32) -> (i32, i32) {
    %c0_i32 = arith.constant 0 : i32
    %c0_i32_0 = arith.constant 0 : i32
    %c0_i32_1 = arith.constant 0 : i32
    return %c0_i32, %c0_i32_0 : i32, i32
  }
  func.func @transform_17(%arg0: i32) -> (i32, i32) {
    %c0_i32 = arith.constant 0 : i32
    %c0_i32_0 = arith.constant 0 : i32
    return %arg0, %c0_i32 : i32, i32
  }
}

module attributes {stable_mosaic.version = 14 : i64} {
  func.func @_node_body(%arg0: memref<2x10000x48xf32, #tpu.memory_space<vmem>>, %arg1: memref<10000x32xf32, #tpu.memory_space<vmem>>, %arg2: memref<10000x16xf32, #tpu.memory_space<vmem>>, %arg3: memref<32x32xf32, #tpu.memory_space<vmem>>, %arg4: memref<32x32xf32, #tpu.memory_space<vmem>>, %arg5: memref<1x32xf32, #tpu.memory_space<vmem>>, %arg6: memref<1x32xf32, #tpu.memory_space<vmem>>, %arg7: memref<1x32xf32, #tpu.memory_space<vmem>>, %arg8: memref<32x32xf32, #tpu.memory_space<vmem>>, %arg9: memref<1x32xf32, #tpu.memory_space<vmem>>, %arg10: memref<10000x32xf32, #tpu.memory_space<vmem>>, %arg11: memref<10000x16xf32, #tpu.memory_space<vmem>>) attributes {dimension_semantics = [], scalar_prefetch = 0 : i64, scratch_operands = 0 : i64, tpu.core_type = #tpu.core_type<tc>} {
    %get3A = arith.constant 0 : index
    %get3A_0 = arith.constant 0 : index
    %get3A_1 = arith.constant 0 : index
    %get3A_2 = vector.load %arg0[%get3A, %get3A_0, %get3A_1] : memref<2x10000x48xf32, #tpu.memory_space<vmem>>, vector<1x10000x48xf32>
    %get3A_3 = vector.shape_cast %get3A_2 : vector<1x10000x48xf32> to vector<10000x48xf32>
    %get3A_4 = arith.constant 1 : index
    %get3A_5 = arith.constant 0 : index
    %get3A_6 = arith.constant 0 : index
    %get3A_7 = vector.load %arg0[%get3A_4, %get3A_5, %get3A_6] : memref<2x10000x48xf32, #tpu.memory_space<vmem>>, vector<1x10000x48xf32>
    %get3A_8 = vector.shape_cast %get3A_7 : vector<1x10000x48xf32> to vector<10000x48xf32>
    %add3A = arith.addf %get3A_3, %get3A_8 : vector<10000x48xf32>
    %slice3A = vector.extract_strided_slice %add3A {offsets = [0, 0], sizes = [10000, 32], strides = [1, 1]} : vector<10000x48xf32> to vector<10000x32xf32>
    %get3A_9 = arith.constant 0 : index
    %get3A_10 = arith.constant 0 : index
    %get3A_11 = vector.load %arg2[%get3A_9, %get3A_10] : memref<10000x16xf32, #tpu.memory_space<vmem>>, vector<10000x16xf32>
    %slice3A_12 = vector.extract_strided_slice %add3A {offsets = [0, 32], sizes = [10000, 16], strides = [1, 1]} : vector<10000x48xf32> to vector<10000x16xf32>
    %add3A_13 = arith.addf %get3A_11, %slice3A_12 : vector<10000x16xf32>
    %swap3A = arith.constant 0 : index
    %swap3A_14 = arith.constant 0 : index
    %swap3A_15 = vector.load %arg11[%swap3A, %swap3A_14] : memref<10000x16xf32, #tpu.memory_space<vmem>>, vector<10000x16xf32>
    tpu.vector_store %arg11[%swap3A, %swap3A_14], %add3A_13 {strides = array<i32>} : memref<10000x16xf32, #tpu.memory_space<vmem>>, vector<10000x16xf32>,
    %get3A_16 = arith.constant 0 : index
    %get3A_17 = arith.constant 0 : index
    %get3A_18 = vector.load %arg1[%get3A_16, %get3A_17] : memref<10000x32xf32, #tpu.memory_space<vmem>>, vector<10000x32xf32>
    %get3A_19 = arith.constant 0 : index
    %get3A_20 = arith.constant 0 : index
    %get3A_21 = vector.load %arg3[%get3A_19, %get3A_20] : memref<32x32xf32, #tpu.memory_space<vmem>>, vector<32x32xf32>
    %dot_general3A = arith.constant dense<0.000000e+00> : vector<10000x32xf32>
    %dot_general3A_22 = tpu.matmul %get3A_18, %get3A_21, %dot_general3A {dimension_numbers = #tpu.dot_dimension_numbers<[1], [0], [0], [1], [0, 0, 1, 1], [], []>, transpose_lhs_hint = false} : vector<10000x32xf32>, vector<32x32xf32>, vector<10000x32xf32> -> vector<10000x32xf32>
    %get3A_23 = arith.constant 0 : index
    %get3A_24 = arith.constant 0 : index
    %get3A_25 = vector.load %arg4[%get3A_23, %get3A_24] : memref<32x32xf32, #tpu.memory_space<vmem>>, vector<32x32xf32>
    %dot_general3A_26 = arith.constant dense<0.000000e+00> : vector<10000x32xf32>
    %dot_general3A_27 = tpu.matmul %slice3A, %get3A_25, %dot_general3A_26 {dimension_numbers = #tpu.dot_dimension_numbers<[1], [0], [0], [1], [0, 0, 1, 1], [], []>, transpose_lhs_hint = false} : vector<10000x32xf32>, vector<32x32xf32>, vector<10000x32xf32> -> vector<10000x32xf32>
    %add3A_28 = arith.addf %dot_general3A_22, %dot_general3A_27 : vector<10000x32xf32>
    %get3A_29 = arith.constant 0 : index
    %get3A_30 = arith.constant 0 : index
    %get3A_31 = vector.load %arg5[%get3A_29, %get3A_30] : memref<1x32xf32, #tpu.memory_space<vmem>>, vector<1x32xf32>
    %add3A_32 = vector.broadcast %get3A_31 : vector<1x32xf32> to vector<10000x32xf32>
    %add3A_33 = arith.addf %add3A_28, %add3A_32 : vector<10000x32xf32>
    %reduce_sum3A = arith.constant dense<0.000000e+00> : vector<32xf32>
    %reduce_sum3A_34 = vector.multi_reduction <add>, %add3A_33, %reduce_sum3A [0] : vector<10000x32xf32> to vector<32xf32>
    %broadcast_in_dim3A = vector.shape_cast %reduce_sum3A_34 : vector<32xf32> to vector<1x32xf32>
    %div3A = arith.constant 1.000000e+04 : f32
    %div3A_35 = vector.broadcast %div3A : f32 to vector<1x32xf32>
    %div3A_36 = arith.divf %broadcast_in_dim3A, %div3A_35 : vector<1x32xf32>
    %mul3A = arith.mulf %add3A_33, %add3A_33 : vector<10000x32xf32>
    %reduce_sum3A_37 = arith.constant dense<0.000000e+00> : vector<32xf32>
    %reduce_sum3A_38 = vector.multi_reduction <add>, %mul3A, %reduce_sum3A_37 [0] : vector<10000x32xf32> to vector<32xf32>
    %broadcast_in_dim3A_39 = vector.shape_cast %reduce_sum3A_38 : vector<32xf32> to vector<1x32xf32>
    %div3A_40 = arith.constant 1.000000e+04 : f32
    %div3A_41 = vector.broadcast %div3A_40 : f32 to vector<1x32xf32>
    %div3A_42 = arith.divf %broadcast_in_dim3A_39, %div3A_41 : vector<1x32xf32>
    %mul3A_43 = arith.mulf %div3A_36, %div3A_36 : vector<1x32xf32>
    %sub3A = arith.subf %div3A_42, %mul3A_43 : vector<1x32xf32>
    %sub3A_44 = vector.broadcast %div3A_36 : vector<1x32xf32> to vector<10000x32xf32>
    %sub3A_45 = arith.subf %add3A_33, %sub3A_44 : vector<10000x32xf32>
    %add3A_46 = arith.constant 9.99999974E-6 : f32
    %add3A_47 = vector.broadcast %add3A_46 : f32 to vector<1x32xf32>
    %add3A_48 = arith.addf %sub3A, %add3A_47 : vector<1x32xf32>
    %rsqrt3A = math.rsqrt %add3A_48 : vector<1x32xf32>
    %mul3A_49 = arith.constant 5.000000e-01 : f32
    %mul3A_50 = vector.broadcast %mul3A_49 : f32 to vector<1x32xf32>
    %mul3A_51 = arith.mulf %mul3A_50, %add3A_48 : vector<1x32xf32>
    %mul3A_52 = arith.mulf %mul3A_51, %rsqrt3A : vector<1x32xf32>
    %mul3A_53 = arith.mulf %mul3A_52, %rsqrt3A : vector<1x32xf32>
    %sub3A_54 = arith.constant 1.500000e+00 : f32
    %sub3A_55 = vector.broadcast %sub3A_54 : f32 to vector<1x32xf32>
    %sub3A_56 = arith.subf %sub3A_55, %mul3A_53 : vector<1x32xf32>
    %mul3A_57 = arith.mulf %rsqrt3A, %sub3A_56 : vector<1x32xf32>
    %mul3A_58 = vector.broadcast %mul3A_57 : vector<1x32xf32> to vector<10000x32xf32>
    %mul3A_59 = arith.mulf %sub3A_45, %mul3A_58 : vector<10000x32xf32>
    %get3A_60 = arith.constant 0 : index
    %get3A_61 = arith.constant 0 : index
    %get3A_62 = vector.load %arg6[%get3A_60, %get3A_61] : memref<1x32xf32, #tpu.memory_space<vmem>>, vector<1x32xf32>
    %mul3A_63 = vector.broadcast %get3A_62 : vector<1x32xf32> to vector<10000x32xf32>
    %mul3A_64 = arith.mulf %mul3A_59, %mul3A_63 : vector<10000x32xf32>
    %get3A_65 = arith.constant 0 : index
    %get3A_66 = arith.constant 0 : index
    %get3A_67 = vector.load %arg7[%get3A_65, %get3A_66] : memref<1x32xf32, #tpu.memory_space<vmem>>, vector<1x32xf32>
    %add3A_68 = vector.broadcast %get3A_67 : vector<1x32xf32> to vector<10000x32xf32>
    %add3A_69 = arith.addf %mul3A_64, %add3A_68 : vector<10000x32xf32>
    %gt3A = arith.constant 0.000000e+00 : f32
    %gt3A_70 = vector.broadcast %gt3A : f32 to vector<10000x32xf32>
    %gt3A_71 = arith.cmpf ogt, %add3A_69, %gt3A_70 : vector<10000x32xf32>
    %mul3A_72 = arith.constant 0.00999999977 : f32
    %mul3A_73 = vector.broadcast %mul3A_72 : f32 to vector<10000x32xf32>
    %mul3A_74 = arith.mulf %mul3A_73, %add3A_69 : vector<10000x32xf32>
    %select_n3A = arith.select %gt3A_71, %add3A_69, %mul3A_74 : vector<10000x32xi1>, vector<10000x32xf32>
    %get3A_75 = arith.constant 0 : index
    %get3A_76 = arith.constant 0 : index
    %get3A_77 = vector.load %arg8[%get3A_75, %get3A_76] : memref<32x32xf32, #tpu.memory_space<vmem>>, vector<32x32xf32>
    %dot_general3A_78 = arith.constant dense<0.000000e+00> : vector<10000x32xf32>
    %dot_general3A_79 = tpu.matmul %select_n3A, %get3A_77, %dot_general3A_78 {dimension_numbers = #tpu.dot_dimension_numbers<[1], [0], [0], [1], [0, 0, 1, 1], [], []>, transpose_lhs_hint = false} : vector<10000x32xf32>, vector<32x32xf32>, vector<10000x32xf32> -> vector<10000x32xf32>
    %swap3A_80 = arith.constant 0 : index
    %swap3A_81 = arith.constant 0 : index
    %swap3A_82 = vector.load %arg10[%swap3A_80, %swap3A_81] : memref<10000x32xf32, #tpu.memory_space<vmem>>, vector<10000x32xf32>
    tpu.vector_store %arg10[%swap3A_80, %swap3A_81], %dot_general3A_79 {strides = array<i32>} : memref<10000x32xf32, #tpu.memory_space<vmem>>, vector<10000x32xf32>,
    %get3A_83 = arith.constant 0 : index
    %get3A_84 = arith.constant 0 : index
    %get3A_85 = vector.load %arg10[%get3A_83, %get3A_84] : memref<10000x32xf32, #tpu.memory_space<vmem>>, vector<10000x32xf32>
    %get3A_86 = arith.constant 0 : index
    %get3A_87 = arith.constant 0 : index
    %get3A_88 = vector.load %arg9[%get3A_86, %get3A_87] : memref<1x32xf32, #tpu.memory_space<vmem>>, vector<1x32xf32>
    %add3A_89 = vector.broadcast %get3A_88 : vector<1x32xf32> to vector<10000x32xf32>
    %add3A_90 = arith.addf %get3A_85, %add3A_89 : vector<10000x32xf32>
    %swap3A_91 = arith.constant 0 : index
    %swap3A_92 = arith.constant 0 : index
    %swap3A_93 = vector.load %arg10[%swap3A_91, %swap3A_92] : memref<10000x32xf32, #tpu.memory_space<vmem>>, vector<10000x32xf32>
    tpu.vector_store %arg10[%swap3A_91, %swap3A_92], %add3A_90 {strides = array<i32>} : memref<10000x32xf32, #tpu.memory_space<vmem>>, vector<10000x32xf32>,
    return
  }
}

module attributes {stable_mosaic.version = 14 : i64} {
  func.func @_out_body(%arg0: memref<10000x32xf32, #tpu.memory_space<vmem>>, %arg1: memref<32x128xf32, #tpu.memory_space<vmem>>, %arg2: memref<1x128xf32, #tpu.memory_space<vmem>>, %arg3: memref<10000x128xf32, #tpu.memory_space<vmem>>) attributes {dimension_semantics = [], scalar_prefetch = 0 : i64, scratch_operands = 0 : i64, tpu.core_type = #tpu.core_type<tc>} {
    %get3A = arith.constant 0 : index
    %get3A_0 = arith.constant 0 : index
    %get3A_1 = vector.load %arg0[%get3A, %get3A_0] : memref<10000x32xf32, #tpu.memory_space<vmem>>, vector<10000x32xf32>
    %get3A_2 = arith.constant 0 : index
    %get3A_3 = arith.constant 0 : index
    %get3A_4 = vector.load %arg1[%get3A_2, %get3A_3] : memref<32x128xf32, #tpu.memory_space<vmem>>, vector<32x128xf32>
    %dot_general3A = arith.constant dense<0.000000e+00> : vector<10000x128xf32>
    %dot_general3A_5 = tpu.matmul %get3A_1, %get3A_4, %dot_general3A {dimension_numbers = #tpu.dot_dimension_numbers<[1], [0], [0], [1], [0, 0, 1, 1], [], []>, transpose_lhs_hint = false} : vector<10000x32xf32>, vector<32x128xf32>, vector<10000x128xf32> -> vector<10000x128xf32>
    %get3A_6 = arith.constant 0 : index
    %get3A_7 = arith.constant 0 : index
    %get3A_8 = vector.load %arg2[%get3A_6, %get3A_7] : memref<1x128xf32, #tpu.memory_space<vmem>>, vector<1x128xf32>
    %add3A = vector.broadcast %get3A_8 : vector<1x128xf32> to vector<10000x128xf32>
    %add3A_9 = arith.addf %dot_general3A_5, %add3A : vector<10000x128xf32>
    %swap3A = arith.constant 0 : index
    %swap3A_10 = arith.constant 0 : index
    %swap3A_11 = vector.load %arg3[%swap3A, %swap3A_10] : memref<10000x128xf32, #tpu.memory_space<vmem>>, vector<10000x128xf32>
    tpu.vector_store %arg3[%swap3A, %swap3A_10], %add3A_9 {strides = array<i32>} : memref<10000x128xf32, #tpu.memory_space<vmem>>, vector<10000x128xf32>,
    return
  }
}

</mosaic_0001>

<sc_bundles>
// kernel: kernel.14.cloned.1.call-start
scs
__scs_entry_jumppad:
0x0: {  	(pc) =	sbr.rel $0x88, $3  }
0x1: {  	(tag) =	ssettag $0x0;
	lr =	simm.s32 $0x1  }
0x2: {  	[smem:$0x3F7A] =	sst lr;
	_ =	strace $0xD0000000  }
0x3: {  	_ = 	snop  }
0x4: {  	_ = 	snop  }
0x5: {  	_ = 	snop  }
0x6: {  	_ = 	snop  }
0x7: {  	_ = 	snop  }
__scs_overlays_trampoline_lowered:
0x8: {  	[smem:$0x3F89] =	sst s0  }
0x9: {  	[smem:$0x3F8A] =	sst s1  }
0xa: {  	[smem:$0x3F8B] =	sst s2  }
0xb: {  	[smem:$0x3F8C] =	sst s3  }
0xc: {  	[smem:$0x3F8D] =	sst s4  }
0xd: {  	[smem:$0x3F8E] =	sst s5  }
0xe: {  	[smem:$0x3F8F] =	sst s6  }
0xf: {  	[smem:$0x3F90] =	sst s7  }
0x10: {  	[smem:$0x3F91] =	sst s8  }
0x11: {  	[smem:$0x3F92] =	sst s9;
	s0 =	simm.s32 @!p0 $0x0  }
0x12: {  	s1 =	sld [smem:$0x3F78];
	s0 =	simm.s32 @p0 $0x1  }
0x13: {  	[smem:$0x3F93] =	sst s0;
	s0 =	simm.s32 @!p1 $0x0  }
0x14: {  	s2 =	sld [smem:$0x3F77];
	s0 =	simm.s32 @p1 $0x1  }
0x15: {  	[smem:$0x3F94] =	sst s0;
	s0 =	simm.s32 @!p2 $0x0  }
0x16: {  	s3 =	sld [smem:$0x3FDB];
	s0 =	simm.s32 @p2 $0x1  }
0x17: {  	s4 =	simm.s32 $0x1BF5;
	[smem:$0x3F96] =	sst s0  }
0x18: {  	s0 =	sld [smem:$0x3F79];
	_ =	swait.ge [sflag:s4], $0x0  }
0x19: {  	s7 =	sld [smem:$0x3F7A]  }
0x1a: {  	s8 =	sadd.s32 $0xFFFFE003, lr  }
0x1b: {  	s9 =	sadd.s32 $0xFFFFFEF7, lr;
	s5 =	simm.s32 $0xFFFFFFFF;
	p2 =	slt.u32 s8, $0xFFFFF086  }
0x1c: {  	p1 =	slt.u32 s9, $0xF7A;
	s5 =	simm.s32 @!p2 $0x0  }
0x1d: {  	s5 =	simm.s32 @p1 $0x1;
	p0 =	seq.s32 s7, s2  }
0x1e: {  	s7 =	smul.u32 @!p0 $0xF7A, s2;
	p2 =	seq.s32 @!p0 s5, $0x0  }
0x1f: {  	s9 =	smul.u32 $0xF7A, s1;
	s8 =	simm.s32 @!p0 $0x1BF5;
	p2 =	por !p2, p0  }
0x20: {  	[sflag:s8] =	ssyncset.s32 @!p0 $0xFFFFF086;
	s6 =	sadd.s32 @!p0 s3, s7;
	s7 =	simm.s32 @!p0 $0x108  }
0x21: {  	s3 =	sadd.s32 s3, s9;
	s6 =	sadd.s32 @!p0 $0x88, s6;
	s7 =	simm.s32 @p2 $0x1082  }
0x22: {  	[simem:s7], [sflag:s8] =	dma.local @!p0 [hbm:s6], $0xF7A  }
0x23: {  	s9 =	sor.u32 $0xD0000000, s2;
	s6 =	simm.s32 $0x108;
	_ =	swait.ge @!p0 [sflag:s8], $0x0  }
0x24: {  	s3 =	sadd.s32 $0x88, s3;
	s6 =	simm.s32 @!p1 $0x1082;
	[sflag:s4] =	ssyncset.s32 $0xFFFFF086  }
0x25: {  	[simem:s6], [sflag:s4] =	dma.local [hbm:s3], $0xF7A  }
0x26: {  	[smem:$0x3F7A] =	sst s1;
	(tag) =	ssettag s2;
	_ =	strace s9  }
0x27: {  	s1 =	sld [smem:$0x3F8A]  }
0x28: {  	s2 =	sld [smem:$0x3F8B]  }
0x29: {  	s4 =	sld [smem:$0x3F8D]  }
0x2a: {  	p0 =	seq.s32 s5, $0x0;
	s5 =	sld [smem:$0x3F8E]  }
0x2b: {  	s6 =	sld [smem:$0x3F8F]  }
0x2c: {  	s7 =	sld [smem:$0x3F90]  }
0x2d: {  	s3 =	simm.s32 $0x108;
	s8 =	sld [smem:$0x3F91]  }
0x2e: {  	s3 =	simm.s32 @!p0 $0x1082;
	s9 =	sld [smem:$0x3F92]  }
0x2f: {  	lr =	sadd.s32 s0, s3;
	s0 =	sld [smem:$0x3F89]  }
0x30: {  	s3 =	sld [smem:$0x3F8C]  }
0x31: {  	[smem:$0x3F95] =	sst s10  }
0x32: {  	s10 =	sld [smem:$0x3F93];
	_ =	sdelay $0x3  }
0x33: {  	p0 =	seq.s32 s10, $0x1;
	s10 =	sld [smem:$0x3F95];
	_ =	sdelay $0x3  }
0x34: {  	[smem:$0x3F95] =	sst s10  }
0x35: {  	s10 =	sld [smem:$0x3F94];
	_ =	sdelay $0x3  }
0x36: {  	p1 =	seq.s32 s10, $0x1;
	s10 =	sld [smem:$0x3F95];
	_ =	sdelay $0x3  }
0x37: {  	[smem:$0x3F95] =	sst s10  }
0x38: {  	s10 =	sld [smem:$0x3F96]  }
0x39: {  	_ = 	snop;
	(pc) =	sbr.ind lr, $3  }
0x3a: {  	_ = 	snop  }
0x3b: {  	_ = 	snop  }
0x3c: {  	p2 =	seq.s32 s10, $0x1;
	s10 =	sld [smem:$0x3F95]  }
0x3d: {  	_ =	shalt  }
0x3e: {  	_ =	shalt  }
0x3f: {  	_ =	shalt  }
0x40: {  	_ =	shalt  }
0x41: {  	_ =	shalt  }
0x42: {  	_ =	shalt  }
0x43: {  	_ =	shalt  }
0x44: {  	_ =	shalt  }
0x45: {  	_ =	shalt  }
0x46: {  	_ =	shalt  }
0x47: {  	_ =	shalt  }
0x48: {  	_ =	shalt  }
0x49: {  	_ =	shalt  }
0x4a: {  	_ =	shalt  }
0x4b: {  	_ =	shalt  }
0x4c: {  	_ =	shalt  }
0x4d: {  	_ =	shalt  }
0x4e: {  	_ =	shalt  }
0x4f: {  	_ =	shalt  }
0x50: {  	_ =	shalt  }
0x51: {  	_ =	shalt  }
0x52: {  	_ =	shalt  }
0x53: {  	_ =	shalt  }
0x54: {  	_ =	shalt  }
0x55: {  	_ =	shalt  }
0x56: {  	_ =	shalt  }
0x57: {  	_ =	shalt  }
0x58: {  	_ =	shalt  }
0x59: {  	_ =	shalt  }
0x5a: {  	_ =	shalt  }
0x5b: {  	_ =	shalt  }
0x5c: {  	_ =	shalt  }
0x5d: {  	_ =	shalt  }
0x5e: {  	_ =	shalt  }
0x5f: {  	_ =	shalt  }
0x60: {  	_ =	shalt  }
0x61: {  	_ =	shalt  }
0x62: {  	_ =	shalt  }
0x63: {  	_ =	shalt  }
0x64: {  	_ =	shalt  }
0x65: {  	_ =	shalt  }
0x66: {  	_ =	shalt  }
0x67: {  	_ =	shalt  }
0x68: {  	_ =	shalt  }
0x69: {  	_ =	shalt  }
0x6a: {  	_ =	shalt  }
0x6b: {  	_ =	shalt  }
0x6c: {  	_ =	shalt  }
0x6d: {  	_ =	shalt  }
0x6e: {  	_ =	shalt  }
0x6f: {  	_ =	shalt  }
0x70: {  	_ =	shalt  }
0x71: {  	_ =	shalt  }
0x72: {  	_ =	shalt  }
0x73: {  	_ =	shalt  }
0x74: {  	_ =	shalt  }
0x75: {  	_ =	shalt  }
0x76: {  	_ =	shalt  }
0x77: {  	_ =	shalt  }
0x78: {  	_ =	shalt  }
0x79: {  	_ =	shalt  }
0x7a: {  	_ =	shalt  }
0x7b: {  	_ =	shalt  }
0x7c: {  	_ =	shalt  }
0x7d: {  	_ =	shalt  }
0x7e: {  	_ =	shalt  }
0x7f: {  	_ =	shalt  }
0x80: {  	_ =	shalt  }
0x81: {  	_ =	shalt  }
0x82: {  	_ =	shalt  }
0x83: {  	_ =	shalt  }
0x84: {  	_ =	shalt  }
0x85: {  	_ =	shalt  }
0x86: {  	_ =	shalt  }
0x87: {  	_ =	shalt  }
.Lfunc_end0:
.L_simem_size_0:
called_computation_lowered:
.L_overlay_start_0:
0x88: {  	s2 =	sld [smem:$0x3FD9]  }
0x89: {  	s3 =	sld [smem:$0x3FFE];
	_ =	sdelay $0x1  }
0x8a: {  	s1 =	srdreg.scid  }
0x8b: {  	s0 =	sand.u32 $0x1, s1  }
0x8c: {  	s16 =	sshll.u32 s0, $0xA;
	s2 =	sadd.s32 s3, s2  }
0x8d: {  	s2 =	sadd.s32 s2, s16  }
0x8e: {  	[smem:$0x3FA1] =	sst s2  }
0x8f: {  	_ = 	snop  }
0x90: {  	(tm) =	ssettm $0x1  }
0x91: {  	s17 =	sld [smem:$0x3FFB];
	_ =	sdelay $0x3  }
0x92: {  	_ =	strace s17  }
0x93: {  	s2 =	sld [smem:$0x3FFC];
	_ =	sdelay $0x3  }
0x94: {  	_ =	strace s2  }
0x95: {  	s2 =	sld [smem:$0x3FFD];
	_ =	sdelay $0x3  }
0x96: {  	_ =	strace s2  }
0x97: {  	_ =	strace $0x8FFFFFFF  }
0x98: {  	s18 =	sld [smem:$0x3FDB];
	_ =	sdelay $0x1  }
0x99: {  	s19 =	simm.s32 $_scs_section_size  }
0x9a: {  	s4 =	simm.s32 $_size__tile_overlayer_lowered;
	s5 =	simm.s32 $_tile_overlayer_lowered  }
0x9b: {  	s22 =	simm.s32 $0x1BFF;
	s21 =	sshll.u32 s5, $0x1;
	s2 =	sadd.s32 s19, s18  }
0x9c: {  	s6 =	simm.s32 $0x0;
	s20 =	sshll.u32 s4, $0x1;
	s4 =	sadd.s32 s21, s2  }
0x9d: {  	[timem:s6], [sflag:s22] =	dma.local [hbm:s4], s20  }
0x9e: {  	_ =	swait.ge [sflag:s22], s20  }
0x9f: {  	s3 =	ssub.s32 $0x0, s20;
	[sflag:s22] =	ssyncset.done $0x0  }
0xa0: {  	[sflag:s22] =	ssyncadd.s32 s3;
	_ =	sdelay $0x1  }
0xa1: {  	s23 =	simm.s32 $0x1B8B  }
0xa2: {  	_ =	swait.ge [sflag:s23], $0x1  }
0xa3: {  	[sflag:s23] =	ssyncset.done $0x0  }
0xa4: {  	s25 =	simm.s32 $0x1B8E;
	s24 =	sld [smem:$0x3FFE];
	[sflag:s23] =	ssyncadd.s32 $0xFFFFFFFF  }
0xa5: {  	s26 =	simm.s32 $execute0_lowered;
	[smem:$0x3FD2] =	sst s25  }
0xa6: {  	s4 =	sshll.u32 s26, $0x1;
	_ =	strace $0x80000046;
	[dreg:$0x1] =	wrdreg $0xFFFFFFFF  }
0xa7: {  	s28 =	simm.s32 $_size_execute0_lowered;
	s2 =	sadd.s32 s2, s4;
	[dreg:$0x0] =	wrdreg $0x0  }
0xa8: {  	s4 =	sshll.u32 s28, $0x1;
	[dreg:$0x2] =	wrdreg s2  }
0xa9: {  	[dreg:$0x3] =	wrdreg s4  }
0xaa: {  	[dreg:$0x4] =	wrdreg $0xC0  }
0xab: {  	_ =	task [dreg:s6], $0x5FFFF  }
0xac: {  	[dreg:$0x1] =	wrdreg $0xFFFFFFFF  }
0xad: {  	[dreg:$0x0] =	wrdreg $0x60  }
0xae: {  	[dreg:$0x2] =	wrdreg s24  }
0xaf: {  	[dreg:$0x3] =	wrdreg $0x9  }
0xb0: {  	_ =	task.clear_ibuf [dreg:s6], $0x4FFFF;
	_ =	strace $0x90000046  }
0xb1: {  	s29 =	simm.s32 $0x9;
	_ =	strace $0x80000048  }
0xb2: {  	_ =	swait.ge [sflag:s29], $0x1  }
0xb3: {  	[sflag:s29] =	ssyncadd.s32 $0xFFFFFFFF  }
0xb4: {  	_ =	strace $0x90000048  }
0xb5: {  	_ =	sfence  }
0xb6: {  	s30 =	sld [smem:$0x0];
	_ =	sdelay $0x2  }
0xb7: {  	s31 =	sshll.u32 s1, $0xD;
	s1 =	sshrl.u32 s1, $0x2  }
0xb8: {  	s3 =	sand.u32 $0x4000, s31;
	s1 =	sadd.s32 s1, s30  }
0xb9: {  	s0 =	sor.u32 s3, s0;
	s1 =	sshll.u32 s1, $0x11  }
0xba: {  	s0 =	sor.u32 s1, s0  }
0xbb: {  	s0 =	sadd.s32 $0x8F2B, s0  }
0xbc: {  	[sflag:s0] =	ssyncadd.remote.s32 $0x1  }
0xbd: {  	_ =	sfence.sel $0xFFFF  }
0xbe: {  	[dreg:$0x0] =	wrdreg $0xFFFFFFFF;
	(pc) =	sbr.abs _section_cstart, $3  }
0xbf: {  	[dreg:$0x1] =	wrdreg $0xFFFFFFFF  }
0xc0: {  	_ =	task.clear_ibuf [dreg:s6], $0x2FFFF;
	_ =	strace $0x9FFFFFFF  }
0xc1: {  	(tm) =	ssettm $0x7FFFFFFF  }
tec
execute0_lowered:
.L_overlay_start_1:
0x0: {  	(tag) =	ssettag $0x1  }
0x1: {  	s0 =	srdreg.scid;
	s9 =	stileid.u32  }
0x2: {  	s1 =	rddreg [dreg:$0x0];
	s2 =	simm.s32 $0x0;
	s16 =	simm.s32 $0x9  }
0x3: {  	s17 =	simm.s32 $0x2710;
	s18 =	simm.s32 $0x50;
	s28 =	simm.s32 $0x80  }
0x4: {  	s29 =	simm.s32 $0x3;
	s30 =	simm.s32 $0x4;
	s31 =	simm.s32 $0x5  }
0x5: {  	s0 =	sand.u32 $0x1, s0;
	s3 =	sshll.u32 s9, $0x1;
	[smem:$0x7FF] =	sst s2  }
0x6: {  	s8 =	sadd.s32 $0x4FC00, s1;
	s25 =	smul.u32 $0x4E200, s9;
	s4 =	sor.u32 s0, s3  }
0x7: {  	_ =	strace $0x80000047;
	s3 =	sadd.s32 $0x41000, s1;
	s13 =	smul.u32 $0x27100, s0  }
0x8: {  	s6 =	ssub.s32 $0x2, s0;
	s0 =	simm.s32 $0x7;
	s5 =	smul.u32 $0x4E2, s4  }
0x9: {  	s7 =	sshrl.u32 s6, $0x1;
	s4 =	smul.u32 $0x27100, s4;
	s14 =	sadd.s32 s25, s8  }
0xa: {  	s6 =	ssub.s32 s6, s7;
	s5 =	sadd.s32 s5, s1;
	s1 =	sadd.s32 $0x531C00, s1  }
0xb: {  	s20 =	sadd.s32 $0x26C00, s4;
	s22 =	smax.u32 s6, $0x1;
	s23 =	sadd.s32 s8, s4  }
0xc: {  	s24 =	sadd.s32 $0x500, s4;
	s19 =	sadd.s32 $0xF800, s5;
	[dreg:$0x6] =	wrdreg s22  }
0xd: {  	s5 =	sadd.s32 $0x5A00, s5;
	s21 =	sadd.s32 s8, s20;
	[dreg:$0x7] =	wrdreg s23  }
0xe: {  	s4 =	sadd.s32 s1, s4;
	s26 =	sadd.s32 s8, s24;
	[dreg:$0x2] =	wrdreg s19  }
0xf: {  	s12 =	sadd.s32 s1, s24;
	s15 =	sadd.s32 s25, s1;
	[dreg:$0x3] =	wrdreg s5  }
0x10: {  	s22 =	simm.s32 $0x2;
	s23 =	simm.s32 $0x6C20;
	[dreg:$0x4] =	wrdreg s21  }
0x11: {  	s25 =	simm.s32 $0x7B20;
	s24 =	simm.s32 $0x8;
	[dreg:$0x8] =	wrdreg s4  }
0x12: {  	s5 =	sadd.s32 s1, s20;
	[dreg:$0x9] =	wrdreg s26;
	s19 =	simm.s32 $0x4E20  }
0x13: {  	s20 =	simm.s32 $0x5D20;
	s21 =	simm.s32 $0x1;
	s26 =	simm.s32 $0x30  }
0x14: {  	s1 =	simm.s32 $0x6;
	s4 =	simm.s32 $0x0;
	[dreg:$0x5] =	wrdreg s5  }
.LBB2_1:
0x15: {  	s5 =	rddreg [dreg:$0x2]  }
0x16: {  	[tilespmem:s2], [sflag:$0x9] =	stream.linear.gather [hbm4b:s5+s2], $0x2710, $0x38;
	[tilespmem:$0x8A20] =	vst v63  }
0x17: {  	_ =	swait.ge [sflag:s16], $0x2710  }
0x18: {  	[sflag:s16] =	ssyncset.done $0x0  }
0x19: {  	s8 =	rddreg [dreg:$0x3];
	[sflag:s16] =	ssyncadd.s32 $0xFFFFD8F0  }
0x1a: {  	[tilespmem:s17], [sflag:$0x9] =	stream.linear.gather [hbm4b:s8+s2], $0x2710, $0x38;
	[tilespmem:$0x8A20] =	vst v63  }
0x1b: {  	_ =	swait.ge [sflag:s16], $0x2710  }
0x1c: {  	[sflag:s16] =	ssyncset.done $0x0  }
0x1d: {  	[sflag:s16] =	ssyncadd.s32 $0xFFFFD8F0  }
0x1e: {  	[tilespmem:s19], [sflag:$0x1] =	stream.indirect.gather [hbm4b:s3+s18], $0x30, s2, s18, $0xb8;
	[tilespmem:$0x8A20] =	vst v63  }
0x1f: {  	_ = 	snop  }
0x20: {  	[tilespmem:s20], [sflag:$0x2] =	stream.indirect.gather [hbm4b:s3+s18], $0x30, s17, s18, $0xb8;
	[tilespmem:$0x8A20] =	vst v63  }
0x21: {  	_ =	swait.ge [sflag:s21], $0xF00  }
0x22: {  	[sflag:s21] =	ssyncset.done $0x0  }
0x23: {  	[sflag:s21] =	ssyncadd.s32 $0xFFFFF100  }
0x24: {  	_ =	swait.ge [sflag:s22], $0xF00  }
0x25: {  	[sflag:s22] =	ssyncset.done $0x0  }
0x26: {  	[sflag:s22] =	ssyncadd.s32 $0xFFFFF100  }
0x27: {  	[tilespmem:s23], [sflag:$0x3] =	stream.indirect.gather [hbm4b:s3+s18], $0x30, s18, s18, $0xb8;
	[tilespmem:$0x8A20] =	vst v63  }
0x28: {  	s9 =	simm.s32 $0x2760  }
0x29: {  	[tilespmem:s25], [sflag:$0x4] =	stream.indirect.gather [hbm4b:s3+s18], $0x30, s9, s18, $0xb8;
	[tilespmem:$0x8A20] =	vst v63  }
0x2a: {  	s10 =	rddreg [dreg:$0x7]  }
0x2b: {  	[hbm4b:s10+s26] =	stream.strided.scatter [tilespmem:s19], [sflag:$0x5], $0xF00, s28, s26, $0x38;
	[tilespmem:$0x8A20] =	vst v63  }
0x2c: {  	s11 =	rddreg [dreg:$0x8]  }
0x2d: {  	[hbm4b:s11+s26] =	stream.strided.scatter [tilespmem:s20], [sflag:$0x6], $0xF00, s28, s26, $0x38;
	[tilespmem:$0x8A20] =	vst v63  }
0x2e: {  	_ =	swait.ge [sflag:s29], $0xF00  }
0x2f: {  	[sflag:s29] =	ssyncset.done $0x0  }
0x30: {  	[sflag:s29] =	ssyncadd.s32 $0xFFFFF100  }
0x31: {  	_ =	swait.ge [sflag:s30], $0xF00  }
0x32: {  	[sflag:s30] =	ssyncset.done $0x0  }
0x33: {  	[sflag:s30] =	ssyncadd.s32 $0xFFFFF100  }
0x34: {  	_ =	swait.ge [sflag:s31], $0xF00  }
0x35: {  	[sflag:s31] =	ssyncset.done $0x0  }
0x36: {  	[sflag:s31] =	ssyncadd.s32 $0xFFFFF100  }
0x37: {  	_ =	swait.ge [sflag:s1], $0xF00  }
0x38: {  	[sflag:s1] =	ssyncset.done $0x0  }
0x39: {  	s6 =	rddreg [dreg:$0x9];
	[sflag:s1] =	ssyncadd.s32 $0xFFFFF100  }
0x3a: {  	[hbm4b:s6+s26] =	stream.strided.scatter [tilespmem:s23], [sflag:$0x7], $0xF00, s28, s26, $0x38;
	[tilespmem:$0x8A20] =	vst v63  }
0x3b: {  	_ = 	snop  }
0x3c: {  	[hbm4b:s12+s26] =	stream.strided.scatter [tilespmem:s25], [sflag:$0x8], $0xF00, s28, s26, $0x38;
	[tilespmem:$0x8A20] =	vst v63  }
0x3d: {  	s7 =	simm.s32 $0xA0  }
0x3e: {  	[tilespmem:s19], [sflag:$0x1] =	stream.indirect.gather [hbm4b:s3+s18], $0x30, s7, s18, $0xb8;
	[tilespmem:$0x8A20] =	vst v63  }
0x3f: {  	s8 =	simm.s32 $0x27B0  }
0x40: {  	[tilespmem:s20], [sflag:$0x2] =	stream.indirect.gather [hbm4b:s3+s18], $0x30, s8, s18, $0xb8;
	[tilespmem:$0x8A20] =	vst v63  }
0x41: {  	_ =	swait.ge [sflag:s0], $0xF00  }
0x42: {  	[sflag:s0] =	ssyncset.done $0x0  }
0x43: {  	[sflag:s0] =	ssyncadd.s32 $0xFFFFF100  }
0x44: {  	_ =	swait.ge [sflag:s24], $0xF00  }
0x45: {  	[sflag:s24] =	ssyncset.done $0x0  }
0x46: {  	[sflag:s24] =	ssyncadd.s32 $0xFFFFF100  }
0x47: {  	_ =	swait.ge [sflag:s21], $0xF00  }
0x48: {  	[sflag:s21] =	ssyncset.done $0x0  }
0x49: {  	[sflag:s21] =	ssyncadd.s32 $0xFFFFF100  }
0x4a: {  	_ =	swait.ge [sflag:s22], $0xF00  }
0x4b: {  	[sflag:s22] =	ssyncset.done $0x0  }
0x4c: {  	s9 =	simm.s32 $0xF0;
	[sflag:s22] =	ssyncadd.s32 $0xFFFFF100  }
0x4d: {  	[tilespmem:s23], [sflag:$0x3] =	stream.indirect.gather [hbm4b:s3+s18], $0x30, s9, s18, $0xb8;
	[tilespmem:$0x8A20] =	vst v63  }
0x4e: {  	s10 =	simm.s32 $0x2800;
	s6 =	sadd.s32 s14, s13  }
0x4f: {  	[tilespmem:s25], [sflag:$0x4] =	stream.indirect.gather [hbm4b:s3+s18], $0x30, s10, s18, $0xb8;
	[tilespmem:$0x8A20] =	vst v63  }
0x50: {  	s11 =	sadd.s32 $0xA00, s6;
	s7 =	sadd.s32 s15, s13  }
0x51: {  	[hbm4b:s11+s26] =	stream.strided.scatter [tilespmem:s19], [sflag:$0x5], $0xF00, s28, s26, $0x38;
	[tilespmem:$0x8A20] =	vst v63  }
0x52: {  	s8 =	sadd.s32 $0xA00, s7  }
0x53: {  	[hbm4b:s8+s26] =	stream.strided.scatter [tilespmem:s20], [sflag:$0x6], $0xF00, s28, s26, $0x38;
	[tilespmem:$0x8A20] =	vst v63  }
0x54: {  	_ =	swait.ge [sflag:s29], $0xF00  }
0x55: {  	[sflag:s29] =	ssyncset.done $0x0  }
0x56: {  	[sflag:s29] =	ssyncadd.s32 $0xFFFFF100  }
0x57: {  	_ =	swait.ge [sflag:s30], $0xF00  }
0x58: {  	[sflag:s30] =	ssyncset.done $0x0  }
0x59: {  	[sflag:s30] =	ssyncadd.s32 $0xFFFFF100  }
0x5a: {  	_ =	swait.ge [sflag:s31], $0xF00  }
0x5b: {  	[sflag:s31] =	ssyncset.done $0x0  }
0x5c: {  	[sflag:s31] =	ssyncadd.s32 $0xFFFFF100  }
0x5d: {  	_ =	swait.ge [sflag:s1], $0xF00  }
0x5e: {  	[sflag:s1] =	ssyncset.done $0x0  }
0x5f: {  	s9 =	sadd.s32 $0xF00, s6;
	[sflag:s1] =	ssyncadd.s32 $0xFFFFF100  }
0x60: {  	[hbm4b:s9+s26] =	stream.strided.scatter [tilespmem:s23], [sflag:$0x7], $0xF00, s28, s26, $0x38;
	[tilespmem:$0x8A20] =	vst v63  }
0x61: {  	s5 =	simm.s32 $0x280;
	s6 =	sadd.s32 $0xA00, s14;
	s10 =	sadd.s32 $0xF00, s7  }
0x62: {  	[hbm4b:s10+s26] =	stream.strided.scatter [tilespmem:s25], [sflag:$0x8], $0xF00, s28, s26, $0x38;
	[tilespmem:$0x8A20] =	vst v63  }
0x63: {  	s7 =	sadd.s32 $0xA00, s15;
	s11 =	simm.s32 $0x140;
	s8 =	simm.s32 $0x2850  }
0x64: {  	[tilespmem:s19], [sflag:$0x1] =	stream.indirect.gather [hbm4b:s3+s18], $0x30, s11, s18, $0xb8;
	[tilespmem:$0x8A20] =	vst v63  }
.LBB2_2:
0x65: {  	[tilespmem:s20], [sflag:$0x2] =	stream.indirect.gather [hbm4b:s3+s18], $0x30, s8, s18, $0xb8;
	[tilespmem:$0x8A20] =	vst v63  }
0x66: {  	s8 =	smov.u32 s5  }
0x67: {  	p0 =	sne.s32 s5, $0x9600;
	s5 =	sadd.s32 $0x280, s5;
	_ =	swait.ge [sflag:s0], $0xF00  }
0x68: {  	[sflag:s0] =	ssyncset.done $0x0  }
0x69: {  	[sflag:s0] =	ssyncadd.s32 $0xFFFFF100  }
0x6a: {  	_ =	swait.ge [sflag:s24], $0xF00  }
0x6b: {  	[sflag:s24] =	ssyncset.done $0x0  }
0x6c: {  	[sflag:s24] =	ssyncadd.s32 $0xFFFFF100  }
0x6d: {  	_ =	swait.ge [sflag:s21], $0xF00  }
0x6e: {  	[sflag:s21] =	ssyncset.done $0x0  }
0x6f: {  	[sflag:s21] =	ssyncadd.s32 $0xFFFFF100  }
0x70: {  	_ =	swait.ge [sflag:s22], $0xF00  }
0x71: {  	s8 =	sshra.s32 s8, $0x2;
	[sflag:s22] =	ssyncset.done $0x0  }
0x72: {  	s9 =	sadd.s32 $0xF0, s8;
	[sflag:s22] =	ssyncadd.s32 $0xFFFFF100  }
0x73: {  	[tilespmem:s23], [sflag:$0x3] =	stream.indirect.gather [hbm4b:s3+s18], $0x30, s9, s18, $0xb8;
	[tilespmem:$0x8A20] =	vst v63  }
0x74: {  	s10 =	sadd.s32 s6, s13;
	s9 =	sadd.s32 $0x2800, s8  }
0x75: {  	[tilespmem:s25], [sflag:$0x4] =	stream.indirect.gather [hbm4b:s3+s18], $0x30, s9, s18, $0xb8;
	[tilespmem:$0x8A20] =	vst v63  }
0x76: {  	s11 =	sadd.s32 s7, s13;
	s9 =	sadd.s32 $0xA00, s10  }
0x77: {  	[hbm4b:s9+s26] =	stream.strided.scatter [tilespmem:s19], [sflag:$0x5], $0xF00, s28, s26, $0x38;
	[tilespmem:$0x8A20] =	vst v63  }
0x78: {  	s9 =	sadd.s32 $0xA00, s11  }
0x79: {  	[hbm4b:s9+s26] =	stream.strided.scatter [tilespmem:s20], [sflag:$0x6], $0xF00, s28, s26, $0x38;
	[tilespmem:$0x8A20] =	vst v63  }
0x7a: {  	_ =	swait.ge [sflag:s29], $0xF00  }
0x7b: {  	[sflag:s29] =	ssyncset.done $0x0  }
0x7c: {  	[sflag:s29] =	ssyncadd.s32 $0xFFFFF100  }
0x7d: {  	_ =	swait.ge [sflag:s30], $0xF00  }
0x7e: {  	[sflag:s30] =	ssyncset.done $0x0  }
0x7f: {  	[sflag:s30] =	ssyncadd.s32 $0xFFFFF100  }
0x80: {  	_ =	swait.ge [sflag:s31], $0xF00  }
0x81: {  	[sflag:s31] =	ssyncset.done $0x0  }
0x82: {  	[sflag:s31] =	ssyncadd.s32 $0xFFFFF100  }
0x83: {  	_ =	swait.ge [sflag:s1], $0xF00  }
0x84: {  	[sflag:s1] =	ssyncset.done $0x0  }
0x85: {  	s9 =	sadd.s32 $0xF00, s10;
	[sflag:s1] =	ssyncadd.s32 $0xFFFFF100  }
0x86: {  	[hbm4b:s9+s26] =	stream.strided.scatter [tilespmem:s23], [sflag:$0x7], $0xF00, s28, s26, $0x38;
	[tilespmem:$0x8A20] =	vst v63  }
.Ltmp0:
0x87: {  	s9 =	sadd.s32 $0xF00, s11;
	(pc) =	sbr.rel @p0 .LBB2_2-.Ltmp0, $4  }
0x88: {  	[hbm4b:s9+s26] =	stream.strided.scatter [tilespmem:s25], [sflag:$0x8], $0xF00, s28, s26, $0x38;
	[tilespmem:$0x8A20] =	vst v63  }
0x89: {  	s9 =	sadd.s32 $0x140, s8  }
0x8a: {  	[tilespmem:s19], [sflag:$0x1] =	stream.indirect.gather [hbm4b:s3+s18], $0x30, s9, s18, $0xb8;
	[tilespmem:$0x8A20] =	vst v63  }
0x8b: {  	s6 =	sadd.s32 $0xA00, s6;
	s7 =	sadd.s32 $0xA00, s7;
	s8 =	sadd.s32 $0x2850, s8  }
0x8c: {  	[tilespmem:s20], [sflag:$0x2] =	stream.indirect.gather [hbm4b:s3+s18], $0x30, s8, s18, $0xb8;
	[tilespmem:$0x8A20] =	vst v63  }
0x8d: {  	_ =	swait.ge [sflag:s0], $0xF00  }
0x8e: {  	[sflag:s0] =	ssyncset.done $0x0  }
0x8f: {  	[sflag:s0] =	ssyncadd.s32 $0xFFFFF100  }
0x90: {  	_ =	swait.ge [sflag:s24], $0xF00  }
0x91: {  	[sflag:s24] =	ssyncset.done $0x0  }
0x92: {  	[sflag:s24] =	ssyncadd.s32 $0xFFFFF100  }
0x93: {  	_ =	swait.ge [sflag:s21], $0xF00  }
0x94: {  	[sflag:s21] =	ssyncset.done $0x0  }
0x95: {  	[sflag:s21] =	ssyncadd.s32 $0xFFFFF100  }
0x96: {  	_ =	swait.ge [sflag:s22], $0xF00  }
0x97: {  	[sflag:s22] =	ssyncset.done $0x0  }
0x98: {  	s5 =	rddreg [dreg:$0x4];
	[sflag:s22] =	ssyncadd.s32 $0xFFFFF100  }
0x99: {  	[hbm4b:s5+s26] =	stream.strided.scatter [tilespmem:s19], [sflag:$0x5], $0xF00, s28, s26, $0x38;
	[tilespmem:$0x8A20] =	vst v63  }
0x9a: {  	s10 =	rddreg [dreg:$0x5]  }
0x9b: {  	[hbm4b:s10+s26] =	stream.strided.scatter [tilespmem:s20], [sflag:$0x6], $0xF00, s28, s26, $0x38;
	[tilespmem:$0x8A20] =	vst v63  }
0x9c: {  	_ =	swait.ge [sflag:s31], $0xF00  }
0x9d: {  	[sflag:s31] =	ssyncset.done $0x0  }
0x9e: {  	[sflag:s31] =	ssyncadd.s32 $0xFFFFF100  }
0x9f: {  	_ =	swait.ge [sflag:s1], $0xF00  }
0xa0: {  	s4 =	sadd.s32 $0x1, s4;
	s11 =	rddreg [dreg:$0x6]  }
0xa1: {  	p0 =	sne.s32 s4, s11  }
.Ltmp1:
0xa2: {  	_ = 	snop;
	(pc) =	sbr.rel @p0 .LBB2_1-.Ltmp1, $3  }
0xa3: {  	_ =	sdelay $0x1  }
0xa4: {  	[sflag:s1] =	ssyncset.done $0x0  }
0xa5: {  	[sflag:s1] =	ssyncadd.s32 $0xFFFFF100  }
0xa6: {  	_ =	sfence.sel $0x180000  }
0xa7: {  	[bflag:$0x0] =	sbarrier.arrive $0xFFFF  }
0xa8: {  	_ =	strace $0x90000047  }
0xa9: {  	s0 =	stileid.u32;
	[bflag:$0x2] =	sbarrier.arrive $0xFFFF  }
0xaa: {  	p0 =	sne.s32 s0, $0x0;
	s0 =	rddreg [dreg:$0x1]  }
0xab: {  	s0 =	sadd.s32 @!p0 $0x100000, s0  }
0xac: {  	[sflag:s0] =	ssyncadd.tile.s32 @!p0 $0x1;
	_ =	shalt  }
.Lfunc_end2:
_tile_overlayer_lowered:
.L_overlay_start_2:
0xad: {  	(tag) =	ssettag $0x2  }
0xae: {  	s0 =	rddreg [dreg:$0x0];
	s2 =	stileid.u32  }
0xaf: {  	s1 =	rddreg [dreg:$0x1];
	p0 =	sne.s32 s2, $0x0  }
0xb0: {  	s3 =	rddreg [dreg:$0x2];
	[bflag:$0x3] =	sbarrier.arrive $0xFFFF;
	s2 =	simm.s32 @!p0 $0x1C09  }
0xb1: {  	[timem:s3], [sflag:s2] =	dma.local @!p0 [hbm:s0], s1  }
0xb2: {  	s0 =	simm.s32 @!p0 $0x9  }
0xb3: {  	_ =	swait.ge @!p0 [sflag:s0], s1  }
0xb4: {  	s1 =	ssub.s32 @!p0 $0x0, s1;
	[sflag:s0] =	ssyncset.done @!p0 $0x0  }
0xb5: {  	[sflag:s0] =	ssyncadd.s32 @!p0 s1  }
0xb6: {  	[bflag:$0x3] =	sbarrier.arrive $0xFFFF  }
0xb7: {  	_ =	shalt  }

// kernel: kernel.17.cloned.1.call-start
scs
__scs_entry_jumppad:
0x0: {  	(pc) =	sbr.rel $0x88, $3  }
0x1: {  	(tag) =	ssettag $0x0;
	lr =	simm.s32 $0x1  }
0x2: {  	[smem:$0x3F7A] =	sst lr;
	_ =	strace $0xD0000000  }
0x3: {  	_ = 	snop  }
0x4: {  	_ = 	snop  }
0x5: {  	_ = 	snop  }
0x6: {  	_ = 	snop  }
0x7: {  	_ = 	snop  }
__scs_overlays_trampoline_lowered:
0x8: {  	[smem:$0x3F89] =	sst s0  }
0x9: {  	[smem:$0x3F8A] =	sst s1  }
0xa: {  	[smem:$0x3F8B] =	sst s2  }
0xb: {  	[smem:$0x3F8C] =	sst s3  }
0xc: {  	[smem:$0x3F8D] =	sst s4  }
0xd: {  	[smem:$0x3F8E] =	sst s5  }
0xe: {  	[smem:$0x3F8F] =	sst s6  }
0xf: {  	[smem:$0x3F90] =	sst s7  }
0x10: {  	[smem:$0x3F91] =	sst s8  }
0x11: {  	[smem:$0x3F92] =	sst s9;
	s0 =	simm.s32 @!p0 $0x0  }
0x12: {  	s1 =	sld [smem:$0x3F78];
	s0 =	simm.s32 @p0 $0x1  }
0x13: {  	[smem:$0x3F93] =	sst s0;
	s0 =	simm.s32 @!p1 $0x0  }
0x14: {  	s2 =	sld [smem:$0x3F77];
	s0 =	simm.s32 @p1 $0x1  }
0x15: {  	[smem:$0x3F94] =	sst s0;
	s0 =	simm.s32 @!p2 $0x0  }
0x16: {  	s3 =	sld [smem:$0x3FDB];
	s0 =	simm.s32 @p2 $0x1  }
0x17: {  	s4 =	simm.s32 $0x1BF5;
	[smem:$0x3F96] =	sst s0  }
0x18: {  	s0 =	sld [smem:$0x3F79];
	_ =	swait.ge [sflag:s4], $0x0  }
0x19: {  	s7 =	sld [smem:$0x3F7A]  }
0x1a: {  	s8 =	sadd.s32 $0xFFFFE003, lr  }
0x1b: {  	s9 =	sadd.s32 $0xFFFFFEF7, lr;
	s5 =	simm.s32 $0xFFFFFFFF;
	p2 =	slt.u32 s8, $0xFFFFF086  }
0x1c: {  	p1 =	slt.u32 s9, $0xF7A;
	s5 =	simm.s32 @!p2 $0x0  }
0x1d: {  	s5 =	simm.s32 @p1 $0x1;
	p0 =	seq.s32 s7, s2  }
0x1e: {  	s7 =	smul.u32 @!p0 $0xF7A, s2;
	p2 =	seq.s32 @!p0 s5, $0x0  }
0x1f: {  	s9 =	smul.u32 $0xF7A, s1;
	s8 =	simm.s32 @!p0 $0x1BF5;
	p2 =	por !p2, p0  }
0x20: {  	[sflag:s8] =	ssyncset.s32 @!p0 $0xFFFFF086;
	s6 =	sadd.s32 @!p0 s3, s7;
	s7 =	simm.s32 @!p0 $0x108  }
0x21: {  	s3 =	sadd.s32 s3, s9;
	s6 =	sadd.s32 @!p0 $0x88, s6;
	s7 =	simm.s32 @p2 $0x1082  }
0x22: {  	[simem:s7], [sflag:s8] =	dma.local @!p0 [hbm:s6], $0xF7A  }
0x23: {  	s9 =	sor.u32 $0xD0000000, s2;
	s6 =	simm.s32 $0x108;
	_ =	swait.ge @!p0 [sflag:s8], $0x0  }
0x24: {  	s3 =	sadd.s32 $0x88, s3;
	s6 =	simm.s32 @!p1 $0x1082;
	[sflag:s4] =	ssyncset.s32 $0xFFFFF086  }
0x25: {  	[simem:s6], [sflag:s4] =	dma.local [hbm:s3], $0xF7A  }
0x26: {  	[smem:$0x3F7A] =	sst s1;
	(tag) =	ssettag s2;
	_ =	strace s9  }
0x27: {  	s1 =	sld [smem:$0x3F8A]  }
0x28: {  	s2 =	sld [smem:$0x3F8B]  }
0x29: {  	s4 =	sld [smem:$0x3F8D]  }
0x2a: {  	p0 =	seq.s32 s5, $0x0;
	s5 =	sld [smem:$0x3F8E]  }
0x2b: {  	s6 =	sld [smem:$0x3F8F]  }
0x2c: {  	s7 =	sld [smem:$0x3F90]  }
0x2d: {  	s3 =	simm.s32 $0x108;
	s8 =	sld [smem:$0x3F91]  }
0x2e: {  	s3 =	simm.s32 @!p0 $0x1082;
	s9 =	sld [smem:$0x3F92]  }
0x2f: {  	lr =	sadd.s32 s0, s3;
	s0 =	sld [smem:$0x3F89]  }
0x30: {  	s3 =	sld [smem:$0x3F8C]  }
0x31: {  	[smem:$0x3F95] =	sst s10  }
0x32: {  	s10 =	sld [smem:$0x3F93];
	_ =	sdelay $0x3  }
0x33: {  	p0 =	seq.s32 s10, $0x1;
	s10 =	sld [smem:$0x3F95];
	_ =	sdelay $0x3  }
0x34: {  	[smem:$0x3F95] =	sst s10  }
0x35: {  	s10 =	sld [smem:$0x3F94];
	_ =	sdelay $0x3  }
0x36: {  	p1 =	seq.s32 s10, $0x1;
	s10 =	sld [smem:$0x3F95];
	_ =	sdelay $0x3  }
0x37: {  	[smem:$0x3F95] =	sst s10  }
0x38: {  	s10 =	sld [smem:$0x3F96]  }
0x39: {  	_ = 	snop;
	(pc) =	sbr.ind lr, $3  }
0x3a: {  	_ = 	snop  }
0x3b: {  	_ = 	snop  }
0x3c: {  	p2 =	seq.s32 s10, $0x1;
	s10 =	sld [smem:$0x3F95]  }
0x3d: {  	_ =	shalt  }
0x3e: {  	_ =	shalt  }
0x3f: {  	_ =	shalt  }
0x40: {  	_ =	shalt  }
0x41: {  	_ =	shalt  }
0x42: {  	_ =	shalt  }
0x43: {  	_ =	shalt  }
0x44: {  	_ =	shalt  }
0x45: {  	_ =	shalt  }
0x46: {  	_ =	shalt  }
0x47: {  	_ =	shalt  }
0x48: {  	_ =	shalt  }
0x49: {  	_ =	shalt  }
0x4a: {  	_ =	shalt  }
0x4b: {  	_ =	shalt  }
0x4c: {  	_ =	shalt  }
0x4d: {  	_ =	shalt  }
0x4e: {  	_ =	shalt  }
0x4f: {  	_ =	shalt  }
0x50: {  	_ =	shalt  }
0x51: {  	_ =	shalt  }
0x52: {  	_ =	shalt  }
0x53: {  	_ =	shalt  }
0x54: {  	_ =	shalt  }
0x55: {  	_ =	shalt  }
0x56: {  	_ =	shalt  }
0x57: {  	_ =	shalt  }
0x58: {  	_ =	shalt  }
0x59: {  	_ =	shalt  }
0x5a: {  	_ =	shalt  }
0x5b: {  	_ =	shalt  }
0x5c: {  	_ =	shalt  }
0x5d: {  	_ =	shalt  }
0x5e: {  	_ =	shalt  }
0x5f: {  	_ =	shalt  }
0x60: {  	_ =	shalt  }
0x61: {  	_ =	shalt  }
0x62: {  	_ =	shalt  }
0x63: {  	_ =	shalt  }
0x64: {  	_ =	shalt  }
0x65: {  	_ =	shalt  }
0x66: {  	_ =	shalt  }
0x67: {  	_ =	shalt  }
0x68: {  	_ =	shalt  }
0x69: {  	_ =	shalt  }
0x6a: {  	_ =	shalt  }
0x6b: {  	_ =	shalt  }
0x6c: {  	_ =	shalt  }
0x6d: {  	_ =	shalt  }
0x6e: {  	_ =	shalt  }
0x6f: {  	_ =	shalt  }
0x70: {  	_ =	shalt  }
0x71: {  	_ =	shalt  }
0x72: {  	_ =	shalt  }
0x73: {  	_ =	shalt  }
0x74: {  	_ =	shalt  }
0x75: {  	_ =	shalt  }
0x76: {  	_ =	shalt  }
0x77: {  	_ =	shalt  }
0x78: {  	_ =	shalt  }
0x79: {  	_ =	shalt  }
0x7a: {  	_ =	shalt  }
0x7b: {  	_ =	shalt  }
0x7c: {  	_ =	shalt  }
0x7d: {  	_ =	shalt  }
0x7e: {  	_ =	shalt  }
0x7f: {  	_ =	shalt  }
0x80: {  	_ =	shalt  }
0x81: {  	_ =	shalt  }
0x82: {  	_ =	shalt  }
0x83: {  	_ =	shalt  }
0x84: {  	_ =	shalt  }
0x85: {  	_ =	shalt  }
0x86: {  	_ =	shalt  }
0x87: {  	_ =	shalt  }
.Lfunc_end0:
.L_simem_size_0:
called_computation.1_lowered:
.L_overlay_start_0:
0x88: {  	s2 =	sld [smem:$0x3FD9]  }
0x89: {  	s3 =	sld [smem:$0x3FFE];
	_ =	sdelay $0x1  }
0x8a: {  	s1 =	srdreg.scid  }
0x8b: {  	s0 =	sand.u32 $0x1, s1  }
0x8c: {  	s16 =	sshll.u32 s0, $0xA;
	s2 =	sadd.s32 s3, s2  }
0x8d: {  	s2 =	sadd.s32 s2, s16  }
0x8e: {  	[smem:$0x3FA1] =	sst s2  }
0x8f: {  	_ = 	snop  }
0x90: {  	(tm) =	ssettm $0x1  }
0x91: {  	s17 =	sld [smem:$0x3FFB];
	_ =	sdelay $0x3  }
0x92: {  	_ =	strace s17  }
0x93: {  	s2 =	sld [smem:$0x3FFC];
	_ =	sdelay $0x3  }
0x94: {  	_ =	strace s2  }
0x95: {  	s2 =	sld [smem:$0x3FFD];
	_ =	sdelay $0x3  }
0x96: {  	_ =	strace s2  }
0x97: {  	_ =	strace $0x8FFFFFFF  }
0x98: {  	s18 =	sld [smem:$0x3FDB];
	_ =	sdelay $0x1  }
0x99: {  	s19 =	simm.s32 $_scs_section_size  }
0x9a: {  	s4 =	simm.s32 $_size__tile_overlayer_lowered;
	s5 =	simm.s32 $_tile_overlayer_lowered  }
0x9b: {  	s22 =	simm.s32 $0x1BFF;
	s21 =	sshll.u32 s5, $0x1;
	s2 =	sadd.s32 s19, s18  }
0x9c: {  	s6 =	simm.s32 $0x0;
	s20 =	sshll.u32 s4, $0x1;
	s4 =	sadd.s32 s21, s2  }
0x9d: {  	[timem:s6], [sflag:s22] =	dma.local [hbm:s4], s20  }
0x9e: {  	_ =	swait.ge [sflag:s22], s20  }
0x9f: {  	s3 =	ssub.s32 $0x0, s20;
	[sflag:s22] =	ssyncset.done $0x0  }
0xa0: {  	[sflag:s22] =	ssyncadd.s32 s3;
	_ =	sdelay $0x1  }
0xa1: {  	s23 =	simm.s32 $0x1B8B  }
0xa2: {  	_ =	swait.ge [sflag:s23], $0x1  }
0xa3: {  	[sflag:s23] =	ssyncset.done $0x0  }
0xa4: {  	s25 =	simm.s32 $0x1B8E;
	s24 =	sld [smem:$0x3FFE];
	[sflag:s23] =	ssyncadd.s32 $0xFFFFFFFF  }
0xa5: {  	s26 =	simm.s32 $execute0_lowered;
	[smem:$0x3FD2] =	sst s25  }
0xa6: {  	s4 =	sshll.u32 s26, $0x1;
	_ =	strace $0x80000049;
	[dreg:$0x1] =	wrdreg $0xFFFFFFFF  }
0xa7: {  	s28 =	simm.s32 $_size_execute0_lowered;
	s2 =	sadd.s32 s2, s4;
	[dreg:$0x0] =	wrdreg $0x0  }
0xa8: {  	s4 =	sshll.u32 s28, $0x1;
	[dreg:$0x2] =	wrdreg s2  }
0xa9: {  	[dreg:$0x3] =	wrdreg s4  }
0xaa: {  	[dreg:$0x4] =	wrdreg $0xC0  }
0xab: {  	_ =	task [dreg:s6], $0x5FFFF  }
0xac: {  	[dreg:$0x1] =	wrdreg $0xFFFFFFFF  }
0xad: {  	[dreg:$0x0] =	wrdreg $0x60  }
0xae: {  	[dreg:$0x2] =	wrdreg s24  }
0xaf: {  	[dreg:$0x3] =	wrdreg $0x0  }
0xb0: {  	[dreg:$0x4] =	wrdreg $0x9  }
0xb1: {  	_ =	task.clear_ibuf [dreg:s6], $0x5FFFF;
	_ =	strace $0x90000049  }
0xb2: {  	s29 =	simm.s32 $0x9;
	_ =	strace $0x8000004B  }
0xb3: {  	_ =	swait.ge [sflag:s29], $0x1  }
0xb4: {  	[sflag:s29] =	ssyncadd.s32 $0xFFFFFFFF  }
0xb5: {  	_ =	strace $0x9000004B  }
0xb6: {  	_ =	sfence  }
0xb7: {  	s30 =	sld [smem:$0x0];
	_ =	sdelay $0x2  }
0xb8: {  	s31 =	sshll.u32 s1, $0xD;
	s1 =	sshrl.u32 s1, $0x2  }
0xb9: {  	s3 =	sand.u32 $0x4000, s31;
	s1 =	sadd.s32 s1, s30  }
0xba: {  	s0 =	sor.u32 s3, s0;
	s1 =	sshll.u32 s1, $0x11  }
0xbb: {  	s0 =	sor.u32 s1, s0  }
0xbc: {  	s0 =	sadd.s32 $0x8F2B, s0  }
0xbd: {  	[sflag:s0] =	ssyncadd.remote.s32 $0x1  }
0xbe: {  	_ =	sfence.sel $0xFFFF  }
0xbf: {  	[dreg:$0x0] =	wrdreg $0xFFFFFFFF;
	(pc) =	sbr.abs _section_cstart, $3  }
0xc0: {  	[dreg:$0x1] =	wrdreg $0xFFFFFFFF  }
0xc1: {  	_ =	task.clear_ibuf [dreg:s6], $0x2FFFF;
	_ =	strace $0x9FFFFFFF  }
0xc2: {  	(tm) =	ssettm $0x7FFFFFFF  }
0xc3: {  	_ =	shalt  }
tec
execute0_lowered:
.L_overlay_start_1:
0x0: {  	(tag) =	ssettag $0x1  }
0x1: {  	s0 =	srdreg.scid;
	s2 =	rddreg [dreg:$0x0]  }
0x2: {  	s13 =	stileid.u32;
	s1 =	rddreg [dreg:$0x1];
	s5 =	simm.s32 $0x0  }
0x3: {  	s17 =	simm.s32 $0x7530;
	s18 =	simm.s32 $0x30;
	s19 =	simm.s32 $0x80  }
0x4: {  	s20 =	simm.s32 $0x9C40;
	s21 =	simm.s32 $0x1;
	s28 =	simm.s32 $0x4  }
0x5: {  	s30 =	simm.s32 $0x0;
	s0 =	sand.u32 $0x1, s0;
	s3 =	sshll.u32 s13, $0x1  }
0x6: {  	[smem:$0x7FF] =	sst s5;
	s8 =	smul.u32 $0x7500, s13;
	s11 =	sadd.s32 $0xA13C00, s2  }
0x7: {  	s9 =	sadd.s32 $0x4FC00, s2;
	s25 =	sshll.u32 s13, $0x6;
	s16 =	sadd.s32 $0x75000, s1  }
0x8: {  	s5 =	sadd.s32 $0x4FA00, s2;
	s15 =	smul.u32 $0x4E200, s13;
	p0 =	sne.s32 s13, $0x0  }
0x9: {  	s3 =	sor.u32 s0, s3;
	_ =	strace $0x8000004A;
	s12 =	smul.u32 $0x75300, s0  }
0xa: {  	s23 =	ssub.s32 $0x2, s0;
	s0 =	smul.u32 $0x27100, s0;
	s16 =	sshrl.u32 @!p0 s16, $0x3  }
0xb: {  	s4 =	smul.u32 $0x4E2, s3;
	s22 =	sshrl.u32 s8, $0x3;
	s7 =	sshrl.u32 s23, $0x1  }
0xc: {  	s14 =	sadd.s32 s8, s1;
	s24 =	smul.u32 $0x27100, s3;
	s31 =	sadd.s32 s15, s11  }
0xd: {  	s15 =	simm.s32 $0x5;
	s10 =	ssub.s32 s23, s7;
	s26 =	sadd.s32 s8, s12  }
0xe: {  	s12 =	sshrl.u32 s12, $0x3;
	s0 =	sadd.s32 s0, s31;
	s14 =	sshrl.u32 s14, $0x3  }
0xf: {  	s23 =	simm.s32 $0xAB40;
	s6 =	sadd.s32 s4, s2;
	s4 =	sadd.s32 s22, s2  }
0x10: {  	s7 =	sadd.s32 s11, s24;
	s2 =	sshrl.u32 s26, $0x3;
	s29 =	sadd.s32 s9, s12  }
0x11: {  	s10 =	smax.u32 s10, $0x1;
	s22 =	simm.s32 $0x50;
	s24 =	simm.s32 $0x2  }
0x12: {  	s26 =	simm.s32 $0x3;
	s3 =	sadd.s32 $0x41000, s4;
	s4 =	sor.u32 $0x1C05, s25  }
0x13: {  	s6 =	sadd.s32 $0xF800, s6;
	s8 =	sadd.s32 s9, s2;
	s9 =	sadd.s32 $0xEA00, s29  }
0x14: {  	s11 =	sadd.s32 $0x500, s7;
	s12 =	sadd.s32 $0xA00, s7;
	s2 =	sadd.s32 $0x1400, s0  }
.LBB2_1:
0x15: {  	[spmem:s14], [sflag:s4] =	dma.local [hbm:s3], $0xEA0  }
0x16: {  	_ =	swait.ge [sflag:s15], $0xEA0  }
0x17: {  	[sflag:s15] =	ssyncset.done $0x0  }
0x18: {  	s0 =	simm.s32 @!p0 $0x5;
	[sflag:s15] =	ssyncadd.s32 $0xFFFFF160  }
0x19: {  	[spmem:s16], [sflag:s4] =	dma.local @!p0 [hbm:s5], $0x60  }
0x1a: {  	_ =	swait.ge @!p0 [sflag:s0], $0x60  }
0x1b: {  	[sflag:s0] =	ssyncset.done @!p0 $0x0  }
0x1c: {  	s25 =	simm.s32 $0x0;
	[sflag:s0] =	ssyncadd.s32 @!p0 $0xFFFFFFA0  }
0x1d: {  	[tilespmem:s17], [sflag:$0x5] =	stream.linear.gather [hbm4b:s6+s25], $0x2710, $0x38;
	[tilespmem:$0xBA40] =	vst v63  }
0x1e: {  	_ =	swait.ge [sflag:s15], $0x2710  }
0x1f: {  	[sflag:s15] =	ssyncset.done $0x0  }
0x20: {  	[sflag:s15] =	ssyncadd.s32 $0xFFFFD8F0  }
0x21: {  	[bflag:$0x0] =	sbarrier.arrive $0xFFFF  }
0x22: {  	[tilespmem:s20], [sflag:$0x1] =	stream.strided.gather [hbm4b:s7+s18], $0xF00, s19, s18, $0x38;
	[tilespmem:$0xBA40] =	vst v63  }
0x23: {  	_ =	swait.ge [sflag:s21], $0xF00  }
0x24: {  	[sflag:s21] =	ssyncset.done $0x0  }
0x25: {  	[sflag:s21] =	ssyncadd.s32 $0xFFFFF100  }
0x26: {  	[spmem:s1] =	stream.indirect.scatter.add.f32 [tilespmem:s20], [sflag:$0x3], $0x30, s17, s22, $0xb8;
	[tilespmem:$0xBA40] =	vst v63  }
0x27: {  	_ = 	snop  }
0x28: {  	[tilespmem:s23], [sflag:$0x2] =	stream.strided.gather [hbm4b:s11+s18], $0xF00, s19, s18, $0x38;
	[tilespmem:$0xBA40] =	vst v63  }
0x29: {  	_ =	swait.ge [sflag:s24], $0xF00  }
0x2a: {  	[sflag:s24] =	ssyncset.done $0x0  }
0x2b: {  	s29 =	simm.s32 $0x7580;
	[sflag:s24] =	ssyncadd.s32 $0xFFFFF100  }
0x2c: {  	[spmem:s1] =	stream.indirect.scatter.add.f32 [tilespmem:s23], [sflag:$0x4], $0x30, s29, s22, $0xb8;
	[tilespmem:$0xBA40] =	vst v63  }
0x2d: {  	_ =	swait.ge [sflag:s26], $0xF00  }
0x2e: {  	[sflag:s26] =	ssyncset.done $0x0  }
0x2f: {  	[sflag:s26] =	ssyncadd.s32 $0xFFFFF100  }
0x30: {  	[tilespmem:s20], [sflag:$0x1] =	stream.strided.gather [hbm4b:s12+s18], $0xF00, s19, s18, $0x38;
	[tilespmem:$0xBA40] =	vst v63  }
0x31: {  	_ =	swait.ge [sflag:s21], $0xF00  }
0x32: {  	[sflag:s21] =	ssyncset.done $0x0  }
0x33: {  	s13 =	simm.s32 $0x75D0;
	[sflag:s21] =	ssyncadd.s32 $0xFFFFF100  }
0x34: {  	[spmem:s1] =	stream.indirect.scatter.add.f32 [tilespmem:s20], [sflag:$0x3], $0x30, s13, s22, $0xb8;
	[tilespmem:$0xBA40] =	vst v63  }
0x35: {  	_ =	swait.ge [sflag:s28], $0xF00  }
0x36: {  	[sflag:s28] =	ssyncset.done $0x0  }
0x37: {  	s25 =	sadd.s32 $0xFFFFFB00, s2;
	[sflag:s28] =	ssyncadd.s32 $0xFFFFF100  }
0x38: {  	[tilespmem:s23], [sflag:$0x2] =	stream.strided.gather [hbm4b:s25+s18], $0xF00, s19, s18, $0x38;
	[tilespmem:$0xBA40] =	vst v63  }
0x39: {  	_ =	swait.ge [sflag:s24], $0xF00  }
0x3a: {  	[sflag:s24] =	ssyncset.done $0x0  }
0x3b: {  	s29 =	simm.s32 $0x7620;
	[sflag:s24] =	ssyncadd.s32 $0xFFFFF100  }
0x3c: {  	[spmem:s1] =	stream.indirect.scatter.add.f32 [tilespmem:s23], [sflag:$0x4], $0x30, s29, s22, $0xb8;
	[tilespmem:$0xBA40] =	vst v63  }
0x3d: {  	_ =	swait.ge [sflag:s26], $0xF00  }
0x3e: {  	s31 =	simm.s32 $0x280;
	[sflag:s26] =	ssyncset.done $0x0  }
0x3f: {  	s0 =	sadd.s32 $0xA00, s2;
	s13 =	smov.u32 s2;
	[sflag:s26] =	ssyncadd.s32 $0xFFFFF100  }
.LBB2_2:
0x40: {  	[tilespmem:s20], [sflag:$0x1] =	stream.strided.gather [hbm4b:s13+s18], $0xF00, s19, s18, $0x38;
	[tilespmem:$0xBA40] =	vst v63  }
0x41: {  	s25 =	smov.u32 s31;
	s13 =	smov.u32 s0  }
0x42: {  	p1 =	sne.s32 s31, $0x9600;
	s31 =	sadd.s32 $0x280, s31;
	_ =	swait.ge [sflag:s21], $0xF00  }
0x43: {  	s25 =	sshra.s32 s25, $0x2;
	[sflag:s21] =	ssyncset.done $0x0  }
0x44: {  	s29 =	sadd.s32 $0x75D0, s25;
	[sflag:s21] =	ssyncadd.s32 $0xFFFFF100  }
0x45: {  	[spmem:s1] =	stream.indirect.scatter.add.f32 [tilespmem:s20], [sflag:$0x3], $0x30, s29, s22, $0xb8;
	[tilespmem:$0xBA40] =	vst v63  }
0x46: {  	_ =	swait.ge [sflag:s28], $0xF00  }
0x47: {  	[sflag:s28] =	ssyncset.done $0x0  }
0x48: {  	s29 =	sadd.s32 $0xFFFFFB00, s0;
	[sflag:s28] =	ssyncadd.s32 $0xFFFFF100  }
0x49: {  	[tilespmem:s23], [sflag:$0x2] =	stream.strided.gather [hbm4b:s29+s18], $0xF00, s19, s18, $0x38;
	[tilespmem:$0xBA40] =	vst v63  }
0x4a: {  	_ =	swait.ge [sflag:s24], $0xF00  }
0x4b: {  	[sflag:s24] =	ssyncset.done $0x0  }
.Ltmp0:
0x4c: {  	s25 =	sadd.s32 $0x7620, s25;
	[sflag:s24] =	ssyncadd.s32 $0xFFFFF100;
	(pc) =	sbr.rel @p1 .LBB2_2-.Ltmp0, $4  }
0x4d: {  	[spmem:s1] =	stream.indirect.scatter.add.f32 [tilespmem:s23], [sflag:$0x4], $0x30, s25, s22, $0xb8;
	[tilespmem:$0xBA40] =	vst v63  }
0x4e: {  	_ =	swait.ge [sflag:s26], $0xF00  }
0x4f: {  	[sflag:s26] =	ssyncset.done $0x0  }
0x50: {  	s0 =	sadd.s32 $0xA00, s0;
	[sflag:s26] =	ssyncadd.s32 $0xFFFFF100  }
0x51: {  	[tilespmem:s20], [sflag:$0x1] =	stream.strided.gather [hbm4b:s13+s18], $0xF00, s19, s18, $0x38;
	[tilespmem:$0xBA40] =	vst v63  }
0x52: {  	_ =	swait.ge [sflag:s21], $0xF00  }
0x53: {  	[sflag:s21] =	ssyncset.done $0x0  }
0x54: {  	[sflag:s21] =	ssyncadd.s32 $0xFFFFF100  }
0x55: {  	_ =	swait.ge [sflag:s28], $0xF00  }
0x56: {  	[sflag:s28] =	ssyncset.done $0x0  }
0x57: {  	s0 =	simm.s32 $0x9BF0;
	[sflag:s28] =	ssyncadd.s32 $0xFFFFF100  }
0x58: {  	[spmem:s1] =	stream.indirect.scatter.add.f32 [tilespmem:s20], [sflag:$0x3], $0x30, s0, s22, $0xb8;
	[tilespmem:$0xBA40] =	vst v63  }
0x59: {  	_ =	swait.ge [sflag:s26], $0xF00  }
0x5a: {  	[sflag:s26] =	ssyncset.done $0x0  }
0x5b: {  	[sflag:s26] =	ssyncadd.s32 $0xFFFFF100  }
0x5c: {  	[bflag:$0x0] =	sbarrier.arrive $0xFFFF  }
0x5d: {  	[hbm:s8], [sflag:s4] =	dma.local [spmem:s14], $0xEA0  }
0x5e: {  	s30 =	sadd.s32 $0x1, s30;
	_ =	swait.ge [sflag:s15], $0xEA0  }
0x5f: {  	p1 =	sne.s32 s30, s10;
	[sflag:s15] =	ssyncset.done $0x0  }
.Ltmp1:
0x60: {  	s0 =	simm.s32 @!p0 $0x5;
	[sflag:s15] =	ssyncadd.s32 $0xFFFFF160;
	(pc) =	sbr.rel @p1 .LBB2_1-.Ltmp1, $4  }
0x61: {  	[hbm:s9], [sflag:s4] =	dma.local @!p0 [spmem:s16], $0x60  }
0x62: {  	_ =	swait.ge @!p0 [sflag:s0], $0x60  }
0x63: {  	[sflag:s0] =	ssyncset.done @!p0 $0x0  }
0x64: {  	[sflag:s0] =	ssyncadd.s32 @!p0 $0xFFFFFFA0  }
0x65: {  	_ =	sfence.sel $0x180000  }
0x66: {  	[bflag:$0x0] =	sbarrier.arrive $0xFFFF  }
0x67: {  	_ =	strace $0x9000004A  }
0x68: {  	[bflag:$0x2] =	sbarrier.arrive $0xFFFF  }
0x69: {  	s0 =	rddreg [dreg:$0x2]  }
0x6a: {  	s0 =	sadd.s32 @!p0 $0x100000, s0  }
0x6b: {  	[sflag:s0] =	ssyncadd.tile.s32 @!p0 $0x1;
	_ =	shalt  }
.Lfunc_end2:
_tile_overlayer_lowered:
.L_overlay_start_2:
0x6c: {  	(tag) =	ssettag $0x2  }
0x6d: {  	s0 =	rddreg [dreg:$0x0];
	s2 =	stileid.u32  }
0x6e: {  	s1 =	rddreg [dreg:$0x1];
	p0 =	sne.s32 s2, $0x0  }
0x6f: {  	s3 =	rddreg [dreg:$0x2];
	[bflag:$0x3] =	sbarrier.arrive $0xFFFF;
	s2 =	simm.s32 @!p0 $0x1C05  }
0x70: {  	[timem:s3], [sflag:s2] =	dma.local @!p0 [hbm:s0], s1  }
0x71: {  	s0 =	simm.s32 @!p0 $0x5  }
0x72: {  	_ =	swait.ge @!p0 [sflag:s0], s1  }
0x73: {  	s1 =	ssub.s32 @!p0 $0x0, s1;
	[sflag:s0] =	ssyncset.done @!p0 $0x0  }
0x74: {  	[sflag:s0] =	ssyncadd.s32 @!p0 s1  }
0x75: {  	[bflag:$0x3] =	sbarrier.arrive $0xFFFF  }
0x76: {  	_ =	shalt  }

// kernel: kernel.20.cloned.1.call-start
scs
__scs_entry_jumppad:
0x0: {  	(pc) =	sbr.rel $0x88, $3  }
0x1: {  	(tag) =	ssettag $0x0;
	lr =	simm.s32 $0x1  }
0x2: {  	[smem:$0x3F7A] =	sst lr;
	_ =	strace $0xD0000000  }
0x3: {  	_ = 	snop  }
0x4: {  	_ = 	snop  }
0x5: {  	_ = 	snop  }
0x6: {  	_ = 	snop  }
0x7: {  	_ = 	snop  }
__scs_overlays_trampoline_lowered:
0x8: {  	[smem:$0x3F89] =	sst s0  }
0x9: {  	[smem:$0x3F8A] =	sst s1  }
0xa: {  	[smem:$0x3F8B] =	sst s2  }
0xb: {  	[smem:$0x3F8C] =	sst s3  }
0xc: {  	[smem:$0x3F8D] =	sst s4  }
0xd: {  	[smem:$0x3F8E] =	sst s5  }
0xe: {  	[smem:$0x3F8F] =	sst s6  }
0xf: {  	[smem:$0x3F90] =	sst s7  }
0x10: {  	[smem:$0x3F91] =	sst s8  }
0x11: {  	[smem:$0x3F92] =	sst s9;
	s0 =	simm.s32 @!p0 $0x0  }
0x12: {  	s1 =	sld [smem:$0x3F78];
	s0 =	simm.s32 @p0 $0x1  }
0x13: {  	[smem:$0x3F93] =	sst s0;
	s0 =	simm.s32 @!p1 $0x0  }
0x14: {  	s2 =	sld [smem:$0x3F77];
	s0 =	simm.s32 @p1 $0x1  }
0x15: {  	[smem:$0x3F94] =	sst s0;
	s0 =	simm.s32 @!p2 $0x0  }
0x16: {  	s3 =	sld [smem:$0x3FDB];
	s0 =	simm.s32 @p2 $0x1  }
0x17: {  	s4 =	simm.s32 $0x1BF5;
	[smem:$0x3F96] =	sst s0  }
0x18: {  	s0 =	sld [smem:$0x3F79];
	_ =	swait.ge [sflag:s4], $0x0  }
0x19: {  	s7 =	sld [smem:$0x3F7A]  }
0x1a: {  	s8 =	sadd.s32 $0xFFFFE003, lr  }
0x1b: {  	s9 =	sadd.s32 $0xFFFFFEF7, lr;
	s5 =	simm.s32 $0xFFFFFFFF;
	p2 =	slt.u32 s8, $0xFFFFF086  }
0x1c: {  	p1 =	slt.u32 s9, $0xF7A;
	s5 =	simm.s32 @!p2 $0x0  }
0x1d: {  	s5 =	simm.s32 @p1 $0x1;
	p0 =	seq.s32 s7, s2  }
0x1e: {  	s7 =	smul.u32 @!p0 $0xF7A, s2;
	p2 =	seq.s32 @!p0 s5, $0x0  }
0x1f: {  	s9 =	smul.u32 $0xF7A, s1;
	s8 =	simm.s32 @!p0 $0x1BF5;
	p2 =	por !p2, p0  }
0x20: {  	[sflag:s8] =	ssyncset.s32 @!p0 $0xFFFFF086;
	s6 =	sadd.s32 @!p0 s3, s7;
	s7 =	simm.s32 @!p0 $0x108  }
0x21: {  	s3 =	sadd.s32 s3, s9;
	s6 =	sadd.s32 @!p0 $0x88, s6;
	s7 =	simm.s32 @p2 $0x1082  }
0x22: {  	[simem:s7], [sflag:s8] =	dma.local @!p0 [hbm:s6], $0xF7A  }
0x23: {  	s9 =	sor.u32 $0xD0000000, s2;
	s6 =	simm.s32 $0x108;
	_ =	swait.ge @!p0 [sflag:s8], $0x0  }
0x24: {  	s3 =	sadd.s32 $0x88, s3;
	s6 =	simm.s32 @!p1 $0x1082;
	[sflag:s4] =	ssyncset.s32 $0xFFFFF086  }
0x25: {  	[simem:s6], [sflag:s4] =	dma.local [hbm:s3], $0xF7A  }
0x26: {  	[smem:$0x3F7A] =	sst s1;
	(tag) =	ssettag s2;
	_ =	strace s9  }
0x27: {  	s1 =	sld [smem:$0x3F8A]  }
0x28: {  	s2 =	sld [smem:$0x3F8B]  }
0x29: {  	s4 =	sld [smem:$0x3F8D]  }
0x2a: {  	p0 =	seq.s32 s5, $0x0;
	s5 =	sld [smem:$0x3F8E]  }
0x2b: {  	s6 =	sld [smem:$0x3F8F]  }
0x2c: {  	s7 =	sld [smem:$0x3F90]  }
0x2d: {  	s3 =	simm.s32 $0x108;
	s8 =	sld [smem:$0x3F91]  }
0x2e: {  	s3 =	simm.s32 @!p0 $0x1082;
	s9 =	sld [smem:$0x3F92]  }
0x2f: {  	lr =	sadd.s32 s0, s3;
	s0 =	sld [smem:$0x3F89]  }
0x30: {  	s3 =	sld [smem:$0x3F8C]  }
0x31: {  	[smem:$0x3F95] =	sst s10  }
0x32: {  	s10 =	sld [smem:$0x3F93];
	_ =	sdelay $0x3  }
0x33: {  	p0 =	seq.s32 s10, $0x1;
	s10 =	sld [smem:$0x3F95];
	_ =	sdelay $0x3  }
0x34: {  	[smem:$0x3F95] =	sst s10  }
0x35: {  	s10 =	sld [smem:$0x3F94];
	_ =	sdelay $0x3  }
0x36: {  	p1 =	seq.s32 s10, $0x1;
	s10 =	sld [smem:$0x3F95];
	_ =	sdelay $0x3  }
0x37: {  	[smem:$0x3F95] =	sst s10  }
0x38: {  	s10 =	sld [smem:$0x3F96]  }
0x39: {  	_ = 	snop;
	(pc) =	sbr.ind lr, $3  }
0x3a: {  	_ = 	snop  }
0x3b: {  	_ = 	snop  }
0x3c: {  	p2 =	seq.s32 s10, $0x1;
	s10 =	sld [smem:$0x3F95]  }
0x3d: {  	_ =	shalt  }
0x3e: {  	_ =	shalt  }
0x3f: {  	_ =	shalt  }
0x40: {  	_ =	shalt  }
0x41: {  	_ =	shalt  }
0x42: {  	_ =	shalt  }
0x43: {  	_ =	shalt  }
0x44: {  	_ =	shalt  }
0x45: {  	_ =	shalt  }
0x46: {  	_ =	shalt  }
0x47: {  	_ =	shalt  }
0x48: {  	_ =	shalt  }
0x49: {  	_ =	shalt  }
0x4a: {  	_ =	shalt  }
0x4b: {  	_ =	shalt  }
0x4c: {  	_ =	shalt  }
0x4d: {  	_ =	shalt  }
0x4e: {  	_ =	shalt  }
0x4f: {  	_ =	shalt  }
0x50: {  	_ =	shalt  }
0x51: {  	_ =	shalt  }
0x52: {  	_ =	shalt  }
0x53: {  	_ =	shalt  }
0x54: {  	_ =	shalt  }
0x55: {  	_ =	shalt  }
0x56: {  	_ =	shalt  }
0x57: {  	_ =	shalt  }
0x58: {  	_ =	shalt  }
0x59: {  	_ =	shalt  }
0x5a: {  	_ =	shalt  }
0x5b: {  	_ =	shalt  }
0x5c: {  	_ =	shalt  }
0x5d: {  	_ =	shalt  }
0x5e: {  	_ =	shalt  }
0x5f: {  	_ =	shalt  }
0x60: {  	_ =	shalt  }
0x61: {  	_ =	shalt  }
0x62: {  	_ =	shalt  }
0x63: {  	_ =	shalt  }
0x64: {  	_ =	shalt  }
0x65: {  	_ =	shalt  }
0x66: {  	_ =	shalt  }
0x67: {  	_ =	shalt  }
0x68: {  	_ =	shalt  }
0x69: {  	_ =	shalt  }
0x6a: {  	_ =	shalt  }
0x6b: {  	_ =	shalt  }
0x6c: {  	_ =	shalt  }
0x6d: {  	_ =	shalt  }
0x6e: {  	_ =	shalt  }
0x6f: {  	_ =	shalt  }
0x70: {  	_ =	shalt  }
0x71: {  	_ =	shalt  }
0x72: {  	_ =	shalt  }
0x73: {  	_ =	shalt  }
0x74: {  	_ =	shalt  }
0x75: {  	_ =	shalt  }
0x76: {  	_ =	shalt  }
0x77: {  	_ =	shalt  }
0x78: {  	_ =	shalt  }
0x79: {  	_ =	shalt  }
0x7a: {  	_ =	shalt  }
0x7b: {  	_ =	shalt  }
0x7c: {  	_ =	shalt  }
0x7d: {  	_ =	shalt  }
0x7e: {  	_ =	shalt  }
0x7f: {  	_ =	shalt  }
0x80: {  	_ =	shalt  }
0x81: {  	_ =	shalt  }
0x82: {  	_ =	shalt  }
0x83: {  	_ =	shalt  }
0x84: {  	_ =	shalt  }
0x85: {  	_ =	shalt  }
0x86: {  	_ =	shalt  }
0x87: {  	_ =	shalt  }
.Lfunc_end0:
.L_simem_size_0:
called_computation.2_lowered:
.L_overlay_start_0:
0x88: {  	s2 =	sld [smem:$0x3FD9]  }
0x89: {  	s3 =	sld [smem:$0x3FFE];
	_ =	sdelay $0x1  }
0x8a: {  	s1 =	srdreg.scid  }
0x8b: {  	s0 =	sand.u32 $0x1, s1  }
0x8c: {  	s17 =	sshll.u32 s0, $0xA;
	s2 =	sadd.s32 s3, s2  }
0x8d: {  	s2 =	sadd.s32 s2, s17  }
0x8e: {  	[smem:$0x3FA1] =	sst s2  }
0x8f: {  	_ = 	snop  }
0x90: {  	s2 =	sld [smem:$0x3FD0];
	(tm) =	ssettm $0x1  }
0x91: {  	s18 =	sld [smem:$0x3FFB];
	_ =	sdelay $0x3  }
0x92: {  	_ =	strace s18  }
0x93: {  	s3 =	sld [smem:$0x3FFC];
	_ =	sdelay $0x3  }
0x94: {  	_ =	strace s3  }
0x95: {  	s3 =	sld [smem:$0x3FFD];
	_ =	sdelay $0x3  }
0x96: {  	_ =	strace s3  }
0x97: {  	_ =	strace $0x8FFFFFFF  }
0x98: {  	s19 =	sld [smem:$0x3FDB];
	_ =	sdelay $0x1  }
0x99: {  	s4 =	simm.s32 $_scs_section_size  }
0x9a: {  	s5 =	simm.s32 $_size__tile_overlayer_lowered;
	s6 =	simm.s32 $_tile_overlayer_lowered  }
0x9b: {  	s22 =	simm.s32 $0x1BFF;
	s21 =	sshll.u32 s6, $0x1;
	s3 =	sadd.s32 s4, s19  }
0x9c: {  	s7 =	simm.s32 $0x0;
	s20 =	sshll.u32 s5, $0x1;
	s5 =	sadd.s32 s21, s3  }
0x9d: {  	[timem:s7], [sflag:s22] =	dma.local [hbm:s5], s20  }
0x9e: {  	_ =	swait.ge [sflag:s22], s20  }
0x9f: {  	s4 =	ssub.s32 $0x0, s20;
	[sflag:s22] =	ssyncset.done $0x0  }
0xa0: {  	[sflag:s22] =	ssyncadd.s32 s4;
	_ =	sdelay $0x1  }
0xa1: {  	s23 =	simm.s32 $0x1B8B  }
0xa2: {  	_ =	swait.ge [sflag:s23], $0x1  }
0xa3: {  	[sflag:s23] =	ssyncset.done $0x0  }
0xa4: {  	s25 =	simm.s32 $0x1B8E;
	s24 =	sld [smem:$0x3FFE];
	[sflag:s23] =	ssyncadd.s32 $0xFFFFFFFF  }
0xa5: {  	s26 =	simm.s32 $execute0_lowered;
	[smem:$0x3FD2] =	sst s25  }
0xa6: {  	s5 =	sshll.u32 s26, $0x1;
	_ =	strace $0x8000004C;
	[dreg:$0x1] =	wrdreg $0xFFFFFFFF  }
0xa7: {  	s28 =	simm.s32 $_size_execute0_lowered;
	s3 =	sadd.s32 s3, s5;
	[dreg:$0x0] =	wrdreg $0x0  }
0xa8: {  	s5 =	sshll.u32 s28, $0x1;
	[dreg:$0x2] =	wrdreg s3  }
0xa9: {  	[dreg:$0x3] =	wrdreg s5  }
0xaa: {  	[dreg:$0x4] =	wrdreg $0xC0  }
0xab: {  	_ =	task [dreg:s7], $0x5FFFF  }
0xac: {  	[dreg:$0x1] =	wrdreg $0xFFFFFFFF  }
0xad: {  	[dreg:$0x0] =	wrdreg $0x60  }
0xae: {  	[dreg:$0x2] =	wrdreg s2  }
0xaf: {  	[dreg:$0x3] =	wrdreg s24  }
0xb0: {  	[dreg:$0x4] =	wrdreg $0x9  }
0xb1: {  	_ =	task.clear_ibuf [dreg:s7], $0x5FFFF;
	_ =	strace $0x9000004C  }
0xb2: {  	s29 =	simm.s32 $0x9;
	_ =	strace $0x8000004E  }
0xb3: {  	_ =	swait.ge [sflag:s29], $0x1  }
0xb4: {  	[sflag:s29] =	ssyncadd.s32 $0xFFFFFFFF  }
0xb5: {  	_ =	strace $0x9000004E  }
0xb6: {  	_ =	sfence  }
0xb7: {  	s30 =	sld [smem:$0x0];
	_ =	sdelay $0x2  }
0xb8: {  	s31 =	sshll.u32 s1, $0xD;
	s1 =	sshrl.u32 s1, $0x2  }
0xb9: {  	s3 =	sand.u32 $0x4000, s31;
	s1 =	sadd.s32 s1, s30  }
0xba: {  	s0 =	sor.u32 s3, s0;
	s1 =	sshll.u32 s1, $0x11  }
0xbb: {  	s0 =	sor.u32 s1, s0  }
0xbc: {  	s0 =	sadd.s32 $0x8F2B, s0  }
0xbd: {  	[sflag:s0] =	ssyncadd.remote.s32 $0x1  }
0xbe: {  	_ =	sfence.sel $0xFFFF  }
0xbf: {  	[dreg:$0x0] =	wrdreg $0xFFFFFFFF;
	(pc) =	sbr.abs _section_cstart, $3  }
0xc0: {  	[dreg:$0x1] =	wrdreg $0xFFFFFFFF  }
0xc1: {  	_ =	task.clear_ibuf [dreg:s7], $0x2FFFF;
	_ =	strace $0x9FFFFFFF  }
0xc2: {  	(tm) =	ssettm $0x7FFFFFFF  }
0xc3: {  	_ =	shalt  }
tec
execute0_lowered:
.L_overlay_start_1:
0x0: {  	(tag) =	ssettag $0x1  }
0x1: {  	s2 =	rddreg [dreg:$0x0];
	s0 =	srdreg.scid  }
0x2: {  	s9 =	stileid.u32;
	s1 =	rddreg [dreg:$0x1];
	s3 =	simm.s32 $0x0  }
0x3: {  	s16 =	simm.s32 $0x9;
	s17 =	simm.s32 $0x2710;
	s18 =	simm.s32 $0x50  }
0x4: {  	s28 =	simm.s32 $0x80;
	s29 =	simm.s32 $0x3;
	s30 =	simm.s32 $0x4  }
0x5: {  	s31 =	simm.s32 $0x5;
	s0 =	sand.u32 $0x1, s0;
	s4 =	sshll.u32 s9, $0x1  }
0x6: {  	[smem:$0x7FF] =	sst s3;
	s8 =	sadd.s32 $0x109800, s1;
	s25 =	smul.u32 $0x4E200, s9  }
0x7: {  	s4 =	sor.u32 s0, s4;
	_ =	strace $0x8000004D;
	s13 =	smul.u32 $0x27100, s0  }
0x8: {  	s6 =	ssub.s32 $0x2, s0;
	s0 =	simm.s32 $0x7;
	s5 =	smul.u32 $0x4E2, s4  }
0x9: {  	s7 =	sshrl.u32 s6, $0x1;
	s4 =	smul.u32 $0x27100, s4;
	s14 =	sadd.s32 s25, s8  }
0xa: {  	s6 =	ssub.s32 s6, s7;
	s5 =	sadd.s32 s5, s1;
	s1 =	sadd.s32 $0x5EB800, s1  }
0xb: {  	s20 =	sadd.s32 $0x26C00, s4;
	s22 =	smax.u32 s6, $0x1;
	s23 =	sadd.s32 s8, s4  }
0xc: {  	s24 =	sadd.s32 $0x500, s4;
	s19 =	sadd.s32 $0xF800, s5;
	[dreg:$0x7] =	wrdreg s22  }
0xd: {  	s5 =	sadd.s32 $0x5A00, s5;
	s21 =	sadd.s32 s8, s20;
	[dreg:$0x8] =	wrdreg s23  }
0xe: {  	s4 =	sadd.s32 s1, s4;
	s26 =	sadd.s32 s8, s24;
	[dreg:$0x3] =	wrdreg s19  }
0xf: {  	s12 =	sadd.s32 s1, s24;
	s15 =	sadd.s32 s25, s1;
	[dreg:$0x4] =	wrdreg s5  }
0x10: {  	s22 =	simm.s32 $0x2;
	s23 =	simm.s32 $0x6C20;
	[dreg:$0x5] =	wrdreg s21  }
0x11: {  	s25 =	simm.s32 $0x7B20;
	s24 =	simm.s32 $0x8;
	[dreg:$0x9] =	wrdreg s4  }
0x12: {  	s5 =	sadd.s32 s1, s20;
	[dreg:$0xa] =	wrdreg s26;
	s19 =	simm.s32 $0x4E20  }
0x13: {  	s20 =	simm.s32 $0x5D20;
	s21 =	simm.s32 $0x1;
	s26 =	simm.s32 $0x30  }
0x14: {  	s1 =	simm.s32 $0x6;
	s4 =	simm.s32 $0x0;
	[dreg:$0x6] =	wrdreg s5  }
.LBB2_1:
0x15: {  	s5 =	rddreg [dreg:$0x3]  }
0x16: {  	[tilespmem:s3], [sflag:$0x9] =	stream.linear.gather [hbm4b:s5+s3], $0x2710, $0x38;
	[tilespmem:$0x8A20] =	vst v63  }
0x17: {  	_ =	swait.ge [sflag:s16], $0x2710  }
0x18: {  	[sflag:s16] =	ssyncset.done $0x0  }
0x19: {  	s8 =	rddreg [dreg:$0x4];
	[sflag:s16] =	ssyncadd.s32 $0xFFFFD8F0  }
0x1a: {  	[tilespmem:s17], [sflag:$0x9] =	stream.linear.gather [hbm4b:s8+s3], $0x2710, $0x38;
	[tilespmem:$0x8A20] =	vst v63  }
0x1b: {  	_ =	swait.ge [sflag:s16], $0x2710  }
0x1c: {  	[sflag:s16] =	ssyncset.done $0x0  }
0x1d: {  	[sflag:s16] =	ssyncadd.s32 $0xFFFFD8F0  }
0x1e: {  	[tilespmem:s19], [sflag:$0x1] =	stream.indirect.gather [hbm4b:s2+s18], $0x30, s3, s18, $0xb8;
	[tilespmem:$0x8A20] =	vst v63  }
0x1f: {  	_ = 	snop  }
0x20: {  	[tilespmem:s20], [sflag:$0x2] =	stream.indirect.gather [hbm4b:s2+s18], $0x30, s17, s18, $0xb8;
	[tilespmem:$0x8A20] =	vst v63  }
0x21: {  	_ =	swait.ge [sflag:s21], $0xF00  }
0x22: {  	[sflag:s21] =	ssyncset.done $0x0  }
0x23: {  	[sflag:s21] =	ssyncadd.s32 $0xFFFFF100  }
0x24: {  	_ =	swait.ge [sflag:s22], $0xF00  }
0x25: {  	[sflag:s22] =	ssyncset.done $0x0  }
0x26: {  	[sflag:s22] =	ssyncadd.s32 $0xFFFFF100  }
0x27: {  	[tilespmem:s23], [sflag:$0x3] =	stream.indirect.gather [hbm4b:s2+s18], $0x30, s18, s18, $0xb8;
	[tilespmem:$0x8A20] =	vst v63  }
0x28: {  	s9 =	simm.s32 $0x2760  }
0x29: {  	[tilespmem:s25], [sflag:$0x4] =	stream.indirect.gather [hbm4b:s2+s18], $0x30, s9, s18, $0xb8;
	[tilespmem:$0x8A20] =	vst v63  }
0x2a: {  	s10 =	rddreg [dreg:$0x8]  }
0x2b: {  	[hbm4b:s10+s26] =	stream.strided.scatter [tilespmem:s19], [sflag:$0x5], $0xF00, s28, s26, $0x38;
	[tilespmem:$0x8A20] =	vst v63  }
0x2c: {  	s11 =	rddreg [dreg:$0x9]  }
0x2d: {  	[hbm4b:s11+s26] =	stream.strided.scatter [tilespmem:s20], [sflag:$0x6], $0xF00, s28, s26, $0x38;
	[tilespmem:$0x8A20] =	vst v63  }
0x2e: {  	_ =	swait.ge [sflag:s29], $0xF00  }
0x2f: {  	[sflag:s29] =	ssyncset.done $0x0  }
0x30: {  	[sflag:s29] =	ssyncadd.s32 $0xFFFFF100  }
0x31: {  	_ =	swait.ge [sflag:s30], $0xF00  }
0x32: {  	[sflag:s30] =	ssyncset.done $0x0  }
0x33: {  	[sflag:s30] =	ssyncadd.s32 $0xFFFFF100  }
0x34: {  	_ =	swait.ge [sflag:s31], $0xF00  }
0x35: {  	[sflag:s31] =	ssyncset.done $0x0  }
0x36: {  	[sflag:s31] =	ssyncadd.s32 $0xFFFFF100  }
0x37: {  	_ =	swait.ge [sflag:s1], $0xF00  }
0x38: {  	[sflag:s1] =	ssyncset.done $0x0  }
0x39: {  	s6 =	rddreg [dreg:$0xa];
	[sflag:s1] =	ssyncadd.s32 $0xFFFFF100  }
0x3a: {  	[hbm4b:s6+s26] =	stream.strided.scatter [tilespmem:s23], [sflag:$0x7], $0xF00, s28, s26, $0x38;
	[tilespmem:$0x8A20] =	vst v63  }
0x3b: {  	_ = 	snop  }
0x3c: {  	[hbm4b:s12+s26] =	stream.strided.scatter [tilespmem:s25], [sflag:$0x8], $0xF00, s28, s26, $0x38;
	[tilespmem:$0x8A20] =	vst v63  }
0x3d: {  	s7 =	simm.s32 $0xA0  }
0x3e: {  	[tilespmem:s19], [sflag:$0x1] =	stream.indirect.gather [hbm4b:s2+s18], $0x30, s7, s18, $0xb8;
	[tilespmem:$0x8A20] =	vst v63  }
0x3f: {  	s8 =	simm.s32 $0x27B0  }
0x40: {  	[tilespmem:s20], [sflag:$0x2] =	stream.indirect.gather [hbm4b:s2+s18], $0x30, s8, s18, $0xb8;
	[tilespmem:$0x8A20] =	vst v63  }
0x41: {  	_ =	swait.ge [sflag:s0], $0xF00  }
0x42: {  	[sflag:s0] =	ssyncset.done $0x0  }
0x43: {  	[sflag:s0] =	ssyncadd.s32 $0xFFFFF100  }
0x44: {  	_ =	swait.ge [sflag:s24], $0xF00  }
0x45: {  	[sflag:s24] =	ssyncset.done $0x0  }
0x46: {  	[sflag:s24] =	ssyncadd.s32 $0xFFFFF100  }
0x47: {  	_ =	swait.ge [sflag:s21], $0xF00  }
0x48: {  	[sflag:s21] =	ssyncset.done $0x0  }
0x49: {  	[sflag:s21] =	ssyncadd.s32 $0xFFFFF100  }
0x4a: {  	_ =	swait.ge [sflag:s22], $0xF00  }
0x4b: {  	[sflag:s22] =	ssyncset.done $0x0  }
0x4c: {  	s9 =	simm.s32 $0xF0;
	[sflag:s22] =	ssyncadd.s32 $0xFFFFF100  }
0x4d: {  	[tilespmem:s23], [sflag:$0x3] =	stream.indirect.gather [hbm4b:s2+s18], $0x30, s9, s18, $0xb8;
	[tilespmem:$0x8A20] =	vst v63  }
0x4e: {  	s10 =	simm.s32 $0x2800;
	s6 =	sadd.s32 s14, s13  }
0x4f: {  	[tilespmem:s25], [sflag:$0x4] =	stream.indirect.gather [hbm4b:s2+s18], $0x30, s10, s18, $0xb8;
	[tilespmem:$0x8A20] =	vst v63  }
0x50: {  	s11 =	sadd.s32 $0xA00, s6;
	s7 =	sadd.s32 s15, s13  }
0x51: {  	[hbm4b:s11+s26] =	stream.strided.scatter [tilespmem:s19], [sflag:$0x5], $0xF00, s28, s26, $0x38;
	[tilespmem:$0x8A20] =	vst v63  }
0x52: {  	s8 =	sadd.s32 $0xA00, s7  }
0x53: {  	[hbm4b:s8+s26] =	stream.strided.scatter [tilespmem:s20], [sflag:$0x6], $0xF00, s28, s26, $0x38;
	[tilespmem:$0x8A20] =	vst v63  }
0x54: {  	_ =	swait.ge [sflag:s29], $0xF00  }
0x55: {  	[sflag:s29] =	ssyncset.done $0x0  }
0x56: {  	[sflag:s29] =	ssyncadd.s32 $0xFFFFF100  }
0x57: {  	_ =	swait.ge [sflag:s30], $0xF00  }
0x58: {  	[sflag:s30] =	ssyncset.done $0x0  }
0x59: {  	[sflag:s30] =	ssyncadd.s32 $0xFFFFF100  }
0x5a: {  	_ =	swait.ge [sflag:s31], $0xF00  }
0x5b: {  	[sflag:s31] =	ssyncset.done $0x0  }
0x5c: {  	[sflag:s31] =	ssyncadd.s32 $0xFFFFF100  }
0x5d: {  	_ =	swait.ge [sflag:s1], $0xF00  }
0x5e: {  	[sflag:s1] =	ssyncset.done $0x0  }
0x5f: {  	s9 =	sadd.s32 $0xF00, s6;
	[sflag:s1] =	ssyncadd.s32 $0xFFFFF100  }
0x60: {  	[hbm4b:s9+s26] =	stream.strided.scatter [tilespmem:s23], [sflag:$0x7], $0xF00, s28, s26, $0x38;
	[tilespmem:$0x8A20] =	vst v63  }
0x61: {  	s5 =	simm.s32 $0x280;
	s6 =	sadd.s32 $0xA00, s14;
	s10 =	sadd.s32 $0xF00, s7  }
0x62: {  	[hbm4b:s10+s26] =	stream.strided.scatter [tilespmem:s25], [sflag:$0x8], $0xF00, s28, s26, $0x38;
	[tilespmem:$0x8A20] =	vst v63  }
0x63: {  	s7 =	sadd.s32 $0xA00, s15;
	s11 =	simm.s32 $0x140;
	s8 =	simm.s32 $0x2850  }
0x64: {  	[tilespmem:s19], [sflag:$0x1] =	stream.indirect.gather [hbm4b:s2+s18], $0x30, s11, s18, $0xb8;
	[tilespmem:$0x8A20] =	vst v63  }
.LBB2_2:
0x65: {  	[tilespmem:s20], [sflag:$0x2] =	stream.indirect.gather [hbm4b:s2+s18], $0x30, s8, s18, $0xb8;
	[tilespmem:$0x8A20] =	vst v63  }
0x66: {  	s8 =	smov.u32 s5  }
0x67: {  	p0 =	sne.s32 s5, $0x9600;
	s5 =	sadd.s32 $0x280, s5;
	_ =	swait.ge [sflag:s0], $0xF00  }
0x68: {  	[sflag:s0] =	ssyncset.done $0x0  }
0x69: {  	[sflag:s0] =	ssyncadd.s32 $0xFFFFF100  }
0x6a: {  	_ =	swait.ge [sflag:s24], $0xF00  }
0x6b: {  	[sflag:s24] =	ssyncset.done $0x0  }
0x6c: {  	[sflag:s24] =	ssyncadd.s32 $0xFFFFF100  }
0x6d: {  	_ =	swait.ge [sflag:s21], $0xF00  }
0x6e: {  	[sflag:s21] =	ssyncset.done $0x0  }
0x6f: {  	[sflag:s21] =	ssyncadd.s32 $0xFFFFF100  }
0x70: {  	_ =	swait.ge [sflag:s22], $0xF00  }
0x71: {  	s8 =	sshra.s32 s8, $0x2;
	[sflag:s22] =	ssyncset.done $0x0  }
0x72: {  	s9 =	sadd.s32 $0xF0, s8;
	[sflag:s22] =	ssyncadd.s32 $0xFFFFF100  }
0x73: {  	[tilespmem:s23], [sflag:$0x3] =	stream.indirect.gather [hbm4b:s2+s18], $0x30, s9, s18, $0xb8;
	[tilespmem:$0x8A20] =	vst v63  }
0x74: {  	s10 =	sadd.s32 s6, s13;
	s9 =	sadd.s32 $0x2800, s8  }
0x75: {  	[tilespmem:s25], [sflag:$0x4] =	stream.indirect.gather [hbm4b:s2+s18], $0x30, s9, s18, $0xb8;
	[tilespmem:$0x8A20] =	vst v63  }
0x76: {  	s11 =	sadd.s32 s7, s13;
	s9 =	sadd.s32 $0xA00, s10  }
0x77: {  	[hbm4b:s9+s26] =	stream.strided.scatter [tilespmem:s19], [sflag:$0x5], $0xF00, s28, s26, $0x38;
	[tilespmem:$0x8A20] =	vst v63  }
0x78: {  	s9 =	sadd.s32 $0xA00, s11  }
0x79: {  	[hbm4b:s9+s26] =	stream.strided.scatter [tilespmem:s20], [sflag:$0x6], $0xF00, s28, s26, $0x38;
	[tilespmem:$0x8A20] =	vst v63  }
0x7a: {  	_ =	swait.ge [sflag:s29], $0xF00  }
0x7b: {  	[sflag:s29] =	ssyncset.done $0x0  }
0x7c: {  	[sflag:s29] =	ssyncadd.s32 $0xFFFFF100  }
0x7d: {  	_ =	swait.ge [sflag:s30], $0xF00  }
0x7e: {  	[sflag:s30] =	ssyncset.done $0x0  }
0x7f: {  	[sflag:s30] =	ssyncadd.s32 $0xFFFFF100  }
0x80: {  	_ =	swait.ge [sflag:s31], $0xF00  }
0x81: {  	[sflag:s31] =	ssyncset.done $0x0  }
0x82: {  	[sflag:s31] =	ssyncadd.s32 $0xFFFFF100  }
0x83: {  	_ =	swait.ge [sflag:s1], $0xF00  }
0x84: {  	[sflag:s1] =	ssyncset.done $0x0  }
0x85: {  	s9 =	sadd.s32 $0xF00, s10;
	[sflag:s1] =	ssyncadd.s32 $0xFFFFF100  }
0x86: {  	[hbm4b:s9+s26] =	stream.strided.scatter [tilespmem:s23], [sflag:$0x7], $0xF00, s28, s26, $0x38;
	[tilespmem:$0x8A20] =	vst v63  }
.Ltmp0:
0x87: {  	s9 =	sadd.s32 $0xF00, s11;
	(pc) =	sbr.rel @p0 .LBB2_2-.Ltmp0, $4  }
0x88: {  	[hbm4b:s9+s26] =	stream.strided.scatter [tilespmem:s25], [sflag:$0x8], $0xF00, s28, s26, $0x38;
	[tilespmem:$0x8A20] =	vst v63  }
0x89: {  	s9 =	sadd.s32 $0x140, s8  }
0x8a: {  	[tilespmem:s19], [sflag:$0x1] =	stream.indirect.gather [hbm4b:s2+s18], $0x30, s9, s18, $0xb8;
	[tilespmem:$0x8A20] =	vst v63  }
0x8b: {  	s6 =	sadd.s32 $0xA00, s6;
	s7 =	sadd.s32 $0xA00, s7;
	s8 =	sadd.s32 $0x2850, s8  }
0x8c: {  	[tilespmem:s20], [sflag:$0x2] =	stream.indirect.gather [hbm4b:s2+s18], $0x30, s8, s18, $0xb8;
	[tilespmem:$0x8A20] =	vst v63  }
0x8d: {  	_ =	swait.ge [sflag:s0], $0xF00  }
0x8e: {  	[sflag:s0] =	ssyncset.done $0x0  }
0x8f: {  	[sflag:s0] =	ssyncadd.s32 $0xFFFFF100  }
0x90: {  	_ =	swait.ge [sflag:s24], $0xF00  }
0x91: {  	[sflag:s24] =	ssyncset.done $0x0  }
0x92: {  	[sflag:s24] =	ssyncadd.s32 $0xFFFFF100  }
0x93: {  	_ =	swait.ge [sflag:s21], $0xF00  }
0x94: {  	[sflag:s21] =	ssyncset.done $0x0  }
0x95: {  	[sflag:s21] =	ssyncadd.s32 $0xFFFFF100  }
0x96: {  	_ =	swait.ge [sflag:s22], $0xF00  }
0x97: {  	[sflag:s22] =	ssyncset.done $0x0  }
0x98: {  	s5 =	rddreg [dreg:$0x5];
	[sflag:s22] =	ssyncadd.s32 $0xFFFFF100  }
0x99: {  	[hbm4b:s5+s26] =	stream.strided.scatter [tilespmem:s19], [sflag:$0x5], $0xF00, s28, s26, $0x38;
	[tilespmem:$0x8A20] =	vst v63  }
0x9a: {  	s10 =	rddreg [dreg:$0x6]  }
0x9b: {  	[hbm4b:s10+s26] =	stream.strided.scatter [tilespmem:s20], [sflag:$0x6], $0xF00, s28, s26, $0x38;
	[tilespmem:$0x8A20] =	vst v63  }
0x9c: {  	_ =	swait.ge [sflag:s31], $0xF00  }
0x9d: {  	[sflag:s31] =	ssyncset.done $0x0  }
0x9e: {  	[sflag:s31] =	ssyncadd.s32 $0xFFFFF100  }
0x9f: {  	_ =	swait.ge [sflag:s1], $0xF00  }
0xa0: {  	s4 =	sadd.s32 $0x1, s4;
	s11 =	rddreg [dreg:$0x7]  }
0xa1: {  	p0 =	sne.s32 s4, s11  }
.Ltmp1:
0xa2: {  	_ = 	snop;
	(pc) =	sbr.rel @p0 .LBB2_1-.Ltmp1, $3  }
0xa3: {  	_ =	sdelay $0x1  }
0xa4: {  	[sflag:s1] =	ssyncset.done $0x0  }
0xa5: {  	[sflag:s1] =	ssyncadd.s32 $0xFFFFF100  }
0xa6: {  	_ =	sfence.sel $0x180000  }
0xa7: {  	[bflag:$0x0] =	sbarrier.arrive $0xFFFF  }
0xa8: {  	_ =	strace $0x9000004D  }
0xa9: {  	s0 =	stileid.u32;
	[bflag:$0x2] =	sbarrier.arrive $0xFFFF  }
0xaa: {  	p0 =	sne.s32 s0, $0x0;
	s0 =	rddreg [dreg:$0x2]  }
0xab: {  	s0 =	sadd.s32 @!p0 $0x100000, s0  }
0xac: {  	[sflag:s0] =	ssyncadd.tile.s32 @!p0 $0x1;
	_ =	shalt  }
.Lfunc_end2:
_tile_overlayer_lowered:
.L_overlay_start_2:
0xad: {  	(tag) =	ssettag $0x2  }
0xae: {  	s0 =	rddreg [dreg:$0x0];
	s2 =	stileid.u32  }
0xaf: {  	s1 =	rddreg [dreg:$0x1];
	p0 =	sne.s32 s2, $0x0  }
0xb0: {  	s3 =	rddreg [dreg:$0x2];
	[bflag:$0x3] =	sbarrier.arrive $0xFFFF;
	s2 =	simm.s32 @!p0 $0x1C09  }
0xb1: {  	[timem:s3], [sflag:s2] =	dma.local @!p0 [hbm:s0], s1  }
0xb2: {  	s0 =	simm.s32 @!p0 $0x9  }
0xb3: {  	_ =	swait.ge @!p0 [sflag:s0], s1  }
0xb4: {  	s1 =	ssub.s32 @!p0 $0x0, s1;
	[sflag:s0] =	ssyncset.done @!p0 $0x0  }
0xb5: {  	[sflag:s0] =	ssyncadd.s32 @!p0 s1  }
0xb6: {  	[bflag:$0x3] =	sbarrier.arrive $0xFFFF  }
0xb7: {  	_ =	shalt  }

// kernel: kernel.23.cloned.1.call-start
scs
__scs_entry_jumppad:
0x0: {  	(pc) =	sbr.rel $0x88, $3  }
0x1: {  	(tag) =	ssettag $0x0;
	lr =	simm.s32 $0x1  }
0x2: {  	[smem:$0x3F7A] =	sst lr;
	_ =	strace $0xD0000000  }
0x3: {  	_ = 	snop  }
0x4: {  	_ = 	snop  }
0x5: {  	_ = 	snop  }
0x6: {  	_ = 	snop  }
0x7: {  	_ = 	snop  }
__scs_overlays_trampoline_lowered:
0x8: {  	[smem:$0x3F89] =	sst s0  }
0x9: {  	[smem:$0x3F8A] =	sst s1  }
0xa: {  	[smem:$0x3F8B] =	sst s2  }
0xb: {  	[smem:$0x3F8C] =	sst s3  }
0xc: {  	[smem:$0x3F8D] =	sst s4  }
0xd: {  	[smem:$0x3F8E] =	sst s5  }
0xe: {  	[smem:$0x3F8F] =	sst s6  }
0xf: {  	[smem:$0x3F90] =	sst s7  }
0x10: {  	[smem:$0x3F91] =	sst s8  }
0x11: {  	[smem:$0x3F92] =	sst s9;
	s0 =	simm.s32 @!p0 $0x0  }
0x12: {  	s1 =	sld [smem:$0x3F78];
	s0 =	simm.s32 @p0 $0x1  }
0x13: {  	[smem:$0x3F93] =	sst s0;
	s0 =	simm.s32 @!p1 $0x0  }
0x14: {  	s2 =	sld [smem:$0x3F77];
	s0 =	simm.s32 @p1 $0x1  }
0x15: {  	[smem:$0x3F94] =	sst s0;
	s0 =	simm.s32 @!p2 $0x0  }
0x16: {  	s3 =	sld [smem:$0x3FDB];
	s0 =	simm.s32 @p2 $0x1  }
0x17: {  	s4 =	simm.s32 $0x1BF5;
	[smem:$0x3F96] =	sst s0  }
0x18: {  	s0 =	sld [smem:$0x3F79];
	_ =	swait.ge [sflag:s4], $0x0  }
0x19: {  	s7 =	sld [smem:$0x3F7A]  }
0x1a: {  	s8 =	sadd.s32 $0xFFFFE003, lr  }
0x1b: {  	s9 =	sadd.s32 $0xFFFFFEF7, lr;
	s5 =	simm.s32 $0xFFFFFFFF;
	p2 =	slt.u32 s8, $0xFFFFF086  }
0x1c: {  	p1 =	slt.u32 s9, $0xF7A;
	s5 =	simm.s32 @!p2 $0x0  }
0x1d: {  	s5 =	simm.s32 @p1 $0x1;
	p0 =	seq.s32 s7, s2  }
0x1e: {  	s7 =	smul.u32 @!p0 $0xF7A, s2;
	p2 =	seq.s32 @!p0 s5, $0x0  }
0x1f: {  	s9 =	smul.u32 $0xF7A, s1;
	s8 =	simm.s32 @!p0 $0x1BF5;
	p2 =	por !p2, p0  }
0x20: {  	[sflag:s8] =	ssyncset.s32 @!p0 $0xFFFFF086;
	s6 =	sadd.s32 @!p0 s3, s7;
	s7 =	simm.s32 @!p0 $0x108  }
0x21: {  	s3 =	sadd.s32 s3, s9;
	s6 =	sadd.s32 @!p0 $0x88, s6;
	s7 =	simm.s32 @p2 $0x1082  }
0x22: {  	[simem:s7], [sflag:s8] =	dma.local @!p0 [hbm:s6], $0xF7A  }
0x23: {  	s9 =	sor.u32 $0xD0000000, s2;
	s6 =	simm.s32 $0x108;
	_ =	swait.ge @!p0 [sflag:s8], $0x0  }
0x24: {  	s3 =	sadd.s32 $0x88, s3;
	s6 =	simm.s32 @!p1 $0x1082;
	[sflag:s4] =	ssyncset.s32 $0xFFFFF086  }
0x25: {  	[simem:s6], [sflag:s4] =	dma.local [hbm:s3], $0xF7A  }
0x26: {  	[smem:$0x3F7A] =	sst s1;
	(tag) =	ssettag s2;
	_ =	strace s9  }
0x27: {  	s1 =	sld [smem:$0x3F8A]  }
0x28: {  	s2 =	sld [smem:$0x3F8B]  }
0x29: {  	s4 =	sld [smem:$0x3F8D]  }
0x2a: {  	p0 =	seq.s32 s5, $0x0;
	s5 =	sld [smem:$0x3F8E]  }
0x2b: {  	s6 =	sld [smem:$0x3F8F]  }
0x2c: {  	s7 =	sld [smem:$0x3F90]  }
0x2d: {  	s3 =	simm.s32 $0x108;
	s8 =	sld [smem:$0x3F91]  }
0x2e: {  	s3 =	simm.s32 @!p0 $0x1082;
	s9 =	sld [smem:$0x3F92]  }
0x2f: {  	lr =	sadd.s32 s0, s3;
	s0 =	sld [smem:$0x3F89]  }
0x30: {  	s3 =	sld [smem:$0x3F8C]  }
0x31: {  	[smem:$0x3F95] =	sst s10  }
0x32: {  	s10 =	sld [smem:$0x3F93];
	_ =	sdelay $0x3  }
0x33: {  	p0 =	seq.s32 s10, $0x1;
	s10 =	sld [smem:$0x3F95];
	_ =	sdelay $0x3  }
0x34: {  	[smem:$0x3F95] =	sst s10  }
0x35: {  	s10 =	sld [smem:$0x3F94];
	_ =	sdelay $0x3  }
0x36: {  	p1 =	seq.s32 s10, $0x1;
	s10 =	sld [smem:$0x3F95];
	_ =	sdelay $0x3  }
0x37: {  	[smem:$0x3F95] =	sst s10  }
0x38: {  	s10 =	sld [smem:$0x3F96]  }
0x39: {  	_ = 	snop;
	(pc) =	sbr.ind lr, $3  }
0x3a: {  	_ = 	snop  }
0x3b: {  	_ = 	snop  }
0x3c: {  	p2 =	seq.s32 s10, $0x1;
	s10 =	sld [smem:$0x3F95]  }
0x3d: {  	_ =	shalt  }
0x3e: {  	_ =	shalt  }
0x3f: {  	_ =	shalt  }
0x40: {  	_ =	shalt  }
0x41: {  	_ =	shalt  }
0x42: {  	_ =	shalt  }
0x43: {  	_ =	shalt  }
0x44: {  	_ =	shalt  }
0x45: {  	_ =	shalt  }
0x46: {  	_ =	shalt  }
0x47: {  	_ =	shalt  }
0x48: {  	_ =	shalt  }
0x49: {  	_ =	shalt  }
0x4a: {  	_ =	shalt  }
0x4b: {  	_ =	shalt  }
0x4c: {  	_ =	shalt  }
0x4d: {  	_ =	shalt  }
0x4e: {  	_ =	shalt  }
0x4f: {  	_ =	shalt  }
0x50: {  	_ =	shalt  }
0x51: {  	_ =	shalt  }
0x52: {  	_ =	shalt  }
0x53: {  	_ =	shalt  }
0x54: {  	_ =	shalt  }
0x55: {  	_ =	shalt  }
0x56: {  	_ =	shalt  }
0x57: {  	_ =	shalt  }
0x58: {  	_ =	shalt  }
0x59: {  	_ =	shalt  }
0x5a: {  	_ =	shalt  }
0x5b: {  	_ =	shalt  }
0x5c: {  	_ =	shalt  }
0x5d: {  	_ =	shalt  }
0x5e: {  	_ =	shalt  }
0x5f: {  	_ =	shalt  }
0x60: {  	_ =	shalt  }
0x61: {  	_ =	shalt  }
0x62: {  	_ =	shalt  }
0x63: {  	_ =	shalt  }
0x64: {  	_ =	shalt  }
0x65: {  	_ =	shalt  }
0x66: {  	_ =	shalt  }
0x67: {  	_ =	shalt  }
0x68: {  	_ =	shalt  }
0x69: {  	_ =	shalt  }
0x6a: {  	_ =	shalt  }
0x6b: {  	_ =	shalt  }
0x6c: {  	_ =	shalt  }
0x6d: {  	_ =	shalt  }
0x6e: {  	_ =	shalt  }
0x6f: {  	_ =	shalt  }
0x70: {  	_ =	shalt  }
0x71: {  	_ =	shalt  }
0x72: {  	_ =	shalt  }
0x73: {  	_ =	shalt  }
0x74: {  	_ =	shalt  }
0x75: {  	_ =	shalt  }
0x76: {  	_ =	shalt  }
0x77: {  	_ =	shalt  }
0x78: {  	_ =	shalt  }
0x79: {  	_ =	shalt  }
0x7a: {  	_ =	shalt  }
0x7b: {  	_ =	shalt  }
0x7c: {  	_ =	shalt  }
0x7d: {  	_ =	shalt  }
0x7e: {  	_ =	shalt  }
0x7f: {  	_ =	shalt  }
0x80: {  	_ =	shalt  }
0x81: {  	_ =	shalt  }
0x82: {  	_ =	shalt  }
0x83: {  	_ =	shalt  }
0x84: {  	_ =	shalt  }
0x85: {  	_ =	shalt  }
0x86: {  	_ =	shalt  }
0x87: {  	_ =	shalt  }
.Lfunc_end0:
.L_simem_size_0:
called_computation.3_lowered:
.L_overlay_start_0:
0x88: {  	s2 =	sld [smem:$0x3FD9]  }
0x89: {  	s3 =	sld [smem:$0x3FFE];
	_ =	sdelay $0x1  }
0x8a: {  	s1 =	srdreg.scid  }
0x8b: {  	s0 =	sand.u32 $0x1, s1  }
0x8c: {  	s17 =	sshll.u32 s0, $0xA;
	s2 =	sadd.s32 s3, s2  }
0x8d: {  	s2 =	sadd.s32 s2, s17  }
0x8e: {  	[smem:$0x3FA1] =	sst s2  }
0x8f: {  	_ = 	snop  }
0x90: {  	s2 =	sld [smem:$0x3FD0];
	(tm) =	ssettm $0x1  }
0x91: {  	s18 =	sld [smem:$0x3FFB];
	_ =	sdelay $0x3  }
0x92: {  	_ =	strace s18  }
0x93: {  	s3 =	sld [smem:$0x3FFC];
	_ =	sdelay $0x3  }
0x94: {  	_ =	strace s3  }
0x95: {  	s3 =	sld [smem:$0x3FFD];
	_ =	sdelay $0x3  }
0x96: {  	_ =	strace s3  }
0x97: {  	_ =	strace $0x8FFFFFFF  }
0x98: {  	s19 =	sld [smem:$0x3FDB];
	_ =	sdelay $0x1  }
0x99: {  	s4 =	simm.s32 $_scs_section_size  }
0x9a: {  	s5 =	simm.s32 $_size__tile_overlayer_lowered;
	s6 =	simm.s32 $_tile_overlayer_lowered  }
0x9b: {  	s22 =	simm.s32 $0x1BFF;
	s21 =	sshll.u32 s6, $0x1;
	s3 =	sadd.s32 s4, s19  }
0x9c: {  	s7 =	simm.s32 $0x0;
	s20 =	sshll.u32 s5, $0x1;
	s5 =	sadd.s32 s21, s3  }
0x9d: {  	[timem:s7], [sflag:s22] =	dma.local [hbm:s5], s20  }
0x9e: {  	_ =	swait.ge [sflag:s22], s20  }
0x9f: {  	s4 =	ssub.s32 $0x0, s20;
	[sflag:s22] =	ssyncset.done $0x0  }
0xa0: {  	[sflag:s22] =	ssyncadd.s32 s4;
	_ =	sdelay $0x1  }
0xa1: {  	s23 =	simm.s32 $0x1B8B  }
0xa2: {  	_ =	swait.ge [sflag:s23], $0x1  }
0xa3: {  	[sflag:s23] =	ssyncset.done $0x0  }
0xa4: {  	s25 =	simm.s32 $0x1B8E;
	s24 =	sld [smem:$0x3FFE];
	[sflag:s23] =	ssyncadd.s32 $0xFFFFFFFF  }
0xa5: {  	s26 =	simm.s32 $execute0_lowered;
	[smem:$0x3FD2] =	sst s25  }
0xa6: {  	s5 =	sshll.u32 s26, $0x1;
	_ =	strace $0x8000004F;
	[dreg:$0x1] =	wrdreg $0xFFFFFFFF  }
0xa7: {  	s28 =	simm.s32 $_size_execute0_lowered;
	s3 =	sadd.s32 s3, s5;
	[dreg:$0x0] =	wrdreg $0x0  }
0xa8: {  	s5 =	sshll.u32 s28, $0x1;
	[dreg:$0x2] =	wrdreg s3  }
0xa9: {  	[dreg:$0x3] =	wrdreg s5  }
0xaa: {  	[dreg:$0x4] =	wrdreg $0xC0  }
0xab: {  	_ =	task [dreg:s7], $0x5FFFF  }
0xac: {  	[dreg:$0x1] =	wrdreg $0xFFFFFFFF  }
0xad: {  	[dreg:$0x0] =	wrdreg $0x60  }
0xae: {  	[dreg:$0x2] =	wrdreg s24  }
0xaf: {  	[dreg:$0x3] =	wrdreg s2  }
0xb0: {  	[dreg:$0x4] =	wrdreg $0x0  }
0xb1: {  	[dreg:$0x5] =	wrdreg $0x9  }
0xb2: {  	_ =	task.clear_ibuf [dreg:s7], $0x6FFFF;
	_ =	strace $0x9000004F  }
0xb3: {  	s29 =	simm.s32 $0x9;
	_ =	strace $0x80000051  }
0xb4: {  	_ =	swait.ge [sflag:s29], $0x1  }
0xb5: {  	[sflag:s29] =	ssyncadd.s32 $0xFFFFFFFF  }
0xb6: {  	_ =	strace $0x90000051  }
0xb7: {  	_ =	sfence  }
0xb8: {  	s30 =	sld [smem:$0x0];
	_ =	sdelay $0x2  }
0xb9: {  	s31 =	sshll.u32 s1, $0xD;
	s1 =	sshrl.u32 s1, $0x2  }
0xba: {  	s3 =	sand.u32 $0x4000, s31;
	s1 =	sadd.s32 s1, s30  }
0xbb: {  	s0 =	sor.u32 s3, s0;
	s1 =	sshll.u32 s1, $0x11  }
0xbc: {  	s0 =	sor.u32 s1, s0  }
0xbd: {  	s0 =	sadd.s32 $0x8F2B, s0  }
0xbe: {  	[sflag:s0] =	ssyncadd.remote.s32 $0x1  }
0xbf: {  	_ =	sfence.sel $0xFFFF  }
0xc0: {  	[dreg:$0x0] =	wrdreg $0xFFFFFFFF;
	(pc) =	sbr.abs _section_cstart, $3  }
0xc1: {  	[dreg:$0x1] =	wrdreg $0xFFFFFFFF  }
0xc2: {  	_ =	task.clear_ibuf [dreg:s7], $0x2FFFF;
	_ =	strace $0x9FFFFFFF  }
0xc3: {  	(tm) =	ssettm $0x7FFFFFFF  }
tec
execute0_lowered:
.L_overlay_start_1:
0x0: {  	(tag) =	ssettag $0x1  }
0x1: {  	s0 =	rddreg [dreg:$0x0]  }
0x2: {  	s2 =	rddreg [dreg:$0x1]  }
0x3: {  	s1 =	rddreg [dreg:$0x2]  }
0x4: {  	s3 =	srdreg.scid;
	s13 =	stileid.u32  }
0x5: {  	s4 =	simm.s32 $0x0;
	s17 =	simm.s32 $0x7530;
	s28 =	simm.s32 $0x4  }
0x6: {  	s30 =	simm.s32 $0x0;
	s9 =	sand.u32 $0x1, s3;
	s18 =	sshll.u32 s13, $0x1  }
0x7: {  	[smem:$0x7FF] =	sst s4;
	s8 =	smul.u32 $0x7500, s13;
	s11 =	sadd.s32 $0xACD800, s0  }
0x8: {  	s22 =	sshll.u32 s13, $0x6;
	s16 =	sadd.s32 $0x75000, s1;
	s25 =	smul.u32 $0x4E200, s13  }
0x9: {  	p0 =	sne.s32 s13, $0x0;
	s3 =	sor.u32 s9, s18;
	_ =	strace $0x80000050  }
0xa: {  	s6 =	ssub.s32 $0x2, s9;
	s15 =	smul.u32 $0x75300, s9;
	s4 =	sor.u32 $0x1C05, s22  }
0xb: {  	s29 =	smul.u32 $0x27100, s9;
	s16 =	sshrl.u32 @!p0 s16, $0x3;
	s18 =	simm.s32 $0x30  }
0xc: {  	s22 =	simm.s32 $0x50;
	s19 =	smul.u32 $0x4E2, s3;
	s5 =	sshrl.u32 s8, $0x3  }
0xd: {  	s21 =	sshrl.u32 s6, $0x1;
	s14 =	sadd.s32 s8, s1;
	s12 =	smul.u32 $0x27100, s3  }
0xe: {  	s31 =	sadd.s32 s25, s11;
	s20 =	sadd.s32 s5, s0;
	s10 =	ssub.s32 s6, s21  }
0xf: {  	s5 =	sadd.s32 $0x4FA00, s0;
	s23 =	sadd.s32 s8, s15;
	s24 =	sshrl.u32 s15, $0x3  }
0x10: {  	s14 =	sshrl.u32 s14, $0x3;
	s15 =	simm.s32 $0x5;
	s21 =	simm.s32 $0x1  }
0x11: {  	s7 =	sadd.s32 s19, s0;
	s3 =	sadd.s32 $0x41000, s20;
	s0 =	sshrl.u32 s23, $0x3  }
0x12: {  	s26 =	sadd.s32 s2, s24;
	s10 =	smax.u32 s10, $0x1;
	s19 =	simm.s32 $0x80  }
0x13: {  	s20 =	simm.s32 $0x9C40;
	s23 =	simm.s32 $0xAB40;
	s24 =	simm.s32 $0x2  }
0x14: {  	s6 =	sadd.s32 $0xF800, s7;
	s7 =	sadd.s32 s11, s12;
	s8 =	sadd.s32 s2, s0  }
0x15: {  	s9 =	sadd.s32 $0xEA00, s26;
	s0 =	sadd.s32 s29, s31;
	s26 =	simm.s32 $0x3  }
0x16: {  	s11 =	sadd.s32 $0x500, s7;
	s12 =	sadd.s32 $0xA00, s7;
	s2 =	sadd.s32 $0x1400, s0  }
.LBB2_1:
0x17: {  	[spmem:s14], [sflag:s4] =	dma.local [hbm:s3], $0xEA0  }
0x18: {  	_ =	swait.ge [sflag:s15], $0xEA0  }
0x19: {  	[sflag:s15] =	ssyncset.done $0x0  }
0x1a: {  	s0 =	simm.s32 @!p0 $0x5;
	[sflag:s15] =	ssyncadd.s32 $0xFFFFF160  }
0x1b: {  	[spmem:s16], [sflag:s4] =	dma.local @!p0 [hbm:s5], $0x60  }
0x1c: {  	_ =	swait.ge @!p0 [sflag:s0], $0x60  }
0x1d: {  	[sflag:s0] =	ssyncset.done @!p0 $0x0  }
0x1e: {  	s25 =	simm.s32 $0x0;
	[sflag:s0] =	ssyncadd.s32 @!p0 $0xFFFFFFA0  }
0x1f: {  	[tilespmem:s17], [sflag:$0x5] =	stream.linear.gather [hbm4b:s6+s25], $0x2710, $0x38;
	[tilespmem:$0xBA40] =	vst v63  }
0x20: {  	_ =	swait.ge [sflag:s15], $0x2710  }
0x21: {  	[sflag:s15] =	ssyncset.done $0x0  }
0x22: {  	[sflag:s15] =	ssyncadd.s32 $0xFFFFD8F0  }
0x23: {  	[bflag:$0x0] =	sbarrier.arrive $0xFFFF  }
0x24: {  	[tilespmem:s20], [sflag:$0x1] =	stream.strided.gather [hbm4b:s7+s18], $0xF00, s19, s18, $0x38;
	[tilespmem:$0xBA40] =	vst v63  }
0x25: {  	_ =	swait.ge [sflag:s21], $0xF00  }
0x26: {  	[sflag:s21] =	ssyncset.done $0x0  }
0x27: {  	[sflag:s21] =	ssyncadd.s32 $0xFFFFF100  }
0x28: {  	[spmem:s1] =	stream.indirect.scatter.add.f32 [tilespmem:s20], [sflag:$0x3], $0x30, s17, s22, $0xb8;
	[tilespmem:$0xBA40] =	vst v63  }
0x29: {  	_ = 	snop  }
0x2a: {  	[tilespmem:s23], [sflag:$0x2] =	stream.strided.gather [hbm4b:s11+s18], $0xF00, s19, s18, $0x38;
	[tilespmem:$0xBA40] =	vst v63  }
0x2b: {  	_ =	swait.ge [sflag:s24], $0xF00  }
0x2c: {  	[sflag:s24] =	ssyncset.done $0x0  }
0x2d: {  	s29 =	simm.s32 $0x7580;
	[sflag:s24] =	ssyncadd.s32 $0xFFFFF100  }
0x2e: {  	[spmem:s1] =	stream.indirect.scatter.add.f32 [tilespmem:s23], [sflag:$0x4], $0x30, s29, s22, $0xb8;
	[tilespmem:$0xBA40] =	vst v63  }
0x2f: {  	_ =	swait.ge [sflag:s26], $0xF00  }
0x30: {  	[sflag:s26] =	ssyncset.done $0x0  }
0x31: {  	[sflag:s26] =	ssyncadd.s32 $0xFFFFF100  }
0x32: {  	[tilespmem:s20], [sflag:$0x1] =	stream.strided.gather [hbm4b:s12+s18], $0xF00, s19, s18, $0x38;
	[tilespmem:$0xBA40] =	vst v63  }
0x33: {  	_ =	swait.ge [sflag:s21], $0xF00  }
0x34: {  	[sflag:s21] =	ssyncset.done $0x0  }
0x35: {  	s13 =	simm.s32 $0x75D0;
	[sflag:s21] =	ssyncadd.s32 $0xFFFFF100  }
0x36: {  	[spmem:s1] =	stream.indirect.scatter.add.f32 [tilespmem:s20], [sflag:$0x3], $0x30, s13, s22, $0xb8;
	[tilespmem:$0xBA40] =	vst v63  }
0x37: {  	_ =	swait.ge [sflag:s28], $0xF00  }
0x38: {  	[sflag:s28] =	ssyncset.done $0x0  }
0x39: {  	s25 =	sadd.s32 $0xFFFFFB00, s2;
	[sflag:s28] =	ssyncadd.s32 $0xFFFFF100  }
0x3a: {  	[tilespmem:s23], [sflag:$0x2] =	stream.strided.gather [hbm4b:s25+s18], $0xF00, s19, s18, $0x38;
	[tilespmem:$0xBA40] =	vst v63  }
0x3b: {  	_ =	swait.ge [sflag:s24], $0xF00  }
0x3c: {  	[sflag:s24] =	ssyncset.done $0x0  }
0x3d: {  	s29 =	simm.s32 $0x7620;
	[sflag:s24] =	ssyncadd.s32 $0xFFFFF100  }
0x3e: {  	[spmem:s1] =	stream.indirect.scatter.add.f32 [tilespmem:s23], [sflag:$0x4], $0x30, s29, s22, $0xb8;
	[tilespmem:$0xBA40] =	vst v63  }
0x3f: {  	_ =	swait.ge [sflag:s26], $0xF00  }
0x40: {  	s31 =	simm.s32 $0x280;
	[sflag:s26] =	ssyncset.done $0x0  }
0x41: {  	s0 =	sadd.s32 $0xA00, s2;
	s13 =	smov.u32 s2;
	[sflag:s26] =	ssyncadd.s32 $0xFFFFF100  }
.LBB2_2:
0x42: {  	[tilespmem:s20], [sflag:$0x1] =	stream.strided.gather [hbm4b:s13+s18], $0xF00, s19, s18, $0x38;
	[tilespmem:$0xBA40] =	vst v63  }
0x43: {  	s25 =	smov.u32 s31;
	s13 =	smov.u32 s0  }
0x44: {  	p1 =	sne.s32 s31, $0x9600;
	s31 =	sadd.s32 $0x280, s31;
	_ =	swait.ge [sflag:s21], $0xF00  }
0x45: {  	s25 =	sshra.s32 s25, $0x2;
	[sflag:s21] =	ssyncset.done $0x0  }
0x46: {  	s29 =	sadd.s32 $0x75D0, s25;
	[sflag:s21] =	ssyncadd.s32 $0xFFFFF100  }
0x47: {  	[spmem:s1] =	stream.indirect.scatter.add.f32 [tilespmem:s20], [sflag:$0x3], $0x30, s29, s22, $0xb8;
	[tilespmem:$0xBA40] =	vst v63  }
0x48: {  	_ =	swait.ge [sflag:s28], $0xF00  }
0x49: {  	[sflag:s28] =	ssyncset.done $0x0  }
0x4a: {  	s29 =	sadd.s32 $0xFFFFFB00, s0;
	[sflag:s28] =	ssyncadd.s32 $0xFFFFF100  }
0x4b: {  	[tilespmem:s23], [sflag:$0x2] =	stream.strided.gather [hbm4b:s29+s18], $0xF00, s19, s18, $0x38;
	[tilespmem:$0xBA40] =	vst v63  }
0x4c: {  	_ =	swait.ge [sflag:s24], $0xF00  }
0x4d: {  	[sflag:s24] =	ssyncset.done $0x0  }
.Ltmp0:
0x4e: {  	s25 =	sadd.s32 $0x7620, s25;
	[sflag:s24] =	ssyncadd.s32 $0xFFFFF100;
	(pc) =	sbr.rel @p1 .LBB2_2-.Ltmp0, $4  }
0x4f: {  	[spmem:s1] =	stream.indirect.scatter.add.f32 [tilespmem:s23], [sflag:$0x4], $0x30, s25, s22, $0xb8;
	[tilespmem:$0xBA40] =	vst v63  }
0x50: {  	_ =	swait.ge [sflag:s26], $0xF00  }
0x51: {  	[sflag:s26] =	ssyncset.done $0x0  }
0x52: {  	s0 =	sadd.s32 $0xA00, s0;
	[sflag:s26] =	ssyncadd.s32 $0xFFFFF100  }
0x53: {  	[tilespmem:s20], [sflag:$0x1] =	stream.strided.gather [hbm4b:s13+s18], $0xF00, s19, s18, $0x38;
	[tilespmem:$0xBA40] =	vst v63  }
0x54: {  	_ =	swait.ge [sflag:s21], $0xF00  }
0x55: {  	[sflag:s21] =	ssyncset.done $0x0  }
0x56: {  	[sflag:s21] =	ssyncadd.s32 $0xFFFFF100  }
0x57: {  	_ =	swait.ge [sflag:s28], $0xF00  }
0x58: {  	[sflag:s28] =	ssyncset.done $0x0  }
0x59: {  	s0 =	simm.s32 $0x9BF0;
	[sflag:s28] =	ssyncadd.s32 $0xFFFFF100  }
0x5a: {  	[spmem:s1] =	stream.indirect.scatter.add.f32 [tilespmem:s20], [sflag:$0x3], $0x30, s0, s22, $0xb8;
	[tilespmem:$0xBA40] =	vst v63  }
0x5b: {  	_ =	swait.ge [sflag:s26], $0xF00  }
0x5c: {  	[sflag:s26] =	ssyncset.done $0x0  }
0x5d: {  	[sflag:s26] =	ssyncadd.s32 $0xFFFFF100  }
0x5e: {  	[bflag:$0x0] =	sbarrier.arrive $0xFFFF  }
0x5f: {  	[hbm:s8], [sflag:s4] =	dma.local [spmem:s14], $0xEA0  }
0x60: {  	s30 =	sadd.s32 $0x1, s30;
	_ =	swait.ge [sflag:s15], $0xEA0  }
0x61: {  	p1 =	sne.s32 s30, s10;
	[sflag:s15] =	ssyncset.done $0x0  }
.Ltmp1:
0x62: {  	s0 =	simm.s32 @!p0 $0x5;
	[sflag:s15] =	ssyncadd.s32 $0xFFFFF160;
	(pc) =	sbr.rel @p1 .LBB2_1-.Ltmp1, $4  }
0x63: {  	[hbm:s9], [sflag:s4] =	dma.local @!p0 [spmem:s16], $0x60  }
0x64: {  	_ =	swait.ge @!p0 [sflag:s0], $0x60  }
0x65: {  	[sflag:s0] =	ssyncset.done @!p0 $0x0  }
0x66: {  	[sflag:s0] =	ssyncadd.s32 @!p0 $0xFFFFFFA0  }
0x67: {  	_ =	sfence.sel $0x180000  }
0x68: {  	[bflag:$0x0] =	sbarrier.arrive $0xFFFF  }
0x69: {  	_ =	strace $0x90000050  }
0x6a: {  	[bflag:$0x2] =	sbarrier.arrive $0xFFFF  }
0x6b: {  	s0 =	rddreg [dreg:$0x3]  }
0x6c: {  	s0 =	sadd.s32 @!p0 $0x100000, s0  }
0x6d: {  	[sflag:s0] =	ssyncadd.tile.s32 @!p0 $0x1;
	_ =	shalt  }
.Lfunc_end2:
_tile_overlayer_lowered:
.L_overlay_start_2:
0x6e: {  	(tag) =	ssettag $0x2  }
0x6f: {  	s0 =	rddreg [dreg:$0x0];
	s2 =	stileid.u32  }
0x70: {  	s1 =	rddreg [dreg:$0x1];
	p0 =	sne.s32 s2, $0x0  }
0x71: {  	s3 =	rddreg [dreg:$0x2];
	[bflag:$0x3] =	sbarrier.arrive $0xFFFF;
	s2 =	simm.s32 @!p0 $0x1C05  }
0x72: {  	[timem:s3], [sflag:s2] =	dma.local @!p0 [hbm:s0], s1  }
0x73: {  	s0 =	simm.s32 @!p0 $0x5  }
0x74: {  	_ =	swait.ge @!p0 [sflag:s0], s1  }
0x75: {  	s1 =	ssub.s32 @!p0 $0x0, s1;
	[sflag:s0] =	ssyncset.done @!p0 $0x0  }
0x76: {  	[sflag:s0] =	ssyncadd.s32 @!p0 s1  }
0x77: {  	[bflag:$0x3] =	sbarrier.arrive $0xFFFF  }
0x78: {  	_ =	shalt  }

</sc_bundles>
